<compile_context>
chip_gen: v7x
topology: tpu7x:2x2x1
jax: 0.10.2.dev20260603
libtpu: 0.0.44.dev20260713+nightly
codegen_flags: <defaults>
</compile_context>

<pallas_src>
import functools

import jax
import jax.numpy as jnp
from jax import lax
from jax.experimental import pallas as pl
from jax.experimental.pallas import tpu as pltpu
from jax.experimental.pallas import tpu_sc as plsc

N = 10000
E = 320000
D = 128
B = 32
C = 2

NSUB = 16
NPAD = 10240
SLAB = NPAD // NSUB
CHUNK = 128
CH = 160
IG = 8
NG = CH // IG
EPAD = NSUB * CH * CHUNK

_mesh = plsc.VectorSubcoreMesh(core_axis_name="c", subcore_axis_name="s")


def _fill(buf, val):
    def row(i, carry):
        def col(k, carry2):
            buf[i, pl.ds(pl.multiple_of(k * 16, 16), 16)] = jnp.full(
                (16,), val, jnp.float32)
            return carry2
        return lax.fori_loop(0, D // 16, col, carry)
    lax.fori_loop(0, CHUNK, row, 0)


def _zero_slab(buf, acc_sh, r0):
    for t in range(SLAB // CHUNK):
        pltpu.sync_copy(buf, acc_sh.at[pl.ds(r0 + t * CHUNK, CHUNK)])


def _agg_loop(h_hbm, src_hbm, dst_hbm, acc_sh, src_v, dst_v, buf_a, buf_b,
              semg_a, semg_b, sems_a, sems_b, c, s):
    bufs = (buf_a, buf_b)
    semg = (semg_a, semg_b)
    sems = (sems_a, sems_b)
    pltpu.sync_copy(src_hbm.at[c, s, pl.ds(0, IG)], src_v.at[0])
    pltpu.sync_copy(dst_hbm.at[c, s, pl.ds(0, IG)], dst_v.at[0])
    pltpu.async_copy(h_hbm.at[src_v.at[0, 0]], buf_a, semg_a)

    def body(g, carry):
        b = lax.rem(g, 2)
        nb = lax.rem(g + 1, 2)

        @pl.when(g > 0)
        def _drain_prev():
            pltpu.make_async_copy(
                h_hbm.at[pl.ds(0, CHUNK)], buf_b, sems[(IG - 1) % 2]).wait()

        @pl.when(g + 1 < NG)
        def _load_next_idx():
            pltpu.sync_copy(src_hbm.at[c, s, pl.ds((g + 1) * IG, IG)],
                            src_v.at[nb])
            pltpu.sync_copy(dst_hbm.at[c, s, pl.ds((g + 1) * IG, IG)],
                            dst_v.at[nb])

        gather_h = [None, None]
        scatter_h = [None, None]
        for j in range(IG):
            p = j % 2
            q = (j + 1) % 2
            if j == 0:
                pltpu.make_async_copy(
                    h_hbm.at[pl.ds(0, CHUNK)], bufs[p], semg[p]).wait()
            else:
                gather_h[p].wait()
            scatter_h[p] = pltpu.async_copy(
                bufs[p], acc_sh.at[dst_v.at[b, j]], sems[p], add=True)
            if j >= 1:
                scatter_h[q].wait()
            if j < IG - 1:
                gather_h[q] = pltpu.async_copy(
                    h_hbm.at[src_v.at[b, j + 1]], bufs[q], semg[q])
            else:
                @pl.when(g + 1 < NG)
                def _fire_next():
                    pltpu.async_copy(
                        h_hbm.at[src_v.at[nb, 0]], bufs[q], semg[q])
        return carry

    lax.fori_loop(0, NG, body, 0)
    pltpu.make_async_copy(
        h_hbm.at[pl.ds(0, CHUNK)], buf_b, sems[(IG - 1) % 2]).wait()


def _deg_loop(dst_hbm, acc_sh, dst_v, ones_buf, sem, c, s):
    def body(g, carry):
        pltpu.sync_copy(dst_hbm.at[c, s, pl.ds(g * IG, IG)], dst_v.at[0])
        handles = [
            pltpu.async_copy(ones_buf, acc_sh.at[dst_v.at[0, j]], sem, add=True)
            for j in range(IG)
        ]
        for h in handles:
            h.wait()
        return carry

    lax.fori_loop(0, NG, body, 0)


@functools.partial(
    pl.kernel,
    mesh=_mesh,
    out_type=jax.ShapeDtypeStruct((2, NSUB, SLAB, D), jnp.float32),
    scratch_types=[
        pltpu.VMEM((2, IG, CHUNK), jnp.int32),
        pltpu.VMEM((CHUNK, D), jnp.float32),
        pltpu.VMEM((CHUNK, D), jnp.float32),
        pltpu.VMEM_SHARED((NPAD, D), jnp.float32),
        pltpu.SemaphoreType.DMA,
    ],
)
def _sc_deg(dst_hbm,
            deg_out,
            dst_v, buf_z, buf_one, acc_sh, sem):
    c = lax.axis_index("c")
    s = lax.axis_index("s")
    r0 = s * SLAB
    _fill(buf_z, 0.0)
    _zero_slab(buf_z, acc_sh, r0)
    _fill(buf_one, 1.0)
    plsc.subcore_barrier()
    _deg_loop(dst_hbm, acc_sh, dst_v, buf_one, sem, c, s)
    plsc.subcore_barrier()
    pltpu.sync_copy(acc_sh.at[pl.ds(r0, SLAB)], deg_out.at[c, s])


@functools.partial(
    pl.kernel,
    mesh=_mesh,
    out_type=jax.ShapeDtypeStruct((2, NSUB, SLAB, D), jnp.float32),
    scratch_types=[
        pltpu.VMEM((2, IG, CHUNK), jnp.int32),
        pltpu.VMEM((2, IG, CHUNK), jnp.int32),
        pltpu.VMEM((CHUNK, D), jnp.float32),
        pltpu.VMEM((CHUNK, D), jnp.float32),
        pltpu.VMEM_SHARED((NPAD, D), jnp.float32),
        pltpu.SemaphoreType.DMA,
        pltpu.SemaphoreType.DMA,
        pltpu.SemaphoreType.DMA,
        pltpu.SemaphoreType.DMA,
    ],
)
def _sc_agg(h_hbm, src_hbm, dst_hbm,
            agg_out,
            src_v, dst_v, buf_a, buf_b, acc_sh,
            semg_a, semg_b, sems_a, sems_b):
    c = lax.axis_index("c")
    s = lax.axis_index("s")
    r0 = s * SLAB
    _fill(buf_a, 0.0)
    _zero_slab(buf_a, acc_sh, r0)
    plsc.subcore_barrier()
    _agg_loop(h_hbm, src_hbm, dst_hbm, acc_sh, src_v, dst_v, buf_a, buf_b,
              semg_a, semg_b, sems_a, sems_b, c, s)
    plsc.subcore_barrier()
    pltpu.sync_copy(acc_sh.at[pl.ds(r0, SLAB)], agg_out.at[c, s])


def _emb_body(x_ref, w_ref, o_ref):
    o_ref[...] = jnp.dot(x_ref[...], w_ref[...], preferred_element_type=jnp.float32)


def _layer_body(agg_ref, deg_ref, w_ref, o_ref):
    d = jnp.maximum(deg_ref[:, 0:1], 1.0)
    a = agg_ref[...] / d
    o_ref[...] = jnp.maximum(
        jnp.dot(a, w_ref[0], preferred_element_type=jnp.float32), 0.0)


RB = 512
_ROWS = 2 * NPAD
_GRID = _ROWS // RB


def _layer_readout_body(agg_ref, deg_ref, w_ref, gid_ref, sums_ref, cnts_ref):
    i = pl.program_id(0)
    d = jnp.maximum(deg_ref[:, 0:1], 1.0)
    a = agg_ref[...] / d
    h = jnp.maximum(jnp.dot(a, w_ref[0], preferred_element_type=jnp.float32), 0.0)
    gid = gid_ref[0]
    ohT = (lax.broadcasted_iota(jnp.int32, (B, RB), 0) == gid).astype(jnp.float32)
    part = jnp.dot(ohT, h, preferred_element_type=jnp.float32)
    cnt = jnp.broadcast_to(jnp.sum(ohT, axis=1, keepdims=True), (B, D))

    @pl.when(i % (_GRID // 2) == 0)
    def _init():
        sums_ref[0] = part
        cnts_ref[0] = cnt

    @pl.when(i % (_GRID // 2) != 0)
    def _acc():
        sums_ref[0] += part
        cnts_ref[0] += cnt


def _head_body(sums_ref, cnts_ref, wff_ref, b_ref, toh_ref, sm_ref, loss_ref):
    f1 = sums_ref[0] / jnp.maximum(cnts_ref[0], 1.0)
    f2 = sums_ref[1] / jnp.maximum(cnts_ref[1], 1.0)
    e = (f1 - f2) ** 2
    logits = jnp.dot(e, wff_ref[...], preferred_element_type=jnp.float32) + b_ref[0:1, :]
    l = jnp.where(logits > 0, logits, 0.01 * logits)
    m = jnp.max(l, axis=1, keepdims=True)
    z = l - m
    lse = jnp.log(jnp.sum(jnp.exp(z), axis=1, keepdims=True))
    logp = z - lse
    loss = -jnp.sum(logp * toh_ref[...]) / B
    sm_ref[...] = jnp.exp(logp)
    loss_ref[...] = jnp.full((8, 128), loss)


def _emb_matmul(x_flat, w):
    return pl.pallas_call(
        _emb_body,
        grid=(_GRID,),
        in_specs=[pl.BlockSpec((RB, D), lambda i: (i, 0)),
                  pl.BlockSpec((D, D), lambda i: (0, 0))],
        out_specs=pl.BlockSpec((RB, D), lambda i: (i, 0)),
        out_shape=jax.ShapeDtypeStruct((_ROWS, D), jnp.float32),
    )(x_flat, w)


def _layer(agg_flat, deg_flat, w_stack):
    return pl.pallas_call(
        _layer_body,
        grid=(_GRID,),
        in_specs=[pl.BlockSpec((RB, D), lambda i: (i, 0)),
                  pl.BlockSpec((RB, D), lambda i: (i, 0)),
                  pl.BlockSpec((1, D, D), lambda i: (i // (_GRID // 2), 0, 0))],
        out_specs=pl.BlockSpec((RB, D), lambda i: (i, 0)),
        out_shape=jax.ShapeDtypeStruct((_ROWS, D), jnp.float32),
    )(agg_flat, deg_flat, w_stack)


def _layer_readout(agg_flat, deg_flat, w_stack, gids_r):
    side = _GRID // 2
    return pl.pallas_call(
        _layer_readout_body,
        grid=(_GRID,),
        in_specs=[pl.BlockSpec((RB, D), lambda i: (i, 0)),
                  pl.BlockSpec((RB, D), lambda i: (i, 0)),
                  pl.BlockSpec((1, D, D), lambda i: (i // side, 0, 0)),
                  pl.BlockSpec((1, 1, RB), lambda i: (i, 0, 0))],
        out_specs=[pl.BlockSpec((1, B, D), lambda i: (i // side, 0, 0)),
                   pl.BlockSpec((1, B, D), lambda i: (i // side, 0, 0))],
        out_shape=[jax.ShapeDtypeStruct((2, B, D), jnp.float32),
                   jax.ShapeDtypeStruct((2, B, D), jnp.float32)],
    )(agg_flat, deg_flat, w_stack, gids_r)


def _head(sums, cnts, wff, b_pad, toh):
    return pl.pallas_call(
        _head_body,
        in_specs=[pl.BlockSpec((2, B, D), lambda: (0, 0, 0)),
                  pl.BlockSpec((2, B, D), lambda: (0, 0, 0)),
                  pl.BlockSpec((D, C), lambda: (0, 0)),
                  pl.BlockSpec((8, C), lambda: (0, 0)),
                  pl.BlockSpec((B, C), lambda: (0, 0))],
        out_specs=[pl.BlockSpec((B, C), lambda: (0, 0)),
                   pl.BlockSpec((8, 128), lambda: (0, 0))],
        out_shape=[jax.ShapeDtypeStruct((B, C), jnp.float32),
                   jax.ShapeDtypeStruct((8, 128), jnp.float32)],
    )(sums, cnts, wff, b_pad, toh)


def _prep_edges(edge_index, side):
    src = edge_index[0]
    dst = edge_index[1]
    pad = EPAD - E
    src_g = jnp.concatenate(
        [src + side * NPAD, jnp.full((pad,), side * NPAD, jnp.int32)])
    dst_l = jnp.concatenate([dst, jnp.full((pad,), N, jnp.int32)])
    return src_g.reshape(NSUB, CH, CHUNK), dst_l.reshape(NSUB, CH, CHUNK)


def kernel(x_one, edge_index_one, graph_ids_one, x_two, edge_index_two,
           graph_ids_two, tgt, W_emb, W_g1_0, W_g1_1, W_g2_0, W_g2_1, W_ff, b_ff):
    x_flat = (jnp.zeros((2, NPAD, D), jnp.float32)
              .at[0, :N].set(x_one)
              .at[1, :N].set(x_two)
              .reshape(_ROWS, D))
    s1, d1 = _prep_edges(edge_index_one, 0)
    s2, d2 = _prep_edges(edge_index_two, 1)
    src_all = jnp.stack([s1, s2])
    dst_all = jnp.stack([d1, d2])
    gids_r = (jnp.full((2, NPAD), B, jnp.int32)
              .at[0, :N].set(graph_ids_one)
              .at[1, :N].set(graph_ids_two)
              .reshape(_ROWS // RB, 1, RB))
    w_stack1 = jnp.stack([W_g1_0, W_g2_0])
    w_stack2 = jnp.stack([W_g1_1, W_g2_1])
    b_pad = jnp.broadcast_to(b_ff[None, :], (8, C))
    toh = (tgt[:, None] == jnp.arange(C, dtype=jnp.int32)[None, :]).astype(jnp.float32)

    deg_sc = _sc_deg(dst_all)
    h0 = _emb_matmul(x_flat, W_emb)
    agg1_flat = _sc_agg(h0, src_all, dst_all).reshape(_ROWS, D)
    deg_flat = deg_sc.reshape(_ROWS, D)
    h1 = _layer(agg1_flat, deg_flat, w_stack1)
    agg2_flat = _sc_agg(h1, src_all, dst_all).reshape(_ROWS, D)
    sums, cnts = _layer_readout(agg2_flat, deg_flat, w_stack2, gids_r)
    sm, loss = _head(sums, cnts, W_ff, b_pad, toh)
    return sm, loss[0, 0]

# --- scband reference (transcript-rebuilt; emitter-appended) ---
"""Pipeline reference for scband-pairwise-gcnmodel-37469294691142 (READ-ONLY COPY).

The authoritative reference and input builder live on the scoring server;
editing this copy changes nothing except your own understanding.
"""

import jax, jax.numpy as jnp
import numpy as np

N = 10000
E = 320000
D = 128
B = 32
C = 2


def setup_inputs(seed: int = 0) -> dict:
    key = jax.random.key(seed)
    ks = jax.random.split(key, 16)
    x_one = jax.random.normal(ks[0], (N, D), jnp.float32)
    x_two = jax.random.normal(ks[1], (N, D), jnp.float32)
    edge_index_one = jax.random.randint(ks[2], (2, E), 0, N, jnp.int32)
    edge_index_two = jax.random.randint(ks[3], (2, E), 0, N, jnp.int32)
    graph_ids_one = jnp.sort(jax.random.randint(ks[4], (N,), 0, B, jnp.int32))
    graph_ids_two = jnp.sort(jax.random.randint(ks[5], (N,), 0, B, jnp.int32))
    tgt = jax.random.randint(ks[6], (B,), 0, C, jnp.int32)
    s = 1.0 / np.sqrt(D)
    W_emb = jax.random.normal(ks[7], (D, D), jnp.float32) * s
    W_g1_0 = jax.random.normal(ks[8], (D, D), jnp.float32) * s
    W_g1_1 = jax.random.normal(ks[9], (D, D), jnp.float32) * s
    W_g2_0 = jax.random.normal(ks[10], (D, D), jnp.float32) * s
    W_g2_1 = jax.random.normal(ks[11], (D, D), jnp.float32) * s
    W_ff = jax.random.normal(ks[12], (D, C), jnp.float32) * s
    b_ff = jnp.zeros((C,), jnp.float32)
    return {"x_one": x_one, "edge_index_one": edge_index_one, "graph_ids_one": graph_ids_one,
            "x_two": x_two, "edge_index_two": edge_index_two, "graph_ids_two": graph_ids_two,
            "tgt": tgt, "W_emb": W_emb, "W_g1_0": W_g1_0, "W_g1_1": W_g1_1,
            "W_g2_0": W_g2_0, "W_g2_1": W_g2_1, "W_ff": W_ff, "b_ff": b_ff}


def _gcn_layer(h, src, dst, W, n):
    msgs = jnp.take(h, src, axis=0)
    agg = jax.ops.segment_sum(msgs, dst, num_segments=n)
    deg = jax.ops.segment_sum(jnp.ones((dst.shape[0],), jnp.float32), dst, num_segments=n)
    agg = agg / jnp.clip(deg, 1.0)[:, None]
    return jax.nn.relu(agg @ W)


def _gcn_prop(x, edge_index, graph_ids, W_emb, Ws, n, b):
    h = x @ W_emb  # node embedding layer
    src = edge_index[0]
    dst = edge_index[1]
    for W in Ws:
        h = _gcn_layer(h, src, dst, W, n)
    sums = jax.ops.segment_sum(h, graph_ids, num_segments=b)
    cnts = jax.ops.segment_sum(jnp.ones((n,), jnp.float32), graph_ids, num_segments=b)
    return sums / jnp.clip(cnts, 1.0)[:, None]  # mean graph readout


def reference(x_one, edge_index_one, graph_ids_one, x_two, edge_index_two, graph_ids_two, tgt,
              W_emb, W_g1_0, W_g1_1, W_g2_0, W_g2_1, W_ff, b_ff):
    f1 = _gcn_prop(x_one, edge_index_one, graph_ids_one, W_emb, [W_g1_0, W_g1_1], N, B)
    f2 = _gcn_prop(x_two, edge_index_two, graph_ids_two, W_emb, [W_g2_0, W_g2_1], N, B)
    euc_dist = (f1 - f2) ** 2
    dense_output = jax.nn.leaky_relu(euc_dist @ W_ff + b_ff)
    logp = jax.nn.log_softmax(dense_output, axis=-1)
    loss = -jnp.mean(jnp.take_along_axis(logp, tgt[:, None].astype(jnp.int32), axis=1))
    sm_mask_output = jax.nn.softmax(dense_output, axis=-1)
    return (sm_mask_output, loss)

if __name__ == "__main__":
    import jax
    _d = setup_inputs()
    print(jax.jit(kernel)(*tuple(_d.values())))

</pallas_src>

<mosaic_0001>
#map = affine_map<(d0, d1) -> (0, 0, 0, 0)>
module attributes {stable_mosaic.version = 14 : i64} {
  func.func @_sc_deg(%arg0: i32, %arg1: i32, %arg2: memref<2x16x160x128xi32, #tpu.memory_space<hbm>>, %arg3: memref<2x16x640x128xf32, #tpu.memory_space<hbm>>, %arg4: memref<2x8x128xi32, #tpu.memory_space<vmem>>, %arg5: memref<128x128xf32, #tpu.memory_space<vmem>>, %arg6: memref<128x128xf32, #tpu.memory_space<vmem>>, %arg7: memref<10240x128xf32, #tpu.memory_space<vmem_shared>>, %arg8: memref<!tpu.dma_semaphore, #tpu.memory_space<semaphore_mem>>) attributes {dimension_semantics = [#tpu.dimension_semantics<core_parallel>, #tpu.dimension_semantics<subcore_parallel>], iteration_bounds = array<i64: 2, 16>, scalar_prefetch = 0 : i64, scratch_operands = 5 : i64, tpu.core_type = #tpu.core_type<sc_vector_subcore>, window_params = [{transform_indices = #map}, {transform_indices = #map}]} {
    %mul3A = arith.constant 640 : i32
    %mul3A_0 = arith.muli %arg1, %mul3A : i32
    %scan3A = arith.constant 0 : i32
    %scan3A_1 = arith.constant 0 : i32
    %scan3A_2 = arith.constant 128 : i32
    %scan3A_3 = arith.addi %scan3A_1, %scan3A_2 : i32
    %scan3A_4 = arith.constant 1 : i32
    scf.for %scan3A_28 = %scan3A_1 to %scan3A_3 step %scan3A_4  : i32 {
      %scan3A_29 = arith.constant 0 : i32
      %scan3A_30 = arith.constant 8 : i32
      %scan3A_31 = arith.addi %scan3A_29, %scan3A_30 : i32
      %scan3A_32 = arith.constant 1 : i32
      scf.for %scan3A_34 = %scan3A_29 to %scan3A_31 step %scan3A_32  : i32 {
        %broadcast_in_dim3A = arith.constant 0.000000e+00 : f32
        %broadcast_in_dim3A_35 = vector.broadcast %broadcast_in_dim3A : f32 to vector<16xf32>
        %mul3A_36 = arith.constant 16 : i32
        %mul3A_37 = arith.muli %scan3A_34, %mul3A_36 : i32
        %multiple_of3A = tpu.assume_multiple %mul3A_37, 16 : i32
        %swap3A = arith.index_cast %scan3A_28 : i32 to index
        %swap3A_38 = arith.index_cast %multiple_of3A : i32 to index
        %swap3A_39 = tpu.vector_load %arg5[%swap3A, %swap3A_38] {strides = array<i32>} : memref<128x128xf32, #tpu.memory_space<vmem>>, vector<1x16xf32>,
        %swap3A_40 = vector.shape_cast %swap3A_39 : vector<1x16xf32> to vector<16xf32>
        %swap3A_41 = vector.shape_cast %broadcast_in_dim3A_35 : vector<16xf32> to vector<1x16xf32>
        tpu.vector_store %arg5[%swap3A, %swap3A_38], %swap3A_41 {strides = array<i32>} : memref<128x128xf32, #tpu.memory_space<vmem>>, vector<1x16xf32>,
      }
      %scan3A_33 = arith.constant 8 : i32
    }
    %scan3A_5 = arith.constant 128 : i32
    %add3A = arith.constant 0 : i32
    %add3A_6 = arith.addi %mul3A_0, %add3A : i32
    "tpu.region"() ({
      %run_scoped3A = tpu.sem_alloc : memref<!tpu.dma_semaphore, #tpu.memory_space<semaphore_mem>>
      %dma_start3A = arith.constant 0 : i32
      %dma_start3A_28 = tpu.memref_slice %arg7[%add3A_6, %dma_start3A] : memref<10240x128xf32, #tpu.memory_space<vmem_shared>> -> memref<128x128xf32, #tpu.memory_space<vmem_shared>>
      %dma_start3A_29 = arith.constant 0 : i32
      %dma_start3A_30 = tpu.memref_slice %arg7[%add3A_6, %dma_start3A_29] : memref<10240x128xf32, #tpu.memory_space<vmem_shared>> -> memref<128x128xf32, #tpu.memory_space<vmem_shared>>
      tpu.enqueue_dma source(%arg5 : memref<128x128xf32, #tpu.memory_space<vmem>>) target(%dma_start3A_30 : memref<128x128xf32, #tpu.memory_space<vmem_shared>>) target_semaphore(%run_scoped3A : memref<!tpu.dma_semaphore, #tpu.memory_space<semaphore_mem>>)
      %dma_wait3A = arith.constant 0 : i32
      %dma_wait3A_31 = tpu.memref_slice %arg7[%add3A_6, %dma_wait3A] : memref<10240x128xf32, #tpu.memory_space<vmem_shared>> -> memref<128x128xf32, #tpu.memory_space<vmem_shared>>
      %dma_wait3A_32 = arith.constant 0 : i32
      %dma_wait3A_33 = tpu.memref_slice %arg7[%add3A_6, %dma_wait3A_32] : memref<10240x128xf32, #tpu.memory_space<vmem_shared>> -> memref<128x128xf32, #tpu.memory_space<vmem_shared>>
      tpu.wait_dma2 semaphore(%run_scoped3A : memref<!tpu.dma_semaphore, #tpu.memory_space<semaphore_mem>>) src(%arg5 : memref<128x128xf32, #tpu.memory_space<vmem>>) dst(%dma_wait3A_33 : memref<128x128xf32, #tpu.memory_space<vmem_shared>>)
      tpu.yield
    }) : () -> ()
    %add3A_7 = arith.constant 128 : i32
    %add3A_8 = arith.addi %mul3A_0, %add3A_7 : i32
    "tpu.region"() ({
      %run_scoped3A = tpu.sem_alloc : memref<!tpu.dma_semaphore, #tpu.memory_space<semaphore_mem>>
      %dma_start3A = arith.constant 0 : i32
      %dma_start3A_28 = tpu.memref_slice %arg7[%add3A_8, %dma_start3A] : memref<10240x128xf32, #tpu.memory_space<vmem_shared>> -> memref<128x128xf32, #tpu.memory_space<vmem_shared>>
      %dma_start3A_29 = arith.constant 0 : i32
      %dma_start3A_30 = tpu.memref_slice %arg7[%add3A_8, %dma_start3A_29] : memref<10240x128xf32, #tpu.memory_space<vmem_shared>> -> memref<128x128xf32, #tpu.memory_space<vmem_shared>>
      tpu.enqueue_dma source(%arg5 : memref<128x128xf32, #tpu.memory_space<vmem>>) target(%dma_start3A_30 : memref<128x128xf32, #tpu.memory_space<vmem_shared>>) target_semaphore(%run_scoped3A : memref<!tpu.dma_semaphore, #tpu.memory_space<semaphore_mem>>)
      %dma_wait3A = arith.constant 0 : i32
      %dma_wait3A_31 = tpu.memref_slice %arg7[%add3A_8, %dma_wait3A] : memref<10240x128xf32, #tpu.memory_space<vmem_shared>> -> memref<128x128xf32, #tpu.memory_space<vmem_shared>>
      %dma_wait3A_32 = arith.constant 0 : i32
      %dma_wait3A_33 = tpu.memref_slice %arg7[%add3A_8, %dma_wait3A_32] : memref<10240x128xf32, #tpu.memory_space<vmem_shared>> -> memref<128x128xf32, #tpu.memory_space<vmem_shared>>
      tpu.wait_dma2 semaphore(%run_scoped3A : memref<!tpu.dma_semaphore, #tpu.memory_space<semaphore_mem>>) src(%arg5 : memref<128x128xf32, #tpu.memory_space<vmem>>) dst(%dma_wait3A_33 : memref<128x128xf32, #tpu.memory_space<vmem_shared>>)
      tpu.yield
    }) : () -> ()
    %add3A_9 = arith.constant 256 : i32
    %add3A_10 = arith.addi %mul3A_0, %add3A_9 : i32
    "tpu.region"() ({
      %run_scoped3A = tpu.sem_alloc : memref<!tpu.dma_semaphore, #tpu.memory_space<semaphore_mem>>
      %dma_start3A = arith.constant 0 : i32
      %dma_start3A_28 = tpu.memref_slice %arg7[%add3A_10, %dma_start3A] : memref<10240x128xf32, #tpu.memory_space<vmem_shared>> -> memref<128x128xf32, #tpu.memory_space<vmem_shared>>
      %dma_start3A_29 = arith.constant 0 : i32
      %dma_start3A_30 = tpu.memref_slice %arg7[%add3A_10, %dma_start3A_29] : memref<10240x128xf32, #tpu.memory_space<vmem_shared>> -> memref<128x128xf32, #tpu.memory_space<vmem_shared>>
      tpu.enqueue_dma source(%arg5 : memref<128x128xf32, #tpu.memory_space<vmem>>) target(%dma_start3A_30 : memref<128x128xf32, #tpu.memory_space<vmem_shared>>) target_semaphore(%run_scoped3A : memref<!tpu.dma_semaphore, #tpu.memory_space<semaphore_mem>>)
      %dma_wait3A = arith.constant 0 : i32
      %dma_wait3A_31 = tpu.memref_slice %arg7[%add3A_10, %dma_wait3A] : memref<10240x128xf32, #tpu.memory_space<vmem_shared>> -> memref<128x128xf32, #tpu.memory_space<vmem_shared>>
      %dma_wait3A_32 = arith.constant 0 : i32
      %dma_wait3A_33 = tpu.memref_slice %arg7[%add3A_10, %dma_wait3A_32] : memref<10240x128xf32, #tpu.memory_space<vmem_shared>> -> memref<128x128xf32, #tpu.memory_space<vmem_shared>>
      tpu.wait_dma2 semaphore(%run_scoped3A : memref<!tpu.dma_semaphore, #tpu.memory_space<semaphore_mem>>) src(%arg5 : memref<128x128xf32, #tpu.memory_space<vmem>>) dst(%dma_wait3A_33 : memref<128x128xf32, #tpu.memory_space<vmem_shared>>)
      tpu.yield
    }) : () -> ()
    %add3A_11 = arith.constant 384 : i32
    %add3A_12 = arith.addi %mul3A_0, %add3A_11 : i32
    "tpu.region"() ({
      %run_scoped3A = tpu.sem_alloc : memref<!tpu.dma_semaphore, #tpu.memory_space<semaphore_mem>>
      %dma_start3A = arith.constant 0 : i32
      %dma_start3A_28 = tpu.memref_slice %arg7[%add3A_12, %dma_start3A] : memref<10240x128xf32, #tpu.memory_space<vmem_shared>> -> memref<128x128xf32, #tpu.memory_space<vmem_shared>>
      %dma_start3A_29 = arith.constant 0 : i32
      %dma_start3A_30 = tpu.memref_slice %arg7[%add3A_12, %dma_start3A_29] : memref<10240x128xf32, #tpu.memory_space<vmem_shared>> -> memref<128x128xf32, #tpu.memory_space<vmem_shared>>
      tpu.enqueue_dma source(%arg5 : memref<128x128xf32, #tpu.memory_space<vmem>>) target(%dma_start3A_30 : memref<128x128xf32, #tpu.memory_space<vmem_shared>>) target_semaphore(%run_scoped3A : memref<!tpu.dma_semaphore, #tpu.memory_space<semaphore_mem>>)
      %dma_wait3A = arith.constant 0 : i32
      %dma_wait3A_31 = tpu.memref_slice %arg7[%add3A_12, %dma_wait3A] : memref<10240x128xf32, #tpu.memory_space<vmem_shared>> -> memref<128x128xf32, #tpu.memory_space<vmem_shared>>
      %dma_wait3A_32 = arith.constant 0 : i32
      %dma_wait3A_33 = tpu.memref_slice %arg7[%add3A_12, %dma_wait3A_32] : memref<10240x128xf32, #tpu.memory_space<vmem_shared>> -> memref<128x128xf32, #tpu.memory_space<vmem_shared>>
      tpu.wait_dma2 semaphore(%run_scoped3A : memref<!tpu.dma_semaphore, #tpu.memory_space<semaphore_mem>>) src(%arg5 : memref<128x128xf32, #tpu.memory_space<vmem>>) dst(%dma_wait3A_33 : memref<128x128xf32, #tpu.memory_space<vmem_shared>>)
      tpu.yield
    }) : () -> ()
    %add3A_13 = arith.constant 512 : i32
    %add3A_14 = arith.addi %mul3A_0, %add3A_13 : i32
    "tpu.region"() ({
      %run_scoped3A = tpu.sem_alloc : memref<!tpu.dma_semaphore, #tpu.memory_space<semaphore_mem>>
      %dma_start3A = arith.constant 0 : i32
      %dma_start3A_28 = tpu.memref_slice %arg7[%add3A_14, %dma_start3A] : memref<10240x128xf32, #tpu.memory_space<vmem_shared>> -> memref<128x128xf32, #tpu.memory_space<vmem_shared>>
      %dma_start3A_29 = arith.constant 0 : i32
      %dma_start3A_30 = tpu.memref_slice %arg7[%add3A_14, %dma_start3A_29] : memref<10240x128xf32, #tpu.memory_space<vmem_shared>> -> memref<128x128xf32, #tpu.memory_space<vmem_shared>>
      tpu.enqueue_dma source(%arg5 : memref<128x128xf32, #tpu.memory_space<vmem>>) target(%dma_start3A_30 : memref<128x128xf32, #tpu.memory_space<vmem_shared>>) target_semaphore(%run_scoped3A : memref<!tpu.dma_semaphore, #tpu.memory_space<semaphore_mem>>)
      %dma_wait3A = arith.constant 0 : i32
      %dma_wait3A_31 = tpu.memref_slice %arg7[%add3A_14, %dma_wait3A] : memref<10240x128xf32, #tpu.memory_space<vmem_shared>> -> memref<128x128xf32, #tpu.memory_space<vmem_shared>>
      %dma_wait3A_32 = arith.constant 0 : i32
      %dma_wait3A_33 = tpu.memref_slice %arg7[%add3A_14, %dma_wait3A_32] : memref<10240x128xf32, #tpu.memory_space<vmem_shared>> -> memref<128x128xf32, #tpu.memory_space<vmem_shared>>
      tpu.wait_dma2 semaphore(%run_scoped3A : memref<!tpu.dma_semaphore, #tpu.memory_space<semaphore_mem>>) src(%arg5 : memref<128x128xf32, #tpu.memory_space<vmem>>) dst(%dma_wait3A_33 : memref<128x128xf32, #tpu.memory_space<vmem_shared>>)
      tpu.yield
    }) : () -> ()
    %scan3A_15 = arith.constant 0 : i32
    %scan3A_16 = arith.constant 0 : i32
    %scan3A_17 = arith.constant 128 : i32
    %scan3A_18 = arith.addi %scan3A_16, %scan3A_17 : i32
    %scan3A_19 = arith.constant 1 : i32
    scf.for %scan3A_28 = %scan3A_16 to %scan3A_18 step %scan3A_19  : i32 {
      %scan3A_29 = arith.constant 0 : i32
      %scan3A_30 = arith.constant 8 : i32
      %scan3A_31 = arith.addi %scan3A_29, %scan3A_30 : i32
      %scan3A_32 = arith.constant 1 : i32
      scf.for %scan3A_34 = %scan3A_29 to %scan3A_31 step %scan3A_32  : i32 {
        %broadcast_in_dim3A = arith.constant 1.000000e+00 : f32
        %broadcast_in_dim3A_35 = vector.broadcast %broadcast_in_dim3A : f32 to vector<16xf32>
        %mul3A_36 = arith.constant 16 : i32
        %mul3A_37 = arith.muli %scan3A_34, %mul3A_36 : i32
        %multiple_of3A = tpu.assume_multiple %mul3A_37, 16 : i32
        %swap3A = arith.index_cast %scan3A_28 : i32 to index
        %swap3A_38 = arith.index_cast %multiple_of3A : i32 to index
        %swap3A_39 = tpu.vector_load %arg6[%swap3A, %swap3A_38] {strides = array<i32>} : memref<128x128xf32, #tpu.memory_space<vmem>>, vector<1x16xf32>,
        %swap3A_40 = vector.shape_cast %swap3A_39 : vector<1x16xf32> to vector<16xf32>
        %swap3A_41 = vector.shape_cast %broadcast_in_dim3A_35 : vector<16xf32> to vector<1x16xf32>
        tpu.vector_store %arg6[%swap3A, %swap3A_38], %swap3A_41 {strides = array<i32>} : memref<128x128xf32, #tpu.memory_space<vmem>>, vector<1x16xf32>,
      }
      %scan3A_33 = arith.constant 8 : i32
    }
    %scan3A_20 = arith.constant 128 : i32
    %barrier3A = arith.constant 0 : index
    tpu.barrier barrier_id(%barrier3A)
    %scan3A_21 = arith.constant 0 : i32
    %scan3A_22 = arith.constant 0 : i32
    %scan3A_23 = arith.constant 20 : i32
    %scan3A_24 = arith.addi %scan3A_22, %scan3A_23 : i32
    %scan3A_25 = arith.constant 1 : i32
    scf.for %scan3A_28 = %scan3A_22 to %scan3A_24 step %scan3A_25  : i32 {
      %mul3A_29 = arith.constant 8 : i32
      %mul3A_30 = arith.muli %scan3A_28, %mul3A_29 : i32
      %run_scoped3A = arith.constant 0 : i32
      "tpu.region"() ({
        %run_scoped3A_157 = tpu.sem_alloc : memref<!tpu.dma_semaphore, #tpu.memory_space<semaphore_mem>>
        %dma_start3A_158 = arith.constant 0 : i32
        %dma_start3A_159 = arith.constant 0 : i32
        %dma_start3A_160 = tpu.memref_slice %arg4[%run_scoped3A, %dma_start3A_158, %dma_start3A_159] : memref<2x8x128xi32, #tpu.memory_space<vmem>> -> memref<1x8x128xi32, #tpu.memory_space<vmem>>
        %dma_start3A_161 = tpu.memref_squeeze %dma_start3A_160 : memref<1x8x128xi32, #tpu.memory_space<vmem>> -> memref<8x128xi32, #tpu.memory_space<vmem>>
        %dma_start3A_162 = arith.constant 0 : i32
        %dma_start3A_163 = tpu.memref_slice %arg2[%arg0, %arg1, %mul3A_30, %dma_start3A_162] : memref<2x16x160x128xi32, #tpu.memory_space<hbm>> -> memref<1x1x8x128xi32, #tpu.memory_space<hbm>>
        %dma_start3A_164 = tpu.memref_squeeze %dma_start3A_163 : memref<1x1x8x128xi32, #tpu.memory_space<hbm>> -> memref<8x128xi32, #tpu.memory_space<hbm>>
        %dma_start3A_165 = arith.constant 0 : i32
        %dma_start3A_166 = arith.constant 0 : i32
        %dma_start3A_167 = tpu.memref_slice %arg4[%run_scoped3A, %dma_start3A_165, %dma_start3A_166] : memref<2x8x128xi32, #tpu.memory_space<vmem>> -> memref<1x8x128xi32, #tpu.memory_space<vmem>>
        %dma_start3A_168 = tpu.memref_squeeze %dma_start3A_167 : memref<1x8x128xi32, #tpu.memory_space<vmem>> -> memref<8x128xi32, #tpu.memory_space<vmem>>
        %dma_start3A_169 = arith.constant 0 : i32
        %dma_start3A_170 = tpu.memref_slice %arg2[%arg0, %arg1, %mul3A_30, %dma_start3A_169] : memref<2x16x160x128xi32, #tpu.memory_space<hbm>> -> memref<1x1x8x128xi32, #tpu.memory_space<hbm>>
        %dma_start3A_171 = tpu.memref_squeeze %dma_start3A_170 : memref<1x1x8x128xi32, #tpu.memory_space<hbm>> -> memref<8x128xi32, #tpu.memory_space<hbm>>
        tpu.enqueue_dma source(%dma_start3A_171 : memref<8x128xi32, #tpu.memory_space<hbm>>) target(%dma_start3A_168 : memref<8x128xi32, #tpu.memory_space<vmem>>) target_semaphore(%run_scoped3A_157 : memref<!tpu.dma_semaphore, #tpu.memory_space<semaphore_mem>>)
        %dma_wait3A_172 = arith.constant 0 : i32
        %dma_wait3A_173 = arith.constant 0 : i32
        %dma_wait3A_174 = tpu.memref_slice %arg4[%run_scoped3A, %dma_wait3A_172, %dma_wait3A_173] : memref<2x8x128xi32, #tpu.memory_space<vmem>> -> memref<1x8x128xi32, #tpu.memory_space<vmem>>
        %dma_wait3A_175 = tpu.memref_squeeze %dma_wait3A_174 : memref<1x8x128xi32, #tpu.memory_space<vmem>> -> memref<8x128xi32, #tpu.memory_space<vmem>>
        %dma_wait3A_176 = arith.constant 0 : i32
        %dma_wait3A_177 = tpu.memref_slice %arg2[%arg0, %arg1, %mul3A_30, %dma_wait3A_176] : memref<2x16x160x128xi32, #tpu.memory_space<hbm>> -> memref<1x1x8x128xi32, #tpu.memory_space<hbm>>
        %dma_wait3A_178 = tpu.memref_squeeze %dma_wait3A_177 : memref<1x1x8x128xi32, #tpu.memory_space<hbm>> -> memref<8x128xi32, #tpu.memory_space<hbm>>
        %dma_wait3A_179 = arith.constant 0 : i32
        %dma_wait3A_180 = arith.constant 0 : i32
        %dma_wait3A_181 = tpu.memref_slice %arg4[%run_scoped3A, %dma_wait3A_179, %dma_wait3A_180] : memref<2x8x128xi32, #tpu.memory_space<vmem>> -> memref<1x8x128xi32, #tpu.memory_space<vmem>>
        %dma_wait3A_182 = tpu.memref_squeeze %dma_wait3A_181 : memref<1x8x128xi32, #tpu.memory_space<vmem>> -> memref<8x128xi32, #tpu.memory_space<vmem>>
        %dma_wait3A_183 = arith.constant 0 : i32
        %dma_wait3A_184 = tpu.memref_slice %arg2[%arg0, %arg1, %mul3A_30, %dma_wait3A_183] : memref<2x16x160x128xi32, #tpu.memory_space<hbm>> -> memref<1x1x8x128xi32, #tpu.memory_space<hbm>>
        %dma_wait3A_185 = tpu.memref_squeeze %dma_wait3A_184 : memref<1x1x8x128xi32, #tpu.memory_space<hbm>> -> memref<8x128xi32, #tpu.memory_space<hbm>>
        tpu.wait_dma2 semaphore(%run_scoped3A_157 : memref<!tpu.dma_semaphore, #tpu.memory_space<semaphore_mem>>) src(%dma_wait3A_185 : memref<8x128xi32, #tpu.memory_space<hbm>>) dst(%dma_wait3A_182 : memref<8x128xi32, #tpu.memory_space<vmem>>)
        tpu.yield
      }) : () -> ()
      %dma_start3A = arith.constant 0 : i32
      %dma_start3A_31 = arith.constant 0 : i32
      %dma_start3A_32 = arith.constant 0 : i32
      %dma_start3A_33 = tpu.memref_slice %arg4[%dma_start3A, %dma_start3A_31, %dma_start3A_32] : memref<2x8x128xi32, #tpu.memory_space<vmem>> -> memref<1x1x128xi32, #tpu.memory_space<vmem>>
      %dma_start3A_34 = tpu.memref_squeeze %dma_start3A_33 : memref<1x1x128xi32, #tpu.memory_space<vmem>> -> memref<128xi32, #tpu.memory_space<vmem>>
      %dma_start3A_35 = arith.constant 0 : i32
      %dma_start3A_36 = arith.constant 0 : i32
      %dma_start3A_37 = tpu.memref_slice %arg7[%dma_start3A_35, %dma_start3A_36] : memref<10240x128xf32, #tpu.memory_space<vmem_shared>> -> memref<10240x128xf32, #tpu.memory_space<vmem_shared>>
      tpu.enqueue_indirect_dma source(%arg6 : memref<128x128xf32, #tpu.memory_space<vmem>>) target(%dma_start3A_37 : memref<10240x128xf32, #tpu.memory_space<vmem_shared>>) offsets(%dma_start3A_34 : memref<128xi32, #tpu.memory_space<vmem>>) semaphore(%arg8 : memref<!tpu.dma_semaphore, #tpu.memory_space<semaphore_mem>>) {add = true}
      %dma_start3A_38 = arith.constant 0 : i32
      %dma_start3A_39 = arith.constant 1 : i32
      %dma_start3A_40 = arith.constant 0 : i32
      %dma_start3A_41 = tpu.memref_slice %arg4[%dma_start3A_38, %dma_start3A_39, %dma_start3A_40] : memref<2x8x128xi32, #tpu.memory_space<vmem>> -> memref<1x1x128xi32, #tpu.memory_space<vmem>>
      %dma_start3A_42 = tpu.memref_squeeze %dma_start3A_41 : memref<1x1x128xi32, #tpu.memory_space<vmem>> -> memref<128xi32, #tpu.memory_space<vmem>>
      %dma_start3A_43 = arith.constant 0 : i32
      %dma_start3A_44 = arith.constant 0 : i32
      %dma_start3A_45 = tpu.memref_slice %arg7[%dma_start3A_43, %dma_start3A_44] : memref<10240x128xf32, #tpu.memory_space<vmem_shared>> -> memref<10240x128xf32, #tpu.memory_space<vmem_shared>>
      tpu.enqueue_indirect_dma source(%arg6 : memref<128x128xf32, #tpu.memory_space<vmem>>) target(%dma_start3A_45 : memref<10240x128xf32, #tpu.memory_space<vmem_shared>>) offsets(%dma_start3A_42 : memref<128xi32, #tpu.memory_space<vmem>>) semaphore(%arg8 : memref<!tpu.dma_semaphore, #tpu.memory_space<semaphore_mem>>) {add = true}
      %dma_start3A_46 = arith.constant 0 : i32
      %dma_start3A_47 = arith.constant 2 : i32
      %dma_start3A_48 = arith.constant 0 : i32
      %dma_start3A_49 = tpu.memref_slice %arg4[%dma_start3A_46, %dma_start3A_47, %dma_start3A_48] : memref<2x8x128xi32, #tpu.memory_space<vmem>> -> memref<1x1x128xi32, #tpu.memory_space<vmem>>
      %dma_start3A_50 = tpu.memref_squeeze %dma_start3A_49 : memref<1x1x128xi32, #tpu.memory_space<vmem>> -> memref<128xi32, #tpu.memory_space<vmem>>
      %dma_start3A_51 = arith.constant 0 : i32
      %dma_start3A_52 = arith.constant 0 : i32
      %dma_start3A_53 = tpu.memref_slice %arg7[%dma_start3A_51, %dma_start3A_52] : memref<10240x128xf32, #tpu.memory_space<vmem_shared>> -> memref<10240x128xf32, #tpu.memory_space<vmem_shared>>
      tpu.enqueue_indirect_dma source(%arg6 : memref<128x128xf32, #tpu.memory_space<vmem>>) target(%dma_start3A_53 : memref<10240x128xf32, #tpu.memory_space<vmem_shared>>) offsets(%dma_start3A_50 : memref<128xi32, #tpu.memory_space<vmem>>) semaphore(%arg8 : memref<!tpu.dma_semaphore, #tpu.memory_space<semaphore_mem>>) {add = true}
      %dma_start3A_54 = arith.constant 0 : i32
      %dma_start3A_55 = arith.constant 3 : i32
      %dma_start3A_56 = arith.constant 0 : i32
      %dma_start3A_57 = tpu.memref_slice %arg4[%dma_start3A_54, %dma_start3A_55, %dma_start3A_56] : memref<2x8x128xi32, #tpu.memory_space<vmem>> -> memref<1x1x128xi32, #tpu.memory_space<vmem>>
      %dma_start3A_58 = tpu.memref_squeeze %dma_start3A_57 : memref<1x1x128xi32, #tpu.memory_space<vmem>> -> memref<128xi32, #tpu.memory_space<vmem>>
      %dma_start3A_59 = arith.constant 0 : i32
      %dma_start3A_60 = arith.constant 0 : i32
      %dma_start3A_61 = tpu.memref_slice %arg7[%dma_start3A_59, %dma_start3A_60] : memref<10240x128xf32, #tpu.memory_space<vmem_shared>> -> memref<10240x128xf32, #tpu.memory_space<vmem_shared>>
      tpu.enqueue_indirect_dma source(%arg6 : memref<128x128xf32, #tpu.memory_space<vmem>>) target(%dma_start3A_61 : memref<10240x128xf32, #tpu.memory_space<vmem_shared>>) offsets(%dma_start3A_58 : memref<128xi32, #tpu.memory_space<vmem>>) semaphore(%arg8 : memref<!tpu.dma_semaphore, #tpu.memory_space<semaphore_mem>>) {add = true}
      %dma_start3A_62 = arith.constant 0 : i32
      %dma_start3A_63 = arith.constant 4 : i32
      %dma_start3A_64 = arith.constant 0 : i32
      %dma_start3A_65 = tpu.memref_slice %arg4[%dma_start3A_62, %dma_start3A_63, %dma_start3A_64] : memref<2x8x128xi32, #tpu.memory_space<vmem>> -> memref<1x1x128xi32, #tpu.memory_space<vmem>>
      %dma_start3A_66 = tpu.memref_squeeze %dma_start3A_65 : memref<1x1x128xi32, #tpu.memory_space<vmem>> -> memref<128xi32, #tpu.memory_space<vmem>>
      %dma_start3A_67 = arith.constant 0 : i32
      %dma_start3A_68 = arith.constant 0 : i32
      %dma_start3A_69 = tpu.memref_slice %arg7[%dma_start3A_67, %dma_start3A_68] : memref<10240x128xf32, #tpu.memory_space<vmem_shared>> -> memref<10240x128xf32, #tpu.memory_space<vmem_shared>>
      tpu.enqueue_indirect_dma source(%arg6 : memref<128x128xf32, #tpu.memory_space<vmem>>) target(%dma_start3A_69 : memref<10240x128xf32, #tpu.memory_space<vmem_shared>>) offsets(%dma_start3A_66 : memref<128xi32, #tpu.memory_space<vmem>>) semaphore(%arg8 : memref<!tpu.dma_semaphore, #tpu.memory_space<semaphore_mem>>) {add = true}
      %dma_start3A_70 = arith.constant 0 : i32
      %dma_start3A_71 = arith.constant 5 : i32
      %dma_start3A_72 = arith.constant 0 : i32
      %dma_start3A_73 = tpu.memref_slice %arg4[%dma_start3A_70, %dma_start3A_71, %dma_start3A_72] : memref<2x8x128xi32, #tpu.memory_space<vmem>> -> memref<1x1x128xi32, #tpu.memory_space<vmem>>
      %dma_start3A_74 = tpu.memref_squeeze %dma_start3A_73 : memref<1x1x128xi32, #tpu.memory_space<vmem>> -> memref<128xi32, #tpu.memory_space<vmem>>
      %dma_start3A_75 = arith.constant 0 : i32
      %dma_start3A_76 = arith.constant 0 : i32
      %dma_start3A_77 = tpu.memref_slice %arg7[%dma_start3A_75, %dma_start3A_76] : memref<10240x128xf32, #tpu.memory_space<vmem_shared>> -> memref<10240x128xf32, #tpu.memory_space<vmem_shared>>
      tpu.enqueue_indirect_dma source(%arg6 : memref<128x128xf32, #tpu.memory_space<vmem>>) target(%dma_start3A_77 : memref<10240x128xf32, #tpu.memory_space<vmem_shared>>) offsets(%dma_start3A_74 : memref<128xi32, #tpu.memory_space<vmem>>) semaphore(%arg8 : memref<!tpu.dma_semaphore, #tpu.memory_space<semaphore_mem>>) {add = true}
      %dma_start3A_78 = arith.constant 0 : i32
      %dma_start3A_79 = arith.constant 6 : i32
      %dma_start3A_80 = arith.constant 0 : i32
      %dma_start3A_81 = tpu.memref_slice %arg4[%dma_start3A_78, %dma_start3A_79, %dma_start3A_80] : memref<2x8x128xi32, #tpu.memory_space<vmem>> -> memref<1x1x128xi32, #tpu.memory_space<vmem>>
      %dma_start3A_82 = tpu.memref_squeeze %dma_start3A_81 : memref<1x1x128xi32, #tpu.memory_space<vmem>> -> memref<128xi32, #tpu.memory_space<vmem>>
      %dma_start3A_83 = arith.constant 0 : i32
      %dma_start3A_84 = arith.constant 0 : i32
      %dma_start3A_85 = tpu.memref_slice %arg7[%dma_start3A_83, %dma_start3A_84] : memref<10240x128xf32, #tpu.memory_space<vmem_shared>> -> memref<10240x128xf32, #tpu.memory_space<vmem_shared>>
      tpu.enqueue_indirect_dma source(%arg6 : memref<128x128xf32, #tpu.memory_space<vmem>>) target(%dma_start3A_85 : memref<10240x128xf32, #tpu.memory_space<vmem_shared>>) offsets(%dma_start3A_82 : memref<128xi32, #tpu.memory_space<vmem>>) semaphore(%arg8 : memref<!tpu.dma_semaphore, #tpu.memory_space<semaphore_mem>>) {add = true}
      %dma_start3A_86 = arith.constant 0 : i32
      %dma_start3A_87 = arith.constant 7 : i32
      %dma_start3A_88 = arith.constant 0 : i32
      %dma_start3A_89 = tpu.memref_slice %arg4[%dma_start3A_86, %dma_start3A_87, %dma_start3A_88] : memref<2x8x128xi32, #tpu.memory_space<vmem>> -> memref<1x1x128xi32, #tpu.memory_space<vmem>>
      %dma_start3A_90 = tpu.memref_squeeze %dma_start3A_89 : memref<1x1x128xi32, #tpu.memory_space<vmem>> -> memref<128xi32, #tpu.memory_space<vmem>>
      %dma_start3A_91 = arith.constant 0 : i32
      %dma_start3A_92 = arith.constant 0 : i32
      %dma_start3A_93 = tpu.memref_slice %arg7[%dma_start3A_91, %dma_start3A_92] : memref<10240x128xf32, #tpu.memory_space<vmem_shared>> -> memref<10240x128xf32, #tpu.memory_space<vmem_shared>>
      tpu.enqueue_indirect_dma source(%arg6 : memref<128x128xf32, #tpu.memory_space<vmem>>) target(%dma_start3A_93 : memref<10240x128xf32, #tpu.memory_space<vmem_shared>>) offsets(%dma_start3A_90 : memref<128xi32, #tpu.memory_space<vmem>>) semaphore(%arg8 : memref<!tpu.dma_semaphore, #tpu.memory_space<semaphore_mem>>) {add = true}
      %dma_wait3A = arith.constant 0 : i32
      %dma_wait3A_94 = arith.constant 0 : i32
      %dma_wait3A_95 = arith.constant 0 : i32
      %dma_wait3A_96 = tpu.memref_slice %arg4[%dma_wait3A, %dma_wait3A_94, %dma_wait3A_95] : memref<2x8x128xi32, #tpu.memory_space<vmem>> -> memref<1x1x128xi32, #tpu.memory_space<vmem>>
      %dma_wait3A_97 = tpu.memref_squeeze %dma_wait3A_96 : memref<1x1x128xi32, #tpu.memory_space<vmem>> -> memref<128xi32, #tpu.memory_space<vmem>>
      %dma_wait3A_98 = arith.constant 0 : i32
      %dma_wait3A_99 = arith.constant 0 : i32
      %dma_wait3A_100 = tpu.memref_slice %arg7[%dma_wait3A_98, %dma_wait3A_99] : memref<10240x128xf32, #tpu.memory_space<vmem_shared>> -> memref<10240x128xf32, #tpu.memory_space<vmem_shared>>
      tpu.wait_indirect_dma semaphore(%arg8 : memref<!tpu.dma_semaphore, #tpu.memory_space<semaphore_mem>>) src(%arg6 : memref<128x128xf32, #tpu.memory_space<vmem>>) dst(%dma_wait3A_100 : memref<10240x128xf32, #tpu.memory_space<vmem_shared>>)
      %dma_wait3A_101 = arith.constant 0 : i32
      %dma_wait3A_102 = arith.constant 1 : i32
      %dma_wait3A_103 = arith.constant 0 : i32
      %dma_wait3A_104 = tpu.memref_slice %arg4[%dma_wait3A_101, %dma_wait3A_102, %dma_wait3A_103] : memref<2x8x128xi32, #tpu.memory_space<vmem>> -> memref<1x1x128xi32, #tpu.memory_space<vmem>>
      %dma_wait3A_105 = tpu.memref_squeeze %dma_wait3A_104 : memref<1x1x128xi32, #tpu.memory_space<vmem>> -> memref<128xi32, #tpu.memory_space<vmem>>
      %dma_wait3A_106 = arith.constant 0 : i32
      %dma_wait3A_107 = arith.constant 0 : i32
      %dma_wait3A_108 = tpu.memref_slice %arg7[%dma_wait3A_106, %dma_wait3A_107] : memref<10240x128xf32, #tpu.memory_space<vmem_shared>> -> memref<10240x128xf32, #tpu.memory_space<vmem_shared>>
      tpu.wait_indirect_dma semaphore(%arg8 : memref<!tpu.dma_semaphore, #tpu.memory_space<semaphore_mem>>) src(%arg6 : memref<128x128xf32, #tpu.memory_space<vmem>>) dst(%dma_wait3A_108 : memref<10240x128xf32, #tpu.memory_space<vmem_shared>>)
      %dma_wait3A_109 = arith.constant 0 : i32
      %dma_wait3A_110 = arith.constant 2 : i32
      %dma_wait3A_111 = arith.constant 0 : i32
      %dma_wait3A_112 = tpu.memref_slice %arg4[%dma_wait3A_109, %dma_wait3A_110, %dma_wait3A_111] : memref<2x8x128xi32, #tpu.memory_space<vmem>> -> memref<1x1x128xi32, #tpu.memory_space<vmem>>
      %dma_wait3A_113 = tpu.memref_squeeze %dma_wait3A_112 : memref<1x1x128xi32, #tpu.memory_space<vmem>> -> memref<128xi32, #tpu.memory_space<vmem>>
      %dma_wait3A_114 = arith.constant 0 : i32
      %dma_wait3A_115 = arith.constant 0 : i32
      %dma_wait3A_116 = tpu.memref_slice %arg7[%dma_wait3A_114, %dma_wait3A_115] : memref<10240x128xf32, #tpu.memory_space<vmem_shared>> -> memref<10240x128xf32, #tpu.memory_space<vmem_shared>>
      tpu.wait_indirect_dma semaphore(%arg8 : memref<!tpu.dma_semaphore, #tpu.memory_space<semaphore_mem>>) src(%arg6 : memref<128x128xf32, #tpu.memory_space<vmem>>) dst(%dma_wait3A_116 : memref<10240x128xf32, #tpu.memory_space<vmem_shared>>)
      %dma_wait3A_117 = arith.constant 0 : i32
      %dma_wait3A_118 = arith.constant 3 : i32
      %dma_wait3A_119 = arith.constant 0 : i32
      %dma_wait3A_120 = tpu.memref_slice %arg4[%dma_wait3A_117, %dma_wait3A_118, %dma_wait3A_119] : memref<2x8x128xi32, #tpu.memory_space<vmem>> -> memref<1x1x128xi32, #tpu.memory_space<vmem>>
      %dma_wait3A_121 = tpu.memref_squeeze %dma_wait3A_120 : memref<1x1x128xi32, #tpu.memory_space<vmem>> -> memref<128xi32, #tpu.memory_space<vmem>>
      %dma_wait3A_122 = arith.constant 0 : i32
      %dma_wait3A_123 = arith.constant 0 : i32
      %dma_wait3A_124 = tpu.memref_slice %arg7[%dma_wait3A_122, %dma_wait3A_123] : memref<10240x128xf32, #tpu.memory_space<vmem_shared>> -> memref<10240x128xf32, #tpu.memory_space<vmem_shared>>
      tpu.wait_indirect_dma semaphore(%arg8 : memref<!tpu.dma_semaphore, #tpu.memory_space<semaphore_mem>>) src(%arg6 : memref<128x128xf32, #tpu.memory_space<vmem>>) dst(%dma_wait3A_124 : memref<10240x128xf32, #tpu.memory_space<vmem_shared>>)
      %dma_wait3A_125 = arith.constant 0 : i32
      %dma_wait3A_126 = arith.constant 4 : i32
      %dma_wait3A_127 = arith.constant 0 : i32
      %dma_wait3A_128 = tpu.memref_slice %arg4[%dma_wait3A_125, %dma_wait3A_126, %dma_wait3A_127] : memref<2x8x128xi32, #tpu.memory_space<vmem>> -> memref<1x1x128xi32, #tpu.memory_space<vmem>>
      %dma_wait3A_129 = tpu.memref_squeeze %dma_wait3A_128 : memref<1x1x128xi32, #tpu.memory_space<vmem>> -> memref<128xi32, #tpu.memory_space<vmem>>
      %dma_wait3A_130 = arith.constant 0 : i32
      %dma_wait3A_131 = arith.constant 0 : i32
      %dma_wait3A_132 = tpu.memref_slice %arg7[%dma_wait3A_130, %dma_wait3A_131] : memref<10240x128xf32, #tpu.memory_space<vmem_shared>> -> memref<10240x128xf32, #tpu.memory_space<vmem_shared>>
      tpu.wait_indirect_dma semaphore(%arg8 : memref<!tpu.dma_semaphore, #tpu.memory_space<semaphore_mem>>) src(%arg6 : memref<128x128xf32, #tpu.memory_space<vmem>>) dst(%dma_wait3A_132 : memref<10240x128xf32, #tpu.memory_space<vmem_shared>>)
      %dma_wait3A_133 = arith.constant 0 : i32
      %dma_wait3A_134 = arith.constant 5 : i32
      %dma_wait3A_135 = arith.constant 0 : i32
      %dma_wait3A_136 = tpu.memref_slice %arg4[%dma_wait3A_133, %dma_wait3A_134, %dma_wait3A_135] : memref<2x8x128xi32, #tpu.memory_space<vmem>> -> memref<1x1x128xi32, #tpu.memory_space<vmem>>
      %dma_wait3A_137 = tpu.memref_squeeze %dma_wait3A_136 : memref<1x1x128xi32, #tpu.memory_space<vmem>> -> memref<128xi32, #tpu.memory_space<vmem>>
      %dma_wait3A_138 = arith.constant 0 : i32
      %dma_wait3A_139 = arith.constant 0 : i32
      %dma_wait3A_140 = tpu.memref_slice %arg7[%dma_wait3A_138, %dma_wait3A_139] : memref<10240x128xf32, #tpu.memory_space<vmem_shared>> -> memref<10240x128xf32, #tpu.memory_space<vmem_shared>>
      tpu.wait_indirect_dma semaphore(%arg8 : memref<!tpu.dma_semaphore, #tpu.memory_space<semaphore_mem>>) src(%arg6 : memref<128x128xf32, #tpu.memory_space<vmem>>) dst(%dma_wait3A_140 : memref<10240x128xf32, #tpu.memory_space<vmem_shared>>)
      %dma_wait3A_141 = arith.constant 0 : i32
      %dma_wait3A_142 = arith.constant 6 : i32
      %dma_wait3A_143 = arith.constant 0 : i32
      %dma_wait3A_144 = tpu.memref_slice %arg4[%dma_wait3A_141, %dma_wait3A_142, %dma_wait3A_143] : memref<2x8x128xi32, #tpu.memory_space<vmem>> -> memref<1x1x128xi32, #tpu.memory_space<vmem>>
      %dma_wait3A_145 = tpu.memref_squeeze %dma_wait3A_144 : memref<1x1x128xi32, #tpu.memory_space<vmem>> -> memref<128xi32, #tpu.memory_space<vmem>>
      %dma_wait3A_146 = arith.constant 0 : i32
      %dma_wait3A_147 = arith.constant 0 : i32
      %dma_wait3A_148 = tpu.memref_slice %arg7[%dma_wait3A_146, %dma_wait3A_147] : memref<10240x128xf32, #tpu.memory_space<vmem_shared>> -> memref<10240x128xf32, #tpu.memory_space<vmem_shared>>
      tpu.wait_indirect_dma semaphore(%arg8 : memref<!tpu.dma_semaphore, #tpu.memory_space<semaphore_mem>>) src(%arg6 : memref<128x128xf32, #tpu.memory_space<vmem>>) dst(%dma_wait3A_148 : memref<10240x128xf32, #tpu.memory_space<vmem_shared>>)
      %dma_wait3A_149 = arith.constant 0 : i32
      %dma_wait3A_150 = arith.constant 7 : i32
      %dma_wait3A_151 = arith.constant 0 : i32
      %dma_wait3A_152 = tpu.memref_slice %arg4[%dma_wait3A_149, %dma_wait3A_150, %dma_wait3A_151] : memref<2x8x128xi32, #tpu.memory_space<vmem>> -> memref<1x1x128xi32, #tpu.memory_space<vmem>>
      %dma_wait3A_153 = tpu.memref_squeeze %dma_wait3A_152 : memref<1x1x128xi32, #tpu.memory_space<vmem>> -> memref<128xi32, #tpu.memory_space<vmem>>
      %dma_wait3A_154 = arith.constant 0 : i32
      %dma_wait3A_155 = arith.constant 0 : i32
      %dma_wait3A_156 = tpu.memref_slice %arg7[%dma_wait3A_154, %dma_wait3A_155] : memref<10240x128xf32, #tpu.memory_space<vmem_shared>> -> memref<10240x128xf32, #tpu.memory_space<vmem_shared>>
      tpu.wait_indirect_dma semaphore(%arg8 : memref<!tpu.dma_semaphore, #tpu.memory_space<semaphore_mem>>) src(%arg6 : memref<128x128xf32, #tpu.memory_space<vmem>>) dst(%dma_wait3A_156 : memref<10240x128xf32, #tpu.memory_space<vmem_shared>>)
    }
    %scan3A_26 = arith.constant 20 : i32
    %barrier3A_27 = arith.constant 0 : index
    tpu.barrier barrier_id(%barrier3A_27)
    "tpu.region"() ({
      %run_scoped3A = tpu.sem_alloc : memref<!tpu.dma_semaphore, #tpu.memory_space<semaphore_mem>>
      %dma_start3A = arith.constant 0 : i32
      %dma_start3A_28 = arith.constant 0 : i32
      %dma_start3A_29 = tpu.memref_slice %arg3[%arg0, %arg1, %dma_start3A, %dma_start3A_28] : memref<2x16x640x128xf32, #tpu.memory_space<hbm>> -> memref<1x1x640x128xf32, #tpu.memory_space<hbm>>
      %dma_start3A_30 = tpu.memref_squeeze %dma_start3A_29 : memref<1x1x640x128xf32, #tpu.memory_space<hbm>> -> memref<640x128xf32, #tpu.memory_space<hbm>>
      %dma_start3A_31 = arith.constant 0 : i32
      %dma_start3A_32 = tpu.memref_slice %arg7[%mul3A_0, %dma_start3A_31] : memref<10240x128xf32, #tpu.memory_space<vmem_shared>> -> memref<640x128xf32, #tpu.memory_space<vmem_shared>>
      tpu.enqueue_dma source(%dma_start3A_32 : memref<640x128xf32, #tpu.memory_space<vmem_shared>>) target(%dma_start3A_30 : memref<640x128xf32, #tpu.memory_space<hbm>>) target_semaphore(%run_scoped3A : memref<!tpu.dma_semaphore, #tpu.memory_space<semaphore_mem>>)
      %dma_wait3A = arith.constant 0 : i32
      %dma_wait3A_33 = arith.constant 0 : i32
      %dma_wait3A_34 = tpu.memref_slice %arg3[%arg0, %arg1, %dma_wait3A, %dma_wait3A_33] : memref<2x16x640x128xf32, #tpu.memory_space<hbm>> -> memref<1x1x640x128xf32, #tpu.memory_space<hbm>>
      %dma_wait3A_35 = tpu.memref_squeeze %dma_wait3A_34 : memref<1x1x640x128xf32, #tpu.memory_space<hbm>> -> memref<640x128xf32, #tpu.memory_space<hbm>>
      %dma_wait3A_36 = arith.constant 0 : i32
      %dma_wait3A_37 = tpu.memref_slice %arg7[%mul3A_0, %dma_wait3A_36] : memref<10240x128xf32, #tpu.memory_space<vmem_shared>> -> memref<640x128xf32, #tpu.memory_space<vmem_shared>>
      tpu.wait_dma2 semaphore(%run_scoped3A : memref<!tpu.dma_semaphore, #tpu.memory_space<semaphore_mem>>) src(%dma_wait3A_37 : memref<640x128xf32, #tpu.memory_space<vmem_shared>>) dst(%dma_wait3A_35 : memref<640x128xf32, #tpu.memory_space<hbm>>)
      tpu.yield
    }) : () -> ()
    return
  }
}

#map = affine_map<(d0, d1) -> (0, 0)>
#map1 = affine_map<(d0, d1) -> (0, 0, 0, 0)>
module attributes {stable_mosaic.version = 14 : i64} {
  func.func @_sc_agg(%arg0: i32, %arg1: i32, %arg2: memref<20480x128xf32, #tpu.memory_space<hbm>>, %arg3: memref<2x16x160x128xi32, #tpu.memory_space<hbm>>, %arg4: memref<2x16x160x128xi32, #tpu.memory_space<hbm>>, %arg5: memref<2x16x640x128xf32, #tpu.memory_space<hbm>>, %arg6: memref<2x8x128xi32, #tpu.memory_space<vmem>>, %arg7: memref<2x8x128xi32, #tpu.memory_space<vmem>>, %arg8: memref<128x128xf32, #tpu.memory_space<vmem>>, %arg9: memref<128x128xf32, #tpu.memory_space<vmem>>, %arg10: memref<10240x128xf32, #tpu.memory_space<vmem_shared>>, %arg11: memref<!tpu.dma_semaphore, #tpu.memory_space<semaphore_mem>>, %arg12: memref<!tpu.dma_semaphore, #tpu.memory_space<semaphore_mem>>, %arg13: memref<!tpu.dma_semaphore, #tpu.memory_space<semaphore_mem>>, %arg14: memref<!tpu.dma_semaphore, #tpu.memory_space<semaphore_mem>>) attributes {dimension_semantics = [#tpu.dimension_semantics<core_parallel>, #tpu.dimension_semantics<subcore_parallel>], iteration_bounds = array<i64: 2, 16>, scalar_prefetch = 0 : i64, scratch_operands = 9 : i64, tpu.core_type = #tpu.core_type<sc_vector_subcore>, window_params = [{transform_indices = #map}, {transform_indices = #map1}, {transform_indices = #map1}, {transform_indices = #map1}]} {
    %mul3A = arith.constant 640 : i32
    %mul3A_0 = arith.muli %arg1, %mul3A : i32
    %scan3A = arith.constant 0 : i32
    %scan3A_1 = arith.constant 0 : i32
    %scan3A_2 = arith.constant 128 : i32
    %scan3A_3 = arith.addi %scan3A_1, %scan3A_2 : i32
    %scan3A_4 = arith.constant 1 : i32
    scf.for %scan3A_35 = %scan3A_1 to %scan3A_3 step %scan3A_4  : i32 {
      %scan3A_36 = arith.constant 0 : i32
      %scan3A_37 = arith.constant 8 : i32
      %scan3A_38 = arith.addi %scan3A_36, %scan3A_37 : i32
      %scan3A_39 = arith.constant 1 : i32
      scf.for %scan3A_41 = %scan3A_36 to %scan3A_38 step %scan3A_39  : i32 {
        %broadcast_in_dim3A = arith.constant 0.000000e+00 : f32
        %broadcast_in_dim3A_42 = vector.broadcast %broadcast_in_dim3A : f32 to vector<16xf32>
        %mul3A_43 = arith.constant 16 : i32
        %mul3A_44 = arith.muli %scan3A_41, %mul3A_43 : i32
        %multiple_of3A = tpu.assume_multiple %mul3A_44, 16 : i32
        %swap3A = arith.index_cast %scan3A_35 : i32 to index
        %swap3A_45 = arith.index_cast %multiple_of3A : i32 to index
        %swap3A_46 = tpu.vector_load %arg8[%swap3A, %swap3A_45] {strides = array<i32>} : memref<128x128xf32, #tpu.memory_space<vmem>>, vector<1x16xf32>,
        %swap3A_47 = vector.shape_cast %swap3A_46 : vector<1x16xf32> to vector<16xf32>
        %swap3A_48 = vector.shape_cast %broadcast_in_dim3A_42 : vector<16xf32> to vector<1x16xf32>
        tpu.vector_store %arg8[%swap3A, %swap3A_45], %swap3A_48 {strides = array<i32>} : memref<128x128xf32, #tpu.memory_space<vmem>>, vector<1x16xf32>,
      }
      %scan3A_40 = arith.constant 8 : i32
    }
    %scan3A_5 = arith.constant 128 : i32
    %add3A = arith.constant 0 : i32
    %add3A_6 = arith.addi %mul3A_0, %add3A : i32
    "tpu.region"() ({
      %run_scoped3A_35 = tpu.sem_alloc : memref<!tpu.dma_semaphore, #tpu.memory_space<semaphore_mem>>
      %dma_start3A_36 = arith.constant 0 : i32
      %dma_start3A_37 = tpu.memref_slice %arg10[%add3A_6, %dma_start3A_36] : memref<10240x128xf32, #tpu.memory_space<vmem_shared>> -> memref<128x128xf32, #tpu.memory_space<vmem_shared>>
      %dma_start3A_38 = arith.constant 0 : i32
      %dma_start3A_39 = tpu.memref_slice %arg10[%add3A_6, %dma_start3A_38] : memref<10240x128xf32, #tpu.memory_space<vmem_shared>> -> memref<128x128xf32, #tpu.memory_space<vmem_shared>>
      tpu.enqueue_dma source(%arg8 : memref<128x128xf32, #tpu.memory_space<vmem>>) target(%dma_start3A_39 : memref<128x128xf32, #tpu.memory_space<vmem_shared>>) target_semaphore(%run_scoped3A_35 : memref<!tpu.dma_semaphore, #tpu.memory_space<semaphore_mem>>)
      %dma_wait3A_40 = arith.constant 0 : i32
      %dma_wait3A_41 = tpu.memref_slice %arg10[%add3A_6, %dma_wait3A_40] : memref<10240x128xf32, #tpu.memory_space<vmem_shared>> -> memref<128x128xf32, #tpu.memory_space<vmem_shared>>
      %dma_wait3A_42 = arith.constant 0 : i32
      %dma_wait3A_43 = tpu.memref_slice %arg10[%add3A_6, %dma_wait3A_42] : memref<10240x128xf32, #tpu.memory_space<vmem_shared>> -> memref<128x128xf32, #tpu.memory_space<vmem_shared>>
      tpu.wait_dma2 semaphore(%run_scoped3A_35 : memref<!tpu.dma_semaphore, #tpu.memory_space<semaphore_mem>>) src(%arg8 : memref<128x128xf32, #tpu.memory_space<vmem>>) dst(%dma_wait3A_43 : memref<128x128xf32, #tpu.memory_space<vmem_shared>>)
      tpu.yield
    }) : () -> ()
    %add3A_7 = arith.constant 128 : i32
    %add3A_8 = arith.addi %mul3A_0, %add3A_7 : i32
    "tpu.region"() ({
      %run_scoped3A_35 = tpu.sem_alloc : memref<!tpu.dma_semaphore, #tpu.memory_space<semaphore_mem>>
      %dma_start3A_36 = arith.constant 0 : i32
      %dma_start3A_37 = tpu.memref_slice %arg10[%add3A_8, %dma_start3A_36] : memref<10240x128xf32, #tpu.memory_space<vmem_shared>> -> memref<128x128xf32, #tpu.memory_space<vmem_shared>>
      %dma_start3A_38 = arith.constant 0 : i32
      %dma_start3A_39 = tpu.memref_slice %arg10[%add3A_8, %dma_start3A_38] : memref<10240x128xf32, #tpu.memory_space<vmem_shared>> -> memref<128x128xf32, #tpu.memory_space<vmem_shared>>
      tpu.enqueue_dma source(%arg8 : memref<128x128xf32, #tpu.memory_space<vmem>>) target(%dma_start3A_39 : memref<128x128xf32, #tpu.memory_space<vmem_shared>>) target_semaphore(%run_scoped3A_35 : memref<!tpu.dma_semaphore, #tpu.memory_space<semaphore_mem>>)
      %dma_wait3A_40 = arith.constant 0 : i32
      %dma_wait3A_41 = tpu.memref_slice %arg10[%add3A_8, %dma_wait3A_40] : memref<10240x128xf32, #tpu.memory_space<vmem_shared>> -> memref<128x128xf32, #tpu.memory_space<vmem_shared>>
      %dma_wait3A_42 = arith.constant 0 : i32
      %dma_wait3A_43 = tpu.memref_slice %arg10[%add3A_8, %dma_wait3A_42] : memref<10240x128xf32, #tpu.memory_space<vmem_shared>> -> memref<128x128xf32, #tpu.memory_space<vmem_shared>>
      tpu.wait_dma2 semaphore(%run_scoped3A_35 : memref<!tpu.dma_semaphore, #tpu.memory_space<semaphore_mem>>) src(%arg8 : memref<128x128xf32, #tpu.memory_space<vmem>>) dst(%dma_wait3A_43 : memref<128x128xf32, #tpu.memory_space<vmem_shared>>)
      tpu.yield
    }) : () -> ()
    %add3A_9 = arith.constant 256 : i32
    %add3A_10 = arith.addi %mul3A_0, %add3A_9 : i32
    "tpu.region"() ({
      %run_scoped3A_35 = tpu.sem_alloc : memref<!tpu.dma_semaphore, #tpu.memory_space<semaphore_mem>>
      %dma_start3A_36 = arith.constant 0 : i32
      %dma_start3A_37 = tpu.memref_slice %arg10[%add3A_10, %dma_start3A_36] : memref<10240x128xf32, #tpu.memory_space<vmem_shared>> -> memref<128x128xf32, #tpu.memory_space<vmem_shared>>
      %dma_start3A_38 = arith.constant 0 : i32
      %dma_start3A_39 = tpu.memref_slice %arg10[%add3A_10, %dma_start3A_38] : memref<10240x128xf32, #tpu.memory_space<vmem_shared>> -> memref<128x128xf32, #tpu.memory_space<vmem_shared>>
      tpu.enqueue_dma source(%arg8 : memref<128x128xf32, #tpu.memory_space<vmem>>) target(%dma_start3A_39 : memref<128x128xf32, #tpu.memory_space<vmem_shared>>) target_semaphore(%run_scoped3A_35 : memref<!tpu.dma_semaphore, #tpu.memory_space<semaphore_mem>>)
      %dma_wait3A_40 = arith.constant 0 : i32
      %dma_wait3A_41 = tpu.memref_slice %arg10[%add3A_10, %dma_wait3A_40] : memref<10240x128xf32, #tpu.memory_space<vmem_shared>> -> memref<128x128xf32, #tpu.memory_space<vmem_shared>>
      %dma_wait3A_42 = arith.constant 0 : i32
      %dma_wait3A_43 = tpu.memref_slice %arg10[%add3A_10, %dma_wait3A_42] : memref<10240x128xf32, #tpu.memory_space<vmem_shared>> -> memref<128x128xf32, #tpu.memory_space<vmem_shared>>
      tpu.wait_dma2 semaphore(%run_scoped3A_35 : memref<!tpu.dma_semaphore, #tpu.memory_space<semaphore_mem>>) src(%arg8 : memref<128x128xf32, #tpu.memory_space<vmem>>) dst(%dma_wait3A_43 : memref<128x128xf32, #tpu.memory_space<vmem_shared>>)
      tpu.yield
    }) : () -> ()
    %add3A_11 = arith.constant 384 : i32
    %add3A_12 = arith.addi %mul3A_0, %add3A_11 : i32
    "tpu.region"() ({
      %run_scoped3A_35 = tpu.sem_alloc : memref<!tpu.dma_semaphore, #tpu.memory_space<semaphore_mem>>
      %dma_start3A_36 = arith.constant 0 : i32
      %dma_start3A_37 = tpu.memref_slice %arg10[%add3A_12, %dma_start3A_36] : memref<10240x128xf32, #tpu.memory_space<vmem_shared>> -> memref<128x128xf32, #tpu.memory_space<vmem_shared>>
      %dma_start3A_38 = arith.constant 0 : i32
      %dma_start3A_39 = tpu.memref_slice %arg10[%add3A_12, %dma_start3A_38] : memref<10240x128xf32, #tpu.memory_space<vmem_shared>> -> memref<128x128xf32, #tpu.memory_space<vmem_shared>>
      tpu.enqueue_dma source(%arg8 : memref<128x128xf32, #tpu.memory_space<vmem>>) target(%dma_start3A_39 : memref<128x128xf32, #tpu.memory_space<vmem_shared>>) target_semaphore(%run_scoped3A_35 : memref<!tpu.dma_semaphore, #tpu.memory_space<semaphore_mem>>)
      %dma_wait3A_40 = arith.constant 0 : i32
      %dma_wait3A_41 = tpu.memref_slice %arg10[%add3A_12, %dma_wait3A_40] : memref<10240x128xf32, #tpu.memory_space<vmem_shared>> -> memref<128x128xf32, #tpu.memory_space<vmem_shared>>
      %dma_wait3A_42 = arith.constant 0 : i32
      %dma_wait3A_43 = tpu.memref_slice %arg10[%add3A_12, %dma_wait3A_42] : memref<10240x128xf32, #tpu.memory_space<vmem_shared>> -> memref<128x128xf32, #tpu.memory_space<vmem_shared>>
      tpu.wait_dma2 semaphore(%run_scoped3A_35 : memref<!tpu.dma_semaphore, #tpu.memory_space<semaphore_mem>>) src(%arg8 : memref<128x128xf32, #tpu.memory_space<vmem>>) dst(%dma_wait3A_43 : memref<128x128xf32, #tpu.memory_space<vmem_shared>>)
      tpu.yield
    }) : () -> ()
    %add3A_13 = arith.constant 512 : i32
    %add3A_14 = arith.addi %mul3A_0, %add3A_13 : i32
    "tpu.region"() ({
      %run_scoped3A_35 = tpu.sem_alloc : memref<!tpu.dma_semaphore, #tpu.memory_space<semaphore_mem>>
      %dma_start3A_36 = arith.constant 0 : i32
      %dma_start3A_37 = tpu.memref_slice %arg10[%add3A_14, %dma_start3A_36] : memref<10240x128xf32, #tpu.memory_space<vmem_shared>> -> memref<128x128xf32, #tpu.memory_space<vmem_shared>>
      %dma_start3A_38 = arith.constant 0 : i32
      %dma_start3A_39 = tpu.memref_slice %arg10[%add3A_14, %dma_start3A_38] : memref<10240x128xf32, #tpu.memory_space<vmem_shared>> -> memref<128x128xf32, #tpu.memory_space<vmem_shared>>
      tpu.enqueue_dma source(%arg8 : memref<128x128xf32, #tpu.memory_space<vmem>>) target(%dma_start3A_39 : memref<128x128xf32, #tpu.memory_space<vmem_shared>>) target_semaphore(%run_scoped3A_35 : memref<!tpu.dma_semaphore, #tpu.memory_space<semaphore_mem>>)
      %dma_wait3A_40 = arith.constant 0 : i32
      %dma_wait3A_41 = tpu.memref_slice %arg10[%add3A_14, %dma_wait3A_40] : memref<10240x128xf32, #tpu.memory_space<vmem_shared>> -> memref<128x128xf32, #tpu.memory_space<vmem_shared>>
      %dma_wait3A_42 = arith.constant 0 : i32
      %dma_wait3A_43 = tpu.memref_slice %arg10[%add3A_14, %dma_wait3A_42] : memref<10240x128xf32, #tpu.memory_space<vmem_shared>> -> memref<128x128xf32, #tpu.memory_space<vmem_shared>>
      tpu.wait_dma2 semaphore(%run_scoped3A_35 : memref<!tpu.dma_semaphore, #tpu.memory_space<semaphore_mem>>) src(%arg8 : memref<128x128xf32, #tpu.memory_space<vmem>>) dst(%dma_wait3A_43 : memref<128x128xf32, #tpu.memory_space<vmem_shared>>)
      tpu.yield
    }) : () -> ()
    %barrier3A = arith.constant 0 : index
    tpu.barrier barrier_id(%barrier3A)
    %run_scoped3A = arith.constant 0 : i32
    "tpu.region"() ({
      %run_scoped3A_35 = tpu.sem_alloc : memref<!tpu.dma_semaphore, #tpu.memory_space<semaphore_mem>>
      %dma_start3A_36 = arith.constant 0 : i32
      %dma_start3A_37 = arith.constant 0 : i32
      %dma_start3A_38 = tpu.memref_slice %arg6[%run_scoped3A, %dma_start3A_36, %dma_start3A_37] : memref<2x8x128xi32, #tpu.memory_space<vmem>> -> memref<1x8x128xi32, #tpu.memory_space<vmem>>
      %dma_start3A_39 = tpu.memref_squeeze %dma_start3A_38 : memref<1x8x128xi32, #tpu.memory_space<vmem>> -> memref<8x128xi32, #tpu.memory_space<vmem>>
      %dma_start3A_40 = arith.constant 0 : i32
      %dma_start3A_41 = arith.constant 0 : i32
      %dma_start3A_42 = tpu.memref_slice %arg3[%arg0, %arg1, %dma_start3A_40, %dma_start3A_41] : memref<2x16x160x128xi32, #tpu.memory_space<hbm>> -> memref<1x1x8x128xi32, #tpu.memory_space<hbm>>
      %dma_start3A_43 = tpu.memref_squeeze %dma_start3A_42 : memref<1x1x8x128xi32, #tpu.memory_space<hbm>> -> memref<8x128xi32, #tpu.memory_space<hbm>>
      %dma_start3A_44 = arith.constant 0 : i32
      %dma_start3A_45 = arith.constant 0 : i32
      %dma_start3A_46 = tpu.memref_slice %arg6[%run_scoped3A, %dma_start3A_44, %dma_start3A_45] : memref<2x8x128xi32, #tpu.memory_space<vmem>> -> memref<1x8x128xi32, #tpu.memory_space<vmem>>
      %dma_start3A_47 = tpu.memref_squeeze %dma_start3A_46 : memref<1x8x128xi32, #tpu.memory_space<vmem>> -> memref<8x128xi32, #tpu.memory_space<vmem>>
      %dma_start3A_48 = arith.constant 0 : i32
      %dma_start3A_49 = arith.constant 0 : i32
      %dma_start3A_50 = tpu.memref_slice %arg3[%arg0, %arg1, %dma_start3A_48, %dma_start3A_49] : memref<2x16x160x128xi32, #tpu.memory_space<hbm>> -> memref<1x1x8x128xi32, #tpu.memory_space<hbm>>
      %dma_start3A_51 = tpu.memref_squeeze %dma_start3A_50 : memref<1x1x8x128xi32, #tpu.memory_space<hbm>> -> memref<8x128xi32, #tpu.memory_space<hbm>>
      tpu.enqueue_dma source(%dma_start3A_51 : memref<8x128xi32, #tpu.memory_space<hbm>>) target(%dma_start3A_47 : memref<8x128xi32, #tpu.memory_space<vmem>>) target_semaphore(%run_scoped3A_35 : memref<!tpu.dma_semaphore, #tpu.memory_space<semaphore_mem>>)
      %dma_wait3A_52 = arith.constant 0 : i32
      %dma_wait3A_53 = arith.constant 0 : i32
      %dma_wait3A_54 = tpu.memref_slice %arg6[%run_scoped3A, %dma_wait3A_52, %dma_wait3A_53] : memref<2x8x128xi32, #tpu.memory_space<vmem>> -> memref<1x8x128xi32, #tpu.memory_space<vmem>>
      %dma_wait3A_55 = tpu.memref_squeeze %dma_wait3A_54 : memref<1x8x128xi32, #tpu.memory_space<vmem>> -> memref<8x128xi32, #tpu.memory_space<vmem>>
      %dma_wait3A_56 = arith.constant 0 : i32
      %dma_wait3A_57 = arith.constant 0 : i32
      %dma_wait3A_58 = tpu.memref_slice %arg3[%arg0, %arg1, %dma_wait3A_56, %dma_wait3A_57] : memref<2x16x160x128xi32, #tpu.memory_space<hbm>> -> memref<1x1x8x128xi32, #tpu.memory_space<hbm>>
      %dma_wait3A_59 = tpu.memref_squeeze %dma_wait3A_58 : memref<1x1x8x128xi32, #tpu.memory_space<hbm>> -> memref<8x128xi32, #tpu.memory_space<hbm>>
      %dma_wait3A_60 = arith.constant 0 : i32
      %dma_wait3A_61 = arith.constant 0 : i32
      %dma_wait3A_62 = tpu.memref_slice %arg6[%run_scoped3A, %dma_wait3A_60, %dma_wait3A_61] : memref<2x8x128xi32, #tpu.memory_space<vmem>> -> memref<1x8x128xi32, #tpu.memory_space<vmem>>
      %dma_wait3A_63 = tpu.memref_squeeze %dma_wait3A_62 : memref<1x8x128xi32, #tpu.memory_space<vmem>> -> memref<8x128xi32, #tpu.memory_space<vmem>>
      %dma_wait3A_64 = arith.constant 0 : i32
      %dma_wait3A_65 = arith.constant 0 : i32
      %dma_wait3A_66 = tpu.memref_slice %arg3[%arg0, %arg1, %dma_wait3A_64, %dma_wait3A_65] : memref<2x16x160x128xi32, #tpu.memory_space<hbm>> -> memref<1x1x8x128xi32, #tpu.memory_space<hbm>>
      %dma_wait3A_67 = tpu.memref_squeeze %dma_wait3A_66 : memref<1x1x8x128xi32, #tpu.memory_space<hbm>> -> memref<8x128xi32, #tpu.memory_space<hbm>>
      tpu.wait_dma2 semaphore(%run_scoped3A_35 : memref<!tpu.dma_semaphore, #tpu.memory_space<semaphore_mem>>) src(%dma_wait3A_67 : memref<8x128xi32, #tpu.memory_space<hbm>>) dst(%dma_wait3A_63 : memref<8x128xi32, #tpu.memory_space<vmem>>)
      tpu.yield
    }) : () -> ()
    %run_scoped3A_15 = arith.constant 0 : i32
    "tpu.region"() ({
      %run_scoped3A_35 = tpu.sem_alloc : memref<!tpu.dma_semaphore, #tpu.memory_space<semaphore_mem>>
      %dma_start3A_36 = arith.constant 0 : i32
      %dma_start3A_37 = arith.constant 0 : i32
      %dma_start3A_38 = tpu.memref_slice %arg7[%run_scoped3A_15, %dma_start3A_36, %dma_start3A_37] : memref<2x8x128xi32, #tpu.memory_space<vmem>> -> memref<1x8x128xi32, #tpu.memory_space<vmem>>
      %dma_start3A_39 = tpu.memref_squeeze %dma_start3A_38 : memref<1x8x128xi32, #tpu.memory_space<vmem>> -> memref<8x128xi32, #tpu.memory_space<vmem>>
      %dma_start3A_40 = arith.constant 0 : i32
      %dma_start3A_41 = arith.constant 0 : i32
      %dma_start3A_42 = tpu.memref_slice %arg4[%arg0, %arg1, %dma_start3A_40, %dma_start3A_41] : memref<2x16x160x128xi32, #tpu.memory_space<hbm>> -> memref<1x1x8x128xi32, #tpu.memory_space<hbm>>
      %dma_start3A_43 = tpu.memref_squeeze %dma_start3A_42 : memref<1x1x8x128xi32, #tpu.memory_space<hbm>> -> memref<8x128xi32, #tpu.memory_space<hbm>>
      %dma_start3A_44 = arith.constant 0 : i32
      %dma_start3A_45 = arith.constant 0 : i32
      %dma_start3A_46 = tpu.memref_slice %arg7[%run_scoped3A_15, %dma_start3A_44, %dma_start3A_45] : memref<2x8x128xi32, #tpu.memory_space<vmem>> -> memref<1x8x128xi32, #tpu.memory_space<vmem>>
      %dma_start3A_47 = tpu.memref_squeeze %dma_start3A_46 : memref<1x8x128xi32, #tpu.memory_space<vmem>> -> memref<8x128xi32, #tpu.memory_space<vmem>>
      %dma_start3A_48 = arith.constant 0 : i32
      %dma_start3A_49 = arith.constant 0 : i32
      %dma_start3A_50 = tpu.memref_slice %arg4[%arg0, %arg1, %dma_start3A_48, %dma_start3A_49] : memref<2x16x160x128xi32, #tpu.memory_space<hbm>> -> memref<1x1x8x128xi32, #tpu.memory_space<hbm>>
      %dma_start3A_51 = tpu.memref_squeeze %dma_start3A_50 : memref<1x1x8x128xi32, #tpu.memory_space<hbm>> -> memref<8x128xi32, #tpu.memory_space<hbm>>
      tpu.enqueue_dma source(%dma_start3A_51 : memref<8x128xi32, #tpu.memory_space<hbm>>) target(%dma_start3A_47 : memref<8x128xi32, #tpu.memory_space<vmem>>) target_semaphore(%run_scoped3A_35 : memref<!tpu.dma_semaphore, #tpu.memory_space<semaphore_mem>>)
      %dma_wait3A_52 = arith.constant 0 : i32
      %dma_wait3A_53 = arith.constant 0 : i32
      %dma_wait3A_54 = tpu.memref_slice %arg7[%run_scoped3A_15, %dma_wait3A_52, %dma_wait3A_53] : memref<2x8x128xi32, #tpu.memory_space<vmem>> -> memref<1x8x128xi32, #tpu.memory_space<vmem>>
      %dma_wait3A_55 = tpu.memref_squeeze %dma_wait3A_54 : memref<1x8x128xi32, #tpu.memory_space<vmem>> -> memref<8x128xi32, #tpu.memory_space<vmem>>
      %dma_wait3A_56 = arith.constant 0 : i32
      %dma_wait3A_57 = arith.constant 0 : i32
      %dma_wait3A_58 = tpu.memref_slice %arg4[%arg0, %arg1, %dma_wait3A_56, %dma_wait3A_57] : memref<2x16x160x128xi32, #tpu.memory_space<hbm>> -> memref<1x1x8x128xi32, #tpu.memory_space<hbm>>
      %dma_wait3A_59 = tpu.memref_squeeze %dma_wait3A_58 : memref<1x1x8x128xi32, #tpu.memory_space<hbm>> -> memref<8x128xi32, #tpu.memory_space<hbm>>
      %dma_wait3A_60 = arith.constant 0 : i32
      %dma_wait3A_61 = arith.constant 0 : i32
      %dma_wait3A_62 = tpu.memref_slice %arg7[%run_scoped3A_15, %dma_wait3A_60, %dma_wait3A_61] : memref<2x8x128xi32, #tpu.memory_space<vmem>> -> memref<1x8x128xi32, #tpu.memory_space<vmem>>
      %dma_wait3A_63 = tpu.memref_squeeze %dma_wait3A_62 : memref<1x8x128xi32, #tpu.memory_space<vmem>> -> memref<8x128xi32, #tpu.memory_space<vmem>>
      %dma_wait3A_64 = arith.constant 0 : i32
      %dma_wait3A_65 = arith.constant 0 : i32
      %dma_wait3A_66 = tpu.memref_slice %arg4[%arg0, %arg1, %dma_wait3A_64, %dma_wait3A_65] : memref<2x16x160x128xi32, #tpu.memory_space<hbm>> -> memref<1x1x8x128xi32, #tpu.memory_space<hbm>>
      %dma_wait3A_67 = tpu.memref_squeeze %dma_wait3A_66 : memref<1x1x8x128xi32, #tpu.memory_space<hbm>> -> memref<8x128xi32, #tpu.memory_space<hbm>>
      tpu.wait_dma2 semaphore(%run_scoped3A_35 : memref<!tpu.dma_semaphore, #tpu.memory_space<semaphore_mem>>) src(%dma_wait3A_67 : memref<8x128xi32, #tpu.memory_space<hbm>>) dst(%dma_wait3A_63 : memref<8x128xi32, #tpu.memory_space<vmem>>)
      tpu.yield
    }) : () -> ()
    %dma_start3A = arith.constant 0 : i32
    %dma_start3A_16 = arith.constant 0 : i32
    %dma_start3A_17 = arith.constant 0 : i32
    %dma_start3A_18 = tpu.memref_slice %arg6[%dma_start3A, %dma_start3A_16, %dma_start3A_17] : memref<2x8x128xi32, #tpu.memory_space<vmem>> -> memref<1x1x128xi32, #tpu.memory_space<vmem>>
    %dma_start3A_19 = tpu.memref_squeeze %dma_start3A_18 : memref<1x1x128xi32, #tpu.memory_space<vmem>> -> memref<128xi32, #tpu.memory_space<vmem>>
    %dma_start3A_20 = arith.constant 0 : i32
    %dma_start3A_21 = arith.constant 0 : i32
    %dma_start3A_22 = tpu.memref_slice %arg2[%dma_start3A_20, %dma_start3A_21] : memref<20480x128xf32, #tpu.memory_space<hbm>> -> memref<20480x128xf32, #tpu.memory_space<hbm>>
    tpu.enqueue_indirect_dma source(%dma_start3A_22 : memref<20480x128xf32, #tpu.memory_space<hbm>>) target(%arg8 : memref<128x128xf32, #tpu.memory_space<vmem>>) offsets(%dma_start3A_19 : memref<128xi32, #tpu.memory_space<vmem>>) semaphore(%arg11 : memref<!tpu.dma_semaphore, #tpu.memory_space<semaphore_mem>>)
    %scan3A_23 = arith.constant 0 : i32
    %scan3A_24 = arith.constant 0 : i32
    %scan3A_25 = arith.constant 20 : i32
    %scan3A_26 = arith.addi %scan3A_24, %scan3A_25 : i32
    %scan3A_27 = arith.constant 1 : i32
    scf.for %scan3A_35 = %scan3A_24 to %scan3A_26 step %scan3A_27  : i32 {
      %rem3A = arith.constant 2 : i32
      %rem3A_36 = arith.remsi %scan3A_35, %rem3A : i32
      %add3A_37 = arith.constant 1 : i32
      %add3A_38 = arith.addi %scan3A_35, %add3A_37 : i32
      %rem3A_39 = arith.constant 2 : i32
      %rem3A_40 = arith.remsi %add3A_38, %rem3A_39 : i32
      %gt3A = arith.constant 0 : i32
      %gt3A_41 = arith.cmpi sgt, %scan3A_35, %gt3A : i32
      %convert_element_type3A = arith.extui %gt3A_41 : i1 to i32
      %cond3A = arith.constant 0 : i32
      %cond3A_42 = arith.cmpi ne, %convert_element_type3A, %cond3A : i32
      scf.if %cond3A_42 {
        %dma_wait3A_265 = arith.constant 0 : i32
        %dma_wait3A_266 = arith.constant 0 : i32
        %dma_wait3A_267 = tpu.memref_slice %arg2[%dma_wait3A_265, %dma_wait3A_266] : memref<20480x128xf32, #tpu.memory_space<hbm>> -> memref<128x128xf32, #tpu.memory_space<hbm>>
        %dma_wait3A_268 = arith.constant 0 : i32
        %dma_wait3A_269 = arith.constant 0 : i32
        %dma_wait3A_270 = tpu.memref_slice %arg2[%dma_wait3A_268, %dma_wait3A_269] : memref<20480x128xf32, #tpu.memory_space<hbm>> -> memref<128x128xf32, #tpu.memory_space<hbm>>
        tpu.wait_dma2 semaphore(%arg14 : memref<!tpu.dma_semaphore, #tpu.memory_space<semaphore_mem>>) src(%dma_wait3A_270 : memref<128x128xf32, #tpu.memory_space<hbm>>) dst(%arg9 : memref<128x128xf32, #tpu.memory_space<vmem>>)
      } else {
      }
      %add3A_43 = arith.constant 1 : i32
      %add3A_44 = arith.addi %scan3A_35, %add3A_43 : i32
      %lt3A = arith.constant 20 : i32
      %lt3A_45 = arith.cmpi slt, %add3A_44, %lt3A : i32
      %convert_element_type3A_46 = arith.extui %lt3A_45 : i1 to i32
      %cond3A_47 = arith.constant 0 : i32
      %cond3A_48 = arith.cmpi ne, %convert_element_type3A_46, %cond3A_47 : i32
      scf.if %cond3A_48 {
        %add3A_265 = arith.constant 1 : i32
        %add3A_266 = arith.addi %scan3A_35, %add3A_265 : i32
        %mul3A_267 = arith.constant 8 : i32
        %mul3A_268 = arith.muli %add3A_266, %mul3A_267 : i32
        "tpu.region"() ({
          %run_scoped3A_273 = tpu.sem_alloc : memref<!tpu.dma_semaphore, #tpu.memory_space<semaphore_mem>>
          %dma_start3A_274 = arith.constant 0 : i32
          %dma_start3A_275 = arith.constant 0 : i32
          %dma_start3A_276 = tpu.memref_slice %arg6[%rem3A_40, %dma_start3A_274, %dma_start3A_275] : memref<2x8x128xi32, #tpu.memory_space<vmem>> -> memref<1x8x128xi32, #tpu.memory_space<vmem>>
          %dma_start3A_277 = tpu.memref_squeeze %dma_start3A_276 : memref<1x8x128xi32, #tpu.memory_space<vmem>> -> memref<8x128xi32, #tpu.memory_space<vmem>>
          %dma_start3A_278 = arith.constant 0 : i32
          %dma_start3A_279 = tpu.memref_slice %arg3[%arg0, %arg1, %mul3A_268, %dma_start3A_278] : memref<2x16x160x128xi32, #tpu.memory_space<hbm>> -> memref<1x1x8x128xi32, #tpu.memory_space<hbm>>
          %dma_start3A_280 = tpu.memref_squeeze %dma_start3A_279 : memref<1x1x8x128xi32, #tpu.memory_space<hbm>> -> memref<8x128xi32, #tpu.memory_space<hbm>>
          %dma_start3A_281 = arith.constant 0 : i32
          %dma_start3A_282 = arith.constant 0 : i32
          %dma_start3A_283 = tpu.memref_slice %arg6[%rem3A_40, %dma_start3A_281, %dma_start3A_282] : memref<2x8x128xi32, #tpu.memory_space<vmem>> -> memref<1x8x128xi32, #tpu.memory_space<vmem>>
          %dma_start3A_284 = tpu.memref_squeeze %dma_start3A_283 : memref<1x8x128xi32, #tpu.memory_space<vmem>> -> memref<8x128xi32, #tpu.memory_space<vmem>>
          %dma_start3A_285 = arith.constant 0 : i32
          %dma_start3A_286 = tpu.memref_slice %arg3[%arg0, %arg1, %mul3A_268, %dma_start3A_285] : memref<2x16x160x128xi32, #tpu.memory_space<hbm>> -> memref<1x1x8x128xi32, #tpu.memory_space<hbm>>
          %dma_start3A_287 = tpu.memref_squeeze %dma_start3A_286 : memref<1x1x8x128xi32, #tpu.memory_space<hbm>> -> memref<8x128xi32, #tpu.memory_space<hbm>>
          tpu.enqueue_dma source(%dma_start3A_287 : memref<8x128xi32, #tpu.memory_space<hbm>>) target(%dma_start3A_284 : memref<8x128xi32, #tpu.memory_space<vmem>>) target_semaphore(%run_scoped3A_273 : memref<!tpu.dma_semaphore, #tpu.memory_space<semaphore_mem>>)
          %dma_wait3A_288 = arith.constant 0 : i32
          %dma_wait3A_289 = arith.constant 0 : i32
          %dma_wait3A_290 = tpu.memref_slice %arg6[%rem3A_40, %dma_wait3A_288, %dma_wait3A_289] : memref<2x8x128xi32, #tpu.memory_space<vmem>> -> memref<1x8x128xi32, #tpu.memory_space<vmem>>
          %dma_wait3A_291 = tpu.memref_squeeze %dma_wait3A_290 : memref<1x8x128xi32, #tpu.memory_space<vmem>> -> memref<8x128xi32, #tpu.memory_space<vmem>>
          %dma_wait3A_292 = arith.constant 0 : i32
          %dma_wait3A_293 = tpu.memref_slice %arg3[%arg0, %arg1, %mul3A_268, %dma_wait3A_292] : memref<2x16x160x128xi32, #tpu.memory_space<hbm>> -> memref<1x1x8x128xi32, #tpu.memory_space<hbm>>
          %dma_wait3A_294 = tpu.memref_squeeze %dma_wait3A_293 : memref<1x1x8x128xi32, #tpu.memory_space<hbm>> -> memref<8x128xi32, #tpu.memory_space<hbm>>
          %dma_wait3A_295 = arith.constant 0 : i32
          %dma_wait3A_296 = arith.constant 0 : i32
          %dma_wait3A_297 = tpu.memref_slice %arg6[%rem3A_40, %dma_wait3A_295, %dma_wait3A_296] : memref<2x8x128xi32, #tpu.memory_space<vmem>> -> memref<1x8x128xi32, #tpu.memory_space<vmem>>
          %dma_wait3A_298 = tpu.memref_squeeze %dma_wait3A_297 : memref<1x8x128xi32, #tpu.memory_space<vmem>> -> memref<8x128xi32, #tpu.memory_space<vmem>>
          %dma_wait3A_299 = arith.constant 0 : i32
          %dma_wait3A_300 = tpu.memref_slice %arg3[%arg0, %arg1, %mul3A_268, %dma_wait3A_299] : memref<2x16x160x128xi32, #tpu.memory_space<hbm>> -> memref<1x1x8x128xi32, #tpu.memory_space<hbm>>
          %dma_wait3A_301 = tpu.memref_squeeze %dma_wait3A_300 : memref<1x1x8x128xi32, #tpu.memory_space<hbm>> -> memref<8x128xi32, #tpu.memory_space<hbm>>
          tpu.wait_dma2 semaphore(%run_scoped3A_273 : memref<!tpu.dma_semaphore, #tpu.memory_space<semaphore_mem>>) src(%dma_wait3A_301 : memref<8x128xi32, #tpu.memory_space<hbm>>) dst(%dma_wait3A_298 : memref<8x128xi32, #tpu.memory_space<vmem>>)
          tpu.yield
        }) : () -> ()
        %add3A_269 = arith.constant 1 : i32
        %add3A_270 = arith.addi %scan3A_35, %add3A_269 : i32
        %mul3A_271 = arith.constant 8 : i32
        %mul3A_272 = arith.muli %add3A_270, %mul3A_271 : i32
        "tpu.region"() ({
          %run_scoped3A_273 = tpu.sem_alloc : memref<!tpu.dma_semaphore, #tpu.memory_space<semaphore_mem>>
          %dma_start3A_274 = arith.constant 0 : i32
          %dma_start3A_275 = arith.constant 0 : i32
          %dma_start3A_276 = tpu.memref_slice %arg7[%rem3A_40, %dma_start3A_274, %dma_start3A_275] : memref<2x8x128xi32, #tpu.memory_space<vmem>> -> memref<1x8x128xi32, #tpu.memory_space<vmem>>
          %dma_start3A_277 = tpu.memref_squeeze %dma_start3A_276 : memref<1x8x128xi32, #tpu.memory_space<vmem>> -> memref<8x128xi32, #tpu.memory_space<vmem>>
          %dma_start3A_278 = arith.constant 0 : i32
          %dma_start3A_279 = tpu.memref_slice %arg4[%arg0, %arg1, %mul3A_272, %dma_start3A_278] : memref<2x16x160x128xi32, #tpu.memory_space<hbm>> -> memref<1x1x8x128xi32, #tpu.memory_space<hbm>>
          %dma_start3A_280 = tpu.memref_squeeze %dma_start3A_279 : memref<1x1x8x128xi32, #tpu.memory_space<hbm>> -> memref<8x128xi32, #tpu.memory_space<hbm>>
          %dma_start3A_281 = arith.constant 0 : i32
          %dma_start3A_282 = arith.constant 0 : i32
          %dma_start3A_283 = tpu.memref_slice %arg7[%rem3A_40, %dma_start3A_281, %dma_start3A_282] : memref<2x8x128xi32, #tpu.memory_space<vmem>> -> memref<1x8x128xi32, #tpu.memory_space<vmem>>
          %dma_start3A_284 = tpu.memref_squeeze %dma_start3A_283 : memref<1x8x128xi32, #tpu.memory_space<vmem>> -> memref<8x128xi32, #tpu.memory_space<vmem>>
          %dma_start3A_285 = arith.constant 0 : i32
          %dma_start3A_286 = tpu.memref_slice %arg4[%arg0, %arg1, %mul3A_272, %dma_start3A_285] : memref<2x16x160x128xi32, #tpu.memory_space<hbm>> -> memref<1x1x8x128xi32, #tpu.memory_space<hbm>>
          %dma_start3A_287 = tpu.memref_squeeze %dma_start3A_286 : memref<1x1x8x128xi32, #tpu.memory_space<hbm>> -> memref<8x128xi32, #tpu.memory_space<hbm>>
          tpu.enqueue_dma source(%dma_start3A_287 : memref<8x128xi32, #tpu.memory_space<hbm>>) target(%dma_start3A_284 : memref<8x128xi32, #tpu.memory_space<vmem>>) target_semaphore(%run_scoped3A_273 : memref<!tpu.dma_semaphore, #tpu.memory_space<semaphore_mem>>)
          %dma_wait3A_288 = arith.constant 0 : i32
          %dma_wait3A_289 = arith.constant 0 : i32
          %dma_wait3A_290 = tpu.memref_slice %arg7[%rem3A_40, %dma_wait3A_288, %dma_wait3A_289] : memref<2x8x128xi32, #tpu.memory_space<vmem>> -> memref<1x8x128xi32, #tpu.memory_space<vmem>>
          %dma_wait3A_291 = tpu.memref_squeeze %dma_wait3A_290 : memref<1x8x128xi32, #tpu.memory_space<vmem>> -> memref<8x128xi32, #tpu.memory_space<vmem>>
          %dma_wait3A_292 = arith.constant 0 : i32
          %dma_wait3A_293 = tpu.memref_slice %arg4[%arg0, %arg1, %mul3A_272, %dma_wait3A_292] : memref<2x16x160x128xi32, #tpu.memory_space<hbm>> -> memref<1x1x8x128xi32, #tpu.memory_space<hbm>>
          %dma_wait3A_294 = tpu.memref_squeeze %dma_wait3A_293 : memref<1x1x8x128xi32, #tpu.memory_space<hbm>> -> memref<8x128xi32, #tpu.memory_space<hbm>>
          %dma_wait3A_295 = arith.constant 0 : i32
          %dma_wait3A_296 = arith.constant 0 : i32
          %dma_wait3A_297 = tpu.memref_slice %arg7[%rem3A_40, %dma_wait3A_295, %dma_wait3A_296] : memref<2x8x128xi32, #tpu.memory_space<vmem>> -> memref<1x8x128xi32, #tpu.memory_space<vmem>>
          %dma_wait3A_298 = tpu.memref_squeeze %dma_wait3A_297 : memref<1x8x128xi32, #tpu.memory_space<vmem>> -> memref<8x128xi32, #tpu.memory_space<vmem>>
          %dma_wait3A_299 = arith.constant 0 : i32
          %dma_wait3A_300 = tpu.memref_slice %arg4[%arg0, %arg1, %mul3A_272, %dma_wait3A_299] : memref<2x16x160x128xi32, #tpu.memory_space<hbm>> -> memref<1x1x8x128xi32, #tpu.memory_space<hbm>>
          %dma_wait3A_301 = tpu.memref_squeeze %dma_wait3A_300 : memref<1x1x8x128xi32, #tpu.memory_space<hbm>> -> memref<8x128xi32, #tpu.memory_space<hbm>>
          tpu.wait_dma2 semaphore(%run_scoped3A_273 : memref<!tpu.dma_semaphore, #tpu.memory_space<semaphore_mem>>) src(%dma_wait3A_301 : memref<8x128xi32, #tpu.memory_space<hbm>>) dst(%dma_wait3A_298 : memref<8x128xi32, #tpu.memory_space<vmem>>)
          tpu.yield
        }) : () -> ()
      } else {
      }
      %dma_wait3A_49 = arith.constant 0 : i32
      %dma_wait3A_50 = arith.constant 0 : i32
      %dma_wait3A_51 = tpu.memref_slice %arg2[%dma_wait3A_49, %dma_wait3A_50] : memref<20480x128xf32, #tpu.memory_space<hbm>> -> memref<128x128xf32, #tpu.memory_space<hbm>>
      %dma_wait3A_52 = arith.constant 0 : i32
      %dma_wait3A_53 = arith.constant 0 : i32
      %dma_wait3A_54 = tpu.memref_slice %arg2[%dma_wait3A_52, %dma_wait3A_53] : memref<20480x128xf32, #tpu.memory_space<hbm>> -> memref<128x128xf32, #tpu.memory_space<hbm>>
      tpu.wait_dma2 semaphore(%arg11 : memref<!tpu.dma_semaphore, #tpu.memory_space<semaphore_mem>>) src(%dma_wait3A_54 : memref<128x128xf32, #tpu.memory_space<hbm>>) dst(%arg8 : memref<128x128xf32, #tpu.memory_space<vmem>>)
      %dma_start3A_55 = arith.constant 0 : i32
      %dma_start3A_56 = arith.constant 0 : i32
      %dma_start3A_57 = tpu.memref_slice %arg7[%rem3A_36, %dma_start3A_55, %dma_start3A_56] : memref<2x8x128xi32, #tpu.memory_space<vmem>> -> memref<1x1x128xi32, #tpu.memory_space<vmem>>
      %dma_start3A_58 = tpu.memref_squeeze %dma_start3A_57 : memref<1x1x128xi32, #tpu.memory_space<vmem>> -> memref<128xi32, #tpu.memory_space<vmem>>
      %dma_start3A_59 = arith.constant 0 : i32
      %dma_start3A_60 = arith.constant 0 : i32
      %dma_start3A_61 = tpu.memref_slice %arg10[%dma_start3A_59, %dma_start3A_60] : memref<10240x128xf32, #tpu.memory_space<vmem_shared>> -> memref<10240x128xf32, #tpu.memory_space<vmem_shared>>
      tpu.enqueue_indirect_dma source(%arg8 : memref<128x128xf32, #tpu.memory_space<vmem>>) target(%dma_start3A_61 : memref<10240x128xf32, #tpu.memory_space<vmem_shared>>) offsets(%dma_start3A_58 : memref<128xi32, #tpu.memory_space<vmem>>) semaphore(%arg13 : memref<!tpu.dma_semaphore, #tpu.memory_space<semaphore_mem>>) {add = true}
      %dma_start3A_62 = arith.constant 1 : i32
      %dma_start3A_63 = arith.constant 0 : i32
      %dma_start3A_64 = tpu.memref_slice %arg6[%rem3A_36, %dma_start3A_62, %dma_start3A_63] : memref<2x8x128xi32, #tpu.memory_space<vmem>> -> memref<1x1x128xi32, #tpu.memory_space<vmem>>
      %dma_start3A_65 = tpu.memref_squeeze %dma_start3A_64 : memref<1x1x128xi32, #tpu.memory_space<vmem>> -> memref<128xi32, #tpu.memory_space<vmem>>
      %dma_start3A_66 = arith.constant 0 : i32
      %dma_start3A_67 = arith.constant 0 : i32
      %dma_start3A_68 = tpu.memref_slice %arg2[%dma_start3A_66, %dma_start3A_67] : memref<20480x128xf32, #tpu.memory_space<hbm>> -> memref<20480x128xf32, #tpu.memory_space<hbm>>
      tpu.enqueue_indirect_dma source(%dma_start3A_68 : memref<20480x128xf32, #tpu.memory_space<hbm>>) target(%arg9 : memref<128x128xf32, #tpu.memory_space<vmem>>) offsets(%dma_start3A_65 : memref<128xi32, #tpu.memory_space<vmem>>) semaphore(%arg12 : memref<!tpu.dma_semaphore, #tpu.memory_space<semaphore_mem>>)
      %dma_wait3A_69 = arith.constant 1 : i32
      %dma_wait3A_70 = arith.constant 0 : i32
      %dma_wait3A_71 = tpu.memref_slice %arg6[%rem3A_36, %dma_wait3A_69, %dma_wait3A_70] : memref<2x8x128xi32, #tpu.memory_space<vmem>> -> memref<1x1x128xi32, #tpu.memory_space<vmem>>
      %dma_wait3A_72 = tpu.memref_squeeze %dma_wait3A_71 : memref<1x1x128xi32, #tpu.memory_space<vmem>> -> memref<128xi32, #tpu.memory_space<vmem>>
      %dma_wait3A_73 = arith.constant 0 : i32
      %dma_wait3A_74 = arith.constant 0 : i32
      %dma_wait3A_75 = tpu.memref_slice %arg2[%dma_wait3A_73, %dma_wait3A_74] : memref<20480x128xf32, #tpu.memory_space<hbm>> -> memref<20480x128xf32, #tpu.memory_space<hbm>>
      tpu.wait_indirect_dma semaphore(%arg12 : memref<!tpu.dma_semaphore, #tpu.memory_space<semaphore_mem>>) src(%dma_wait3A_75 : memref<20480x128xf32, #tpu.memory_space<hbm>>) dst(%arg9 : memref<128x128xf32, #tpu.memory_space<vmem>>)
      %dma_start3A_76 = arith.constant 1 : i32
      %dma_start3A_77 = arith.constant 0 : i32
      %dma_start3A_78 = tpu.memref_slice %arg7[%rem3A_36, %dma_start3A_76, %dma_start3A_77] : memref<2x8x128xi32, #tpu.memory_space<vmem>> -> memref<1x1x128xi32, #tpu.memory_space<vmem>>
      %dma_start3A_79 = tpu.memref_squeeze %dma_start3A_78 : memref<1x1x128xi32, #tpu.memory_space<vmem>> -> memref<128xi32, #tpu.memory_space<vmem>>
      %dma_start3A_80 = arith.constant 0 : i32
      %dma_start3A_81 = arith.constant 0 : i32
      %dma_start3A_82 = tpu.memref_slice %arg10[%dma_start3A_80, %dma_start3A_81] : memref<10240x128xf32, #tpu.memory_space<vmem_shared>> -> memref<10240x128xf32, #tpu.memory_space<vmem_shared>>
      tpu.enqueue_indirect_dma source(%arg9 : memref<128x128xf32, #tpu.memory_space<vmem>>) target(%dma_start3A_82 : memref<10240x128xf32, #tpu.memory_space<vmem_shared>>) offsets(%dma_start3A_79 : memref<128xi32, #tpu.memory_space<vmem>>) semaphore(%arg14 : memref<!tpu.dma_semaphore, #tpu.memory_space<semaphore_mem>>) {add = true}
      %dma_wait3A_83 = arith.constant 0 : i32
      %dma_wait3A_84 = arith.constant 0 : i32
      %dma_wait3A_85 = tpu.memref_slice %arg7[%rem3A_36, %dma_wait3A_83, %dma_wait3A_84] : memref<2x8x128xi32, #tpu.memory_space<vmem>> -> memref<1x1x128xi32, #tpu.memory_space<vmem>>
      %dma_wait3A_86 = tpu.memref_squeeze %dma_wait3A_85 : memref<1x1x128xi32, #tpu.memory_space<vmem>> -> memref<128xi32, #tpu.memory_space<vmem>>
      %dma_wait3A_87 = arith.constant 0 : i32
      %dma_wait3A_88 = arith.constant 0 : i32
      %dma_wait3A_89 = tpu.memref_slice %arg10[%dma_wait3A_87, %dma_wait3A_88] : memref<10240x128xf32, #tpu.memory_space<vmem_shared>> -> memref<10240x128xf32, #tpu.memory_space<vmem_shared>>
      tpu.wait_indirect_dma semaphore(%arg13 : memref<!tpu.dma_semaphore, #tpu.memory_space<semaphore_mem>>) src(%arg8 : memref<128x128xf32, #tpu.memory_space<vmem>>) dst(%dma_wait3A_89 : memref<10240x128xf32, #tpu.memory_space<vmem_shared>>)
      %dma_start3A_90 = arith.constant 2 : i32
      %dma_start3A_91 = arith.constant 0 : i32
      %dma_start3A_92 = tpu.memref_slice %arg6[%rem3A_36, %dma_start3A_90, %dma_start3A_91] : memref<2x8x128xi32, #tpu.memory_space<vmem>> -> memref<1x1x128xi32, #tpu.memory_space<vmem>>
      %dma_start3A_93 = tpu.memref_squeeze %dma_start3A_92 : memref<1x1x128xi32, #tpu.memory_space<vmem>> -> memref<128xi32, #tpu.memory_space<vmem>>
      %dma_start3A_94 = arith.constant 0 : i32
      %dma_start3A_95 = arith.constant 0 : i32
      %dma_start3A_96 = tpu.memref_slice %arg2[%dma_start3A_94, %dma_start3A_95] : memref<20480x128xf32, #tpu.memory_space<hbm>> -> memref<20480x128xf32, #tpu.memory_space<hbm>>
      tpu.enqueue_indirect_dma source(%dma_start3A_96 : memref<20480x128xf32, #tpu.memory_space<hbm>>) target(%arg8 : memref<128x128xf32, #tpu.memory_space<vmem>>) offsets(%dma_start3A_93 : memref<128xi32, #tpu.memory_space<vmem>>) semaphore(%arg11 : memref<!tpu.dma_semaphore, #tpu.memory_space<semaphore_mem>>)
      %dma_wait3A_97 = arith.constant 2 : i32
      %dma_wait3A_98 = arith.constant 0 : i32
      %dma_wait3A_99 = tpu.memref_slice %arg6[%rem3A_36, %dma_wait3A_97, %dma_wait3A_98] : memref<2x8x128xi32, #tpu.memory_space<vmem>> -> memref<1x1x128xi32, #tpu.memory_space<vmem>>
      %dma_wait3A_100 = tpu.memref_squeeze %dma_wait3A_99 : memref<1x1x128xi32, #tpu.memory_space<vmem>> -> memref<128xi32, #tpu.memory_space<vmem>>
      %dma_wait3A_101 = arith.constant 0 : i32
      %dma_wait3A_102 = arith.constant 0 : i32
      %dma_wait3A_103 = tpu.memref_slice %arg2[%dma_wait3A_101, %dma_wait3A_102] : memref<20480x128xf32, #tpu.memory_space<hbm>> -> memref<20480x128xf32, #tpu.memory_space<hbm>>
      tpu.wait_indirect_dma semaphore(%arg11 : memref<!tpu.dma_semaphore, #tpu.memory_space<semaphore_mem>>) src(%dma_wait3A_103 : memref<20480x128xf32, #tpu.memory_space<hbm>>) dst(%arg8 : memref<128x128xf32, #tpu.memory_space<vmem>>)
      %dma_start3A_104 = arith.constant 2 : i32
      %dma_start3A_105 = arith.constant 0 : i32
      %dma_start3A_106 = tpu.memref_slice %arg7[%rem3A_36, %dma_start3A_104, %dma_start3A_105] : memref<2x8x128xi32, #tpu.memory_space<vmem>> -> memref<1x1x128xi32, #tpu.memory_space<vmem>>
      %dma_start3A_107 = tpu.memref_squeeze %dma_start3A_106 : memref<1x1x128xi32, #tpu.memory_space<vmem>> -> memref<128xi32, #tpu.memory_space<vmem>>
      %dma_start3A_108 = arith.constant 0 : i32
      %dma_start3A_109 = arith.constant 0 : i32
      %dma_start3A_110 = tpu.memref_slice %arg10[%dma_start3A_108, %dma_start3A_109] : memref<10240x128xf32, #tpu.memory_space<vmem_shared>> -> memref<10240x128xf32, #tpu.memory_space<vmem_shared>>
      tpu.enqueue_indirect_dma source(%arg8 : memref<128x128xf32, #tpu.memory_space<vmem>>) target(%dma_start3A_110 : memref<10240x128xf32, #tpu.memory_space<vmem_shared>>) offsets(%dma_start3A_107 : memref<128xi32, #tpu.memory_space<vmem>>) semaphore(%arg13 : memref<!tpu.dma_semaphore, #tpu.memory_space<semaphore_mem>>) {add = true}
      %dma_wait3A_111 = arith.constant 1 : i32
      %dma_wait3A_112 = arith.constant 0 : i32
      %dma_wait3A_113 = tpu.memref_slice %arg7[%rem3A_36, %dma_wait3A_111, %dma_wait3A_112] : memref<2x8x128xi32, #tpu.memory_space<vmem>> -> memref<1x1x128xi32, #tpu.memory_space<vmem>>
      %dma_wait3A_114 = tpu.memref_squeeze %dma_wait3A_113 : memref<1x1x128xi32, #tpu.memory_space<vmem>> -> memref<128xi32, #tpu.memory_space<vmem>>
      %dma_wait3A_115 = arith.constant 0 : i32
      %dma_wait3A_116 = arith.constant 0 : i32
      %dma_wait3A_117 = tpu.memref_slice %arg10[%dma_wait3A_115, %dma_wait3A_116] : memref<10240x128xf32, #tpu.memory_space<vmem_shared>> -> memref<10240x128xf32, #tpu.memory_space<vmem_shared>>
      tpu.wait_indirect_dma semaphore(%arg14 : memref<!tpu.dma_semaphore, #tpu.memory_space<semaphore_mem>>) src(%arg9 : memref<128x128xf32, #tpu.memory_space<vmem>>) dst(%dma_wait3A_117 : memref<10240x128xf32, #tpu.memory_space<vmem_shared>>)
      %dma_start3A_118 = arith.constant 3 : i32
      %dma_start3A_119 = arith.constant 0 : i32
      %dma_start3A_120 = tpu.memref_slice %arg6[%rem3A_36, %dma_start3A_118, %dma_start3A_119] : memref<2x8x128xi32, #tpu.memory_space<vmem>> -> memref<1x1x128xi32, #tpu.memory_space<vmem>>
      %dma_start3A_121 = tpu.memref_squeeze %dma_start3A_120 : memref<1x1x128xi32, #tpu.memory_space<vmem>> -> memref<128xi32, #tpu.memory_space<vmem>>
      %dma_start3A_122 = arith.constant 0 : i32
      %dma_start3A_123 = arith.constant 0 : i32
      %dma_start3A_124 = tpu.memref_slice %arg2[%dma_start3A_122, %dma_start3A_123] : memref<20480x128xf32, #tpu.memory_space<hbm>> -> memref<20480x128xf32, #tpu.memory_space<hbm>>
      tpu.enqueue_indirect_dma source(%dma_start3A_124 : memref<20480x128xf32, #tpu.memory_space<hbm>>) target(%arg9 : memref<128x128xf32, #tpu.memory_space<vmem>>) offsets(%dma_start3A_121 : memref<128xi32, #tpu.memory_space<vmem>>) semaphore(%arg12 : memref<!tpu.dma_semaphore, #tpu.memory_space<semaphore_mem>>)
      %dma_wait3A_125 = arith.constant 3 : i32
      %dma_wait3A_126 = arith.constant 0 : i32
      %dma_wait3A_127 = tpu.memref_slice %arg6[%rem3A_36, %dma_wait3A_125, %dma_wait3A_126] : memref<2x8x128xi32, #tpu.memory_space<vmem>> -> memref<1x1x128xi32, #tpu.memory_space<vmem>>
      %dma_wait3A_128 = tpu.memref_squeeze %dma_wait3A_127 : memref<1x1x128xi32, #tpu.memory_space<vmem>> -> memref<128xi32, #tpu.memory_space<vmem>>
      %dma_wait3A_129 = arith.constant 0 : i32
      %dma_wait3A_130 = arith.constant 0 : i32
      %dma_wait3A_131 = tpu.memref_slice %arg2[%dma_wait3A_129, %dma_wait3A_130] : memref<20480x128xf32, #tpu.memory_space<hbm>> -> memref<20480x128xf32, #tpu.memory_space<hbm>>
      tpu.wait_indirect_dma semaphore(%arg12 : memref<!tpu.dma_semaphore, #tpu.memory_space<semaphore_mem>>) src(%dma_wait3A_131 : memref<20480x128xf32, #tpu.memory_space<hbm>>) dst(%arg9 : memref<128x128xf32, #tpu.memory_space<vmem>>)
      %dma_start3A_132 = arith.constant 3 : i32
      %dma_start3A_133 = arith.constant 0 : i32
      %dma_start3A_134 = tpu.memref_slice %arg7[%rem3A_36, %dma_start3A_132, %dma_start3A_133] : memref<2x8x128xi32, #tpu.memory_space<vmem>> -> memref<1x1x128xi32, #tpu.memory_space<vmem>>
      %dma_start3A_135 = tpu.memref_squeeze %dma_start3A_134 : memref<1x1x128xi32, #tpu.memory_space<vmem>> -> memref<128xi32, #tpu.memory_space<vmem>>
      %dma_start3A_136 = arith.constant 0 : i32
      %dma_start3A_137 = arith.constant 0 : i32
      %dma_start3A_138 = tpu.memref_slice %arg10[%dma_start3A_136, %dma_start3A_137] : memref<10240x128xf32, #tpu.memory_space<vmem_shared>> -> memref<10240x128xf32, #tpu.memory_space<vmem_shared>>
      tpu.enqueue_indirect_dma source(%arg9 : memref<128x128xf32, #tpu.memory_space<vmem>>) target(%dma_start3A_138 : memref<10240x128xf32, #tpu.memory_space<vmem_shared>>) offsets(%dma_start3A_135 : memref<128xi32, #tpu.memory_space<vmem>>) semaphore(%arg14 : memref<!tpu.dma_semaphore, #tpu.memory_space<semaphore_mem>>) {add = true}
      %dma_wait3A_139 = arith.constant 2 : i32
      %dma_wait3A_140 = arith.constant 0 : i32
      %dma_wait3A_141 = tpu.memref_slice %arg7[%rem3A_36, %dma_wait3A_139, %dma_wait3A_140] : memref<2x8x128xi32, #tpu.memory_space<vmem>> -> memref<1x1x128xi32, #tpu.memory_space<vmem>>
      %dma_wait3A_142 = tpu.memref_squeeze %dma_wait3A_141 : memref<1x1x128xi32, #tpu.memory_space<vmem>> -> memref<128xi32, #tpu.memory_space<vmem>>
      %dma_wait3A_143 = arith.constant 0 : i32
      %dma_wait3A_144 = arith.constant 0 : i32
      %dma_wait3A_145 = tpu.memref_slice %arg10[%dma_wait3A_143, %dma_wait3A_144] : memref<10240x128xf32, #tpu.memory_space<vmem_shared>> -> memref<10240x128xf32, #tpu.memory_space<vmem_shared>>
      tpu.wait_indirect_dma semaphore(%arg13 : memref<!tpu.dma_semaphore, #tpu.memory_space<semaphore_mem>>) src(%arg8 : memref<128x128xf32, #tpu.memory_space<vmem>>) dst(%dma_wait3A_145 : memref<10240x128xf32, #tpu.memory_space<vmem_shared>>)
      %dma_start3A_146 = arith.constant 4 : i32
      %dma_start3A_147 = arith.constant 0 : i32
      %dma_start3A_148 = tpu.memref_slice %arg6[%rem3A_36, %dma_start3A_146, %dma_start3A_147] : memref<2x8x128xi32, #tpu.memory_space<vmem>> -> memref<1x1x128xi32, #tpu.memory_space<vmem>>
      %dma_start3A_149 = tpu.memref_squeeze %dma_start3A_148 : memref<1x1x128xi32, #tpu.memory_space<vmem>> -> memref<128xi32, #tpu.memory_space<vmem>>
      %dma_start3A_150 = arith.constant 0 : i32
      %dma_start3A_151 = arith.constant 0 : i32
      %dma_start3A_152 = tpu.memref_slice %arg2[%dma_start3A_150, %dma_start3A_151] : memref<20480x128xf32, #tpu.memory_space<hbm>> -> memref<20480x128xf32, #tpu.memory_space<hbm>>
      tpu.enqueue_indirect_dma source(%dma_start3A_152 : memref<20480x128xf32, #tpu.memory_space<hbm>>) target(%arg8 : memref<128x128xf32, #tpu.memory_space<vmem>>) offsets(%dma_start3A_149 : memref<128xi32, #tpu.memory_space<vmem>>) semaphore(%arg11 : memref<!tpu.dma_semaphore, #tpu.memory_space<semaphore_mem>>)
      %dma_wait3A_153 = arith.constant 4 : i32
      %dma_wait3A_154 = arith.constant 0 : i32
      %dma_wait3A_155 = tpu.memref_slice %arg6[%rem3A_36, %dma_wait3A_153, %dma_wait3A_154] : memref<2x8x128xi32, #tpu.memory_space<vmem>> -> memref<1x1x128xi32, #tpu.memory_space<vmem>>
      %dma_wait3A_156 = tpu.memref_squeeze %dma_wait3A_155 : memref<1x1x128xi32, #tpu.memory_space<vmem>> -> memref<128xi32, #tpu.memory_space<vmem>>
      %dma_wait3A_157 = arith.constant 0 : i32
      %dma_wait3A_158 = arith.constant 0 : i32
      %dma_wait3A_159 = tpu.memref_slice %arg2[%dma_wait3A_157, %dma_wait3A_158] : memref<20480x128xf32, #tpu.memory_space<hbm>> -> memref<20480x128xf32, #tpu.memory_space<hbm>>
      tpu.wait_indirect_dma semaphore(%arg11 : memref<!tpu.dma_semaphore, #tpu.memory_space<semaphore_mem>>) src(%dma_wait3A_159 : memref<20480x128xf32, #tpu.memory_space<hbm>>) dst(%arg8 : memref<128x128xf32, #tpu.memory_space<vmem>>)
      %dma_start3A_160 = arith.constant 4 : i32
      %dma_start3A_161 = arith.constant 0 : i32
      %dma_start3A_162 = tpu.memref_slice %arg7[%rem3A_36, %dma_start3A_160, %dma_start3A_161] : memref<2x8x128xi32, #tpu.memory_space<vmem>> -> memref<1x1x128xi32, #tpu.memory_space<vmem>>
      %dma_start3A_163 = tpu.memref_squeeze %dma_start3A_162 : memref<1x1x128xi32, #tpu.memory_space<vmem>> -> memref<128xi32, #tpu.memory_space<vmem>>
      %dma_start3A_164 = arith.constant 0 : i32
      %dma_start3A_165 = arith.constant 0 : i32
      %dma_start3A_166 = tpu.memref_slice %arg10[%dma_start3A_164, %dma_start3A_165] : memref<10240x128xf32, #tpu.memory_space<vmem_shared>> -> memref<10240x128xf32, #tpu.memory_space<vmem_shared>>
      tpu.enqueue_indirect_dma source(%arg8 : memref<128x128xf32, #tpu.memory_space<vmem>>) target(%dma_start3A_166 : memref<10240x128xf32, #tpu.memory_space<vmem_shared>>) offsets(%dma_start3A_163 : memref<128xi32, #tpu.memory_space<vmem>>) semaphore(%arg13 : memref<!tpu.dma_semaphore, #tpu.memory_space<semaphore_mem>>) {add = true}
      %dma_wait3A_167 = arith.constant 3 : i32
      %dma_wait3A_168 = arith.constant 0 : i32
      %dma_wait3A_169 = tpu.memref_slice %arg7[%rem3A_36, %dma_wait3A_167, %dma_wait3A_168] : memref<2x8x128xi32, #tpu.memory_space<vmem>> -> memref<1x1x128xi32, #tpu.memory_space<vmem>>
      %dma_wait3A_170 = tpu.memref_squeeze %dma_wait3A_169 : memref<1x1x128xi32, #tpu.memory_space<vmem>> -> memref<128xi32, #tpu.memory_space<vmem>>
      %dma_wait3A_171 = arith.constant 0 : i32
      %dma_wait3A_172 = arith.constant 0 : i32
      %dma_wait3A_173 = tpu.memref_slice %arg10[%dma_wait3A_171, %dma_wait3A_172] : memref<10240x128xf32, #tpu.memory_space<vmem_shared>> -> memref<10240x128xf32, #tpu.memory_space<vmem_shared>>
      tpu.wait_indirect_dma semaphore(%arg14 : memref<!tpu.dma_semaphore, #tpu.memory_space<semaphore_mem>>) src(%arg9 : memref<128x128xf32, #tpu.memory_space<vmem>>) dst(%dma_wait3A_173 : memref<10240x128xf32, #tpu.memory_space<vmem_shared>>)
      %dma_start3A_174 = arith.constant 5 : i32
      %dma_start3A_175 = arith.constant 0 : i32
      %dma_start3A_176 = tpu.memref_slice %arg6[%rem3A_36, %dma_start3A_174, %dma_start3A_175] : memref<2x8x128xi32, #tpu.memory_space<vmem>> -> memref<1x1x128xi32, #tpu.memory_space<vmem>>
      %dma_start3A_177 = tpu.memref_squeeze %dma_start3A_176 : memref<1x1x128xi32, #tpu.memory_space<vmem>> -> memref<128xi32, #tpu.memory_space<vmem>>
      %dma_start3A_178 = arith.constant 0 : i32
      %dma_start3A_179 = arith.constant 0 : i32
      %dma_start3A_180 = tpu.memref_slice %arg2[%dma_start3A_178, %dma_start3A_179] : memref<20480x128xf32, #tpu.memory_space<hbm>> -> memref<20480x128xf32, #tpu.memory_space<hbm>>
      tpu.enqueue_indirect_dma source(%dma_start3A_180 : memref<20480x128xf32, #tpu.memory_space<hbm>>) target(%arg9 : memref<128x128xf32, #tpu.memory_space<vmem>>) offsets(%dma_start3A_177 : memref<128xi32, #tpu.memory_space<vmem>>) semaphore(%arg12 : memref<!tpu.dma_semaphore, #tpu.memory_space<semaphore_mem>>)
      %dma_wait3A_181 = arith.constant 5 : i32
      %dma_wait3A_182 = arith.constant 0 : i32
      %dma_wait3A_183 = tpu.memref_slice %arg6[%rem3A_36, %dma_wait3A_181, %dma_wait3A_182] : memref<2x8x128xi32, #tpu.memory_space<vmem>> -> memref<1x1x128xi32, #tpu.memory_space<vmem>>
      %dma_wait3A_184 = tpu.memref_squeeze %dma_wait3A_183 : memref<1x1x128xi32, #tpu.memory_space<vmem>> -> memref<128xi32, #tpu.memory_space<vmem>>
      %dma_wait3A_185 = arith.constant 0 : i32
      %dma_wait3A_186 = arith.constant 0 : i32
      %dma_wait3A_187 = tpu.memref_slice %arg2[%dma_wait3A_185, %dma_wait3A_186] : memref<20480x128xf32, #tpu.memory_space<hbm>> -> memref<20480x128xf32, #tpu.memory_space<hbm>>
      tpu.wait_indirect_dma semaphore(%arg12 : memref<!tpu.dma_semaphore, #tpu.memory_space<semaphore_mem>>) src(%dma_wait3A_187 : memref<20480x128xf32, #tpu.memory_space<hbm>>) dst(%arg9 : memref<128x128xf32, #tpu.memory_space<vmem>>)
      %dma_start3A_188 = arith.constant 5 : i32
      %dma_start3A_189 = arith.constant 0 : i32
      %dma_start3A_190 = tpu.memref_slice %arg7[%rem3A_36, %dma_start3A_188, %dma_start3A_189] : memref<2x8x128xi32, #tpu.memory_space<vmem>> -> memref<1x1x128xi32, #tpu.memory_space<vmem>>
      %dma_start3A_191 = tpu.memref_squeeze %dma_start3A_190 : memref<1x1x128xi32, #tpu.memory_space<vmem>> -> memref<128xi32, #tpu.memory_space<vmem>>
      %dma_start3A_192 = arith.constant 0 : i32
      %dma_start3A_193 = arith.constant 0 : i32
      %dma_start3A_194 = tpu.memref_slice %arg10[%dma_start3A_192, %dma_start3A_193] : memref<10240x128xf32, #tpu.memory_space<vmem_shared>> -> memref<10240x128xf32, #tpu.memory_space<vmem_shared>>
      tpu.enqueue_indirect_dma source(%arg9 : memref<128x128xf32, #tpu.memory_space<vmem>>) target(%dma_start3A_194 : memref<10240x128xf32, #tpu.memory_space<vmem_shared>>) offsets(%dma_start3A_191 : memref<128xi32, #tpu.memory_space<vmem>>) semaphore(%arg14 : memref<!tpu.dma_semaphore, #tpu.memory_space<semaphore_mem>>) {add = true}
      %dma_wait3A_195 = arith.constant 4 : i32
      %dma_wait3A_196 = arith.constant 0 : i32
      %dma_wait3A_197 = tpu.memref_slice %arg7[%rem3A_36, %dma_wait3A_195, %dma_wait3A_196] : memref<2x8x128xi32, #tpu.memory_space<vmem>> -> memref<1x1x128xi32, #tpu.memory_space<vmem>>
      %dma_wait3A_198 = tpu.memref_squeeze %dma_wait3A_197 : memref<1x1x128xi32, #tpu.memory_space<vmem>> -> memref<128xi32, #tpu.memory_space<vmem>>
      %dma_wait3A_199 = arith.constant 0 : i32
      %dma_wait3A_200 = arith.constant 0 : i32
      %dma_wait3A_201 = tpu.memref_slice %arg10[%dma_wait3A_199, %dma_wait3A_200] : memref<10240x128xf32, #tpu.memory_space<vmem_shared>> -> memref<10240x128xf32, #tpu.memory_space<vmem_shared>>
      tpu.wait_indirect_dma semaphore(%arg13 : memref<!tpu.dma_semaphore, #tpu.memory_space<semaphore_mem>>) src(%arg8 : memref<128x128xf32, #tpu.memory_space<vmem>>) dst(%dma_wait3A_201 : memref<10240x128xf32, #tpu.memory_space<vmem_shared>>)
      %dma_start3A_202 = arith.constant 6 : i32
      %dma_start3A_203 = arith.constant 0 : i32
      %dma_start3A_204 = tpu.memref_slice %arg6[%rem3A_36, %dma_start3A_202, %dma_start3A_203] : memref<2x8x128xi32, #tpu.memory_space<vmem>> -> memref<1x1x128xi32, #tpu.memory_space<vmem>>
      %dma_start3A_205 = tpu.memref_squeeze %dma_start3A_204 : memref<1x1x128xi32, #tpu.memory_space<vmem>> -> memref<128xi32, #tpu.memory_space<vmem>>
      %dma_start3A_206 = arith.constant 0 : i32
      %dma_start3A_207 = arith.constant 0 : i32
      %dma_start3A_208 = tpu.memref_slice %arg2[%dma_start3A_206, %dma_start3A_207] : memref<20480x128xf32, #tpu.memory_space<hbm>> -> memref<20480x128xf32, #tpu.memory_space<hbm>>
      tpu.enqueue_indirect_dma source(%dma_start3A_208 : memref<20480x128xf32, #tpu.memory_space<hbm>>) target(%arg8 : memref<128x128xf32, #tpu.memory_space<vmem>>) offsets(%dma_start3A_205 : memref<128xi32, #tpu.memory_space<vmem>>) semaphore(%arg11 : memref<!tpu.dma_semaphore, #tpu.memory_space<semaphore_mem>>)
      %dma_wait3A_209 = arith.constant 6 : i32
      %dma_wait3A_210 = arith.constant 0 : i32
      %dma_wait3A_211 = tpu.memref_slice %arg6[%rem3A_36, %dma_wait3A_209, %dma_wait3A_210] : memref<2x8x128xi32, #tpu.memory_space<vmem>> -> memref<1x1x128xi32, #tpu.memory_space<vmem>>
      %dma_wait3A_212 = tpu.memref_squeeze %dma_wait3A_211 : memref<1x1x128xi32, #tpu.memory_space<vmem>> -> memref<128xi32, #tpu.memory_space<vmem>>
      %dma_wait3A_213 = arith.constant 0 : i32
      %dma_wait3A_214 = arith.constant 0 : i32
      %dma_wait3A_215 = tpu.memref_slice %arg2[%dma_wait3A_213, %dma_wait3A_214] : memref<20480x128xf32, #tpu.memory_space<hbm>> -> memref<20480x128xf32, #tpu.memory_space<hbm>>
      tpu.wait_indirect_dma semaphore(%arg11 : memref<!tpu.dma_semaphore, #tpu.memory_space<semaphore_mem>>) src(%dma_wait3A_215 : memref<20480x128xf32, #tpu.memory_space<hbm>>) dst(%arg8 : memref<128x128xf32, #tpu.memory_space<vmem>>)
      %dma_start3A_216 = arith.constant 6 : i32
      %dma_start3A_217 = arith.constant 0 : i32
      %dma_start3A_218 = tpu.memref_slice %arg7[%rem3A_36, %dma_start3A_216, %dma_start3A_217] : memref<2x8x128xi32, #tpu.memory_space<vmem>> -> memref<1x1x128xi32, #tpu.memory_space<vmem>>
      %dma_start3A_219 = tpu.memref_squeeze %dma_start3A_218 : memref<1x1x128xi32, #tpu.memory_space<vmem>> -> memref<128xi32, #tpu.memory_space<vmem>>
      %dma_start3A_220 = arith.constant 0 : i32
      %dma_start3A_221 = arith.constant 0 : i32
      %dma_start3A_222 = tpu.memref_slice %arg10[%dma_start3A_220, %dma_start3A_221] : memref<10240x128xf32, #tpu.memory_space<vmem_shared>> -> memref<10240x128xf32, #tpu.memory_space<vmem_shared>>
      tpu.enqueue_indirect_dma source(%arg8 : memref<128x128xf32, #tpu.memory_space<vmem>>) target(%dma_start3A_222 : memref<10240x128xf32, #tpu.memory_space<vmem_shared>>) offsets(%dma_start3A_219 : memref<128xi32, #tpu.memory_space<vmem>>) semaphore(%arg13 : memref<!tpu.dma_semaphore, #tpu.memory_space<semaphore_mem>>) {add = true}
      %dma_wait3A_223 = arith.constant 5 : i32
      %dma_wait3A_224 = arith.constant 0 : i32
      %dma_wait3A_225 = tpu.memref_slice %arg7[%rem3A_36, %dma_wait3A_223, %dma_wait3A_224] : memref<2x8x128xi32, #tpu.memory_space<vmem>> -> memref<1x1x128xi32, #tpu.memory_space<vmem>>
      %dma_wait3A_226 = tpu.memref_squeeze %dma_wait3A_225 : memref<1x1x128xi32, #tpu.memory_space<vmem>> -> memref<128xi32, #tpu.memory_space<vmem>>
      %dma_wait3A_227 = arith.constant 0 : i32
      %dma_wait3A_228 = arith.constant 0 : i32
      %dma_wait3A_229 = tpu.memref_slice %arg10[%dma_wait3A_227, %dma_wait3A_228] : memref<10240x128xf32, #tpu.memory_space<vmem_shared>> -> memref<10240x128xf32, #tpu.memory_space<vmem_shared>>
      tpu.wait_indirect_dma semaphore(%arg14 : memref<!tpu.dma_semaphore, #tpu.memory_space<semaphore_mem>>) src(%arg9 : memref<128x128xf32, #tpu.memory_space<vmem>>) dst(%dma_wait3A_229 : memref<10240x128xf32, #tpu.memory_space<vmem_shared>>)
      %dma_start3A_230 = arith.constant 7 : i32
      %dma_start3A_231 = arith.constant 0 : i32
      %dma_start3A_232 = tpu.memref_slice %arg6[%rem3A_36, %dma_start3A_230, %dma_start3A_231] : memref<2x8x128xi32, #tpu.memory_space<vmem>> -> memref<1x1x128xi32, #tpu.memory_space<vmem>>
      %dma_start3A_233 = tpu.memref_squeeze %dma_start3A_232 : memref<1x1x128xi32, #tpu.memory_space<vmem>> -> memref<128xi32, #tpu.memory_space<vmem>>
      %dma_start3A_234 = arith.constant 0 : i32
      %dma_start3A_235 = arith.constant 0 : i32
      %dma_start3A_236 = tpu.memref_slice %arg2[%dma_start3A_234, %dma_start3A_235] : memref<20480x128xf32, #tpu.memory_space<hbm>> -> memref<20480x128xf32, #tpu.memory_space<hbm>>
      tpu.enqueue_indirect_dma source(%dma_start3A_236 : memref<20480x128xf32, #tpu.memory_space<hbm>>) target(%arg9 : memref<128x128xf32, #tpu.memory_space<vmem>>) offsets(%dma_start3A_233 : memref<128xi32, #tpu.memory_space<vmem>>) semaphore(%arg12 : memref<!tpu.dma_semaphore, #tpu.memory_space<semaphore_mem>>)
      %dma_wait3A_237 = arith.constant 7 : i32
      %dma_wait3A_238 = arith.constant 0 : i32
      %dma_wait3A_239 = tpu.memref_slice %arg6[%rem3A_36, %dma_wait3A_237, %dma_wait3A_238] : memref<2x8x128xi32, #tpu.memory_space<vmem>> -> memref<1x1x128xi32, #tpu.memory_space<vmem>>
      %dma_wait3A_240 = tpu.memref_squeeze %dma_wait3A_239 : memref<1x1x128xi32, #tpu.memory_space<vmem>> -> memref<128xi32, #tpu.memory_space<vmem>>
      %dma_wait3A_241 = arith.constant 0 : i32
      %dma_wait3A_242 = arith.constant 0 : i32
      %dma_wait3A_243 = tpu.memref_slice %arg2[%dma_wait3A_241, %dma_wait3A_242] : memref<20480x128xf32, #tpu.memory_space<hbm>> -> memref<20480x128xf32, #tpu.memory_space<hbm>>
      tpu.wait_indirect_dma semaphore(%arg12 : memref<!tpu.dma_semaphore, #tpu.memory_space<semaphore_mem>>) src(%dma_wait3A_243 : memref<20480x128xf32, #tpu.memory_space<hbm>>) dst(%arg9 : memref<128x128xf32, #tpu.memory_space<vmem>>)
      %dma_start3A_244 = arith.constant 7 : i32
      %dma_start3A_245 = arith.constant 0 : i32
      %dma_start3A_246 = tpu.memref_slice %arg7[%rem3A_36, %dma_start3A_244, %dma_start3A_245] : memref<2x8x128xi32, #tpu.memory_space<vmem>> -> memref<1x1x128xi32, #tpu.memory_space<vmem>>
      %dma_start3A_247 = tpu.memref_squeeze %dma_start3A_246 : memref<1x1x128xi32, #tpu.memory_space<vmem>> -> memref<128xi32, #tpu.memory_space<vmem>>
      %dma_start3A_248 = arith.constant 0 : i32
      %dma_start3A_249 = arith.constant 0 : i32
      %dma_start3A_250 = tpu.memref_slice %arg10[%dma_start3A_248, %dma_start3A_249] : memref<10240x128xf32, #tpu.memory_space<vmem_shared>> -> memref<10240x128xf32, #tpu.memory_space<vmem_shared>>
      tpu.enqueue_indirect_dma source(%arg9 : memref<128x128xf32, #tpu.memory_space<vmem>>) target(%dma_start3A_250 : memref<10240x128xf32, #tpu.memory_space<vmem_shared>>) offsets(%dma_start3A_247 : memref<128xi32, #tpu.memory_space<vmem>>) semaphore(%arg14 : memref<!tpu.dma_semaphore, #tpu.memory_space<semaphore_mem>>) {add = true}
      %dma_wait3A_251 = arith.constant 6 : i32
      %dma_wait3A_252 = arith.constant 0 : i32
      %dma_wait3A_253 = tpu.memref_slice %arg7[%rem3A_36, %dma_wait3A_251, %dma_wait3A_252] : memref<2x8x128xi32, #tpu.memory_space<vmem>> -> memref<1x1x128xi32, #tpu.memory_space<vmem>>
      %dma_wait3A_254 = tpu.memref_squeeze %dma_wait3A_253 : memref<1x1x128xi32, #tpu.memory_space<vmem>> -> memref<128xi32, #tpu.memory_space<vmem>>
      %dma_wait3A_255 = arith.constant 0 : i32
      %dma_wait3A_256 = arith.constant 0 : i32
      %dma_wait3A_257 = tpu.memref_slice %arg10[%dma_wait3A_255, %dma_wait3A_256] : memref<10240x128xf32, #tpu.memory_space<vmem_shared>> -> memref<10240x128xf32, #tpu.memory_space<vmem_shared>>
      tpu.wait_indirect_dma semaphore(%arg13 : memref<!tpu.dma_semaphore, #tpu.memory_space<semaphore_mem>>) src(%arg8 : memref<128x128xf32, #tpu.memory_space<vmem>>) dst(%dma_wait3A_257 : memref<10240x128xf32, #tpu.memory_space<vmem_shared>>)
      %add3A_258 = arith.constant 1 : i32
      %add3A_259 = arith.addi %scan3A_35, %add3A_258 : i32
      %lt3A_260 = arith.constant 20 : i32
      %lt3A_261 = arith.cmpi slt, %add3A_259, %lt3A_260 : i32
      %convert_element_type3A_262 = arith.extui %lt3A_261 : i1 to i32
      %cond3A_263 = arith.constant 0 : i32
      %cond3A_264 = arith.cmpi ne, %convert_element_type3A_262, %cond3A_263 : i32
      scf.if %cond3A_264 {
        %dma_start3A_265 = arith.constant 0 : i32
        %dma_start3A_266 = arith.constant 0 : i32
        %dma_start3A_267 = tpu.memref_slice %arg6[%rem3A_40, %dma_start3A_265, %dma_start3A_266] : memref<2x8x128xi32, #tpu.memory_space<vmem>> -> memref<1x1x128xi32, #tpu.memory_space<vmem>>
        %dma_start3A_268 = tpu.memref_squeeze %dma_start3A_267 : memref<1x1x128xi32, #tpu.memory_space<vmem>> -> memref<128xi32, #tpu.memory_space<vmem>>
        %dma_start3A_269 = arith.constant 0 : i32
        %dma_start3A_270 = arith.constant 0 : i32
        %dma_start3A_271 = tpu.memref_slice %arg2[%dma_start3A_269, %dma_start3A_270] : memref<20480x128xf32, #tpu.memory_space<hbm>> -> memref<20480x128xf32, #tpu.memory_space<hbm>>
        tpu.enqueue_indirect_dma source(%dma_start3A_271 : memref<20480x128xf32, #tpu.memory_space<hbm>>) target(%arg8 : memref<128x128xf32, #tpu.memory_space<vmem>>) offsets(%dma_start3A_268 : memref<128xi32, #tpu.memory_space<vmem>>) semaphore(%arg11 : memref<!tpu.dma_semaphore, #tpu.memory_space<semaphore_mem>>)
      } else {
      }
    }
    %scan3A_28 = arith.constant 20 : i32
    %dma_wait3A = arith.constant 0 : i32
    %dma_wait3A_29 = arith.constant 0 : i32
    %dma_wait3A_30 = tpu.memref_slice %arg2[%dma_wait3A, %dma_wait3A_29] : memref<20480x128xf32, #tpu.memory_space<hbm>> -> memref<128x128xf32, #tpu.memory_space<hbm>>
    %dma_wait3A_31 = arith.constant 0 : i32
    %dma_wait3A_32 = arith.constant 0 : i32
    %dma_wait3A_33 = tpu.memref_slice %arg2[%dma_wait3A_31, %dma_wait3A_32] : memref<20480x128xf32, #tpu.memory_space<hbm>> -> memref<128x128xf32, #tpu.memory_space<hbm>>
    tpu.wait_dma2 semaphore(%arg14 : memref<!tpu.dma_semaphore, #tpu.memory_space<semaphore_mem>>) src(%dma_wait3A_33 : memref<128x128xf32, #tpu.memory_space<hbm>>) dst(%arg9 : memref<128x128xf32, #tpu.memory_space<vmem>>)
    %barrier3A_34 = arith.constant 0 : index
    tpu.barrier barrier_id(%barrier3A_34)
    "tpu.region"() ({
      %run_scoped3A_35 = tpu.sem_alloc : memref<!tpu.dma_semaphore, #tpu.memory_space<semaphore_mem>>
      %dma_start3A_36 = arith.constant 0 : i32
      %dma_start3A_37 = arith.constant 0 : i32
      %dma_start3A_38 = tpu.memref_slice %arg5[%arg0, %arg1, %dma_start3A_36, %dma_start3A_37] : memref<2x16x640x128xf32, #tpu.memory_space<hbm>> -> memref<1x1x640x128xf32, #tpu.memory_space<hbm>>
      %dma_start3A_39 = tpu.memref_squeeze %dma_start3A_38 : memref<1x1x640x128xf32, #tpu.memory_space<hbm>> -> memref<640x128xf32, #tpu.memory_space<hbm>>
      %dma_start3A_40 = arith.constant 0 : i32
      %dma_start3A_41 = tpu.memref_slice %arg10[%mul3A_0, %dma_start3A_40] : memref<10240x128xf32, #tpu.memory_space<vmem_shared>> -> memref<640x128xf32, #tpu.memory_space<vmem_shared>>
      tpu.enqueue_dma source(%dma_start3A_41 : memref<640x128xf32, #tpu.memory_space<vmem_shared>>) target(%dma_start3A_39 : memref<640x128xf32, #tpu.memory_space<hbm>>) target_semaphore(%run_scoped3A_35 : memref<!tpu.dma_semaphore, #tpu.memory_space<semaphore_mem>>)
      %dma_wait3A_42 = arith.constant 0 : i32
      %dma_wait3A_43 = arith.constant 0 : i32
      %dma_wait3A_44 = tpu.memref_slice %arg5[%arg0, %arg1, %dma_wait3A_42, %dma_wait3A_43] : memref<2x16x640x128xf32, #tpu.memory_space<hbm>> -> memref<1x1x640x128xf32, #tpu.memory_space<hbm>>
      %dma_wait3A_45 = tpu.memref_squeeze %dma_wait3A_44 : memref<1x1x640x128xf32, #tpu.memory_space<hbm>> -> memref<640x128xf32, #tpu.memory_space<hbm>>
      %dma_wait3A_46 = arith.constant 0 : i32
      %dma_wait3A_47 = tpu.memref_slice %arg10[%mul3A_0, %dma_wait3A_46] : memref<10240x128xf32, #tpu.memory_space<vmem_shared>> -> memref<640x128xf32, #tpu.memory_space<vmem_shared>>
      tpu.wait_dma2 semaphore(%run_scoped3A_35 : memref<!tpu.dma_semaphore, #tpu.memory_space<semaphore_mem>>) src(%dma_wait3A_47 : memref<640x128xf32, #tpu.memory_space<vmem_shared>>) dst(%dma_wait3A_45 : memref<640x128xf32, #tpu.memory_space<hbm>>)
      tpu.yield
    }) : () -> ()
    return
  }
}

#map = affine_map<(d0, d1) -> (0, 0)>
#map1 = affine_map<(d0, d1) -> (0, 0, 0, 0)>
module attributes {stable_mosaic.version = 14 : i64} {
  func.func @_sc_agg(%arg0: i32, %arg1: i32, %arg2: memref<20480x128xf32, #tpu.memory_space<hbm>>, %arg3: memref<2x16x160x128xi32, #tpu.memory_space<hbm>>, %arg4: memref<2x16x160x128xi32, #tpu.memory_space<hbm>>, %arg5: memref<2x16x640x128xf32, #tpu.memory_space<hbm>>, %arg6: memref<2x8x128xi32, #tpu.memory_space<vmem>>, %arg7: memref<2x8x128xi32, #tpu.memory_space<vmem>>, %arg8: memref<128x128xf32, #tpu.memory_space<vmem>>, %arg9: memref<128x128xf32, #tpu.memory_space<vmem>>, %arg10: memref<10240x128xf32, #tpu.memory_space<vmem_shared>>, %arg11: memref<!tpu.dma_semaphore, #tpu.memory_space<semaphore_mem>>, %arg12: memref<!tpu.dma_semaphore, #tpu.memory_space<semaphore_mem>>, %arg13: memref<!tpu.dma_semaphore, #tpu.memory_space<semaphore_mem>>, %arg14: memref<!tpu.dma_semaphore, #tpu.memory_space<semaphore_mem>>) attributes {dimension_semantics = [#tpu.dimension_semantics<core_parallel>, #tpu.dimension_semantics<subcore_parallel>], iteration_bounds = array<i64: 2, 16>, scalar_prefetch = 0 : i64, scratch_operands = 9 : i64, tpu.core_type = #tpu.core_type<sc_vector_subcore>, window_params = [{transform_indices = #map}, {transform_indices = #map1}, {transform_indices = #map1}, {transform_indices = #map1}]} {
    %mul3A = arith.constant 640 : i32
    %mul3A_0 = arith.muli %arg1, %mul3A : i32
    %scan3A = arith.constant 0 : i32
    %scan3A_1 = arith.constant 0 : i32
    %scan3A_2 = arith.constant 128 : i32
    %scan3A_3 = arith.addi %scan3A_1, %scan3A_2 : i32
    %scan3A_4 = arith.constant 1 : i32
    scf.for %scan3A_35 = %scan3A_1 to %scan3A_3 step %scan3A_4  : i32 {
      %scan3A_36 = arith.constant 0 : i32
      %scan3A_37 = arith.constant 8 : i32
      %scan3A_38 = arith.addi %scan3A_36, %scan3A_37 : i32
      %scan3A_39 = arith.constant 1 : i32
      scf.for %scan3A_41 = %scan3A_36 to %scan3A_38 step %scan3A_39  : i32 {
        %broadcast_in_dim3A = arith.constant 0.000000e+00 : f32
        %broadcast_in_dim3A_42 = vector.broadcast %broadcast_in_dim3A : f32 to vector<16xf32>
        %mul3A_43 = arith.constant 16 : i32
        %mul3A_44 = arith.muli %scan3A_41, %mul3A_43 : i32
        %multiple_of3A = tpu.assume_multiple %mul3A_44, 16 : i32
        %swap3A = arith.index_cast %scan3A_35 : i32 to index
        %swap3A_45 = arith.index_cast %multiple_of3A : i32 to index
        %swap3A_46 = tpu.vector_load %arg8[%swap3A, %swap3A_45] {strides = array<i32>} : memref<128x128xf32, #tpu.memory_space<vmem>>, vector<1x16xf32>,
        %swap3A_47 = vector.shape_cast %swap3A_46 : vector<1x16xf32> to vector<16xf32>
        %swap3A_48 = vector.shape_cast %broadcast_in_dim3A_42 : vector<16xf32> to vector<1x16xf32>
        tpu.vector_store %arg8[%swap3A, %swap3A_45], %swap3A_48 {strides = array<i32>} : memref<128x128xf32, #tpu.memory_space<vmem>>, vector<1x16xf32>,
      }
      %scan3A_40 = arith.constant 8 : i32
    }
    %scan3A_5 = arith.constant 128 : i32
    %add3A = arith.constant 0 : i32
    %add3A_6 = arith.addi %mul3A_0, %add3A : i32
    "tpu.region"() ({
      %run_scoped3A_35 = tpu.sem_alloc : memref<!tpu.dma_semaphore, #tpu.memory_space<semaphore_mem>>
      %dma_start3A_36 = arith.constant 0 : i32
      %dma_start3A_37 = tpu.memref_slice %arg10[%add3A_6, %dma_start3A_36] : memref<10240x128xf32, #tpu.memory_space<vmem_shared>> -> memref<128x128xf32, #tpu.memory_space<vmem_shared>>
      %dma_start3A_38 = arith.constant 0 : i32
      %dma_start3A_39 = tpu.memref_slice %arg10[%add3A_6, %dma_start3A_38] : memref<10240x128xf32, #tpu.memory_space<vmem_shared>> -> memref<128x128xf32, #tpu.memory_space<vmem_shared>>
      tpu.enqueue_dma source(%arg8 : memref<128x128xf32, #tpu.memory_space<vmem>>) target(%dma_start3A_39 : memref<128x128xf32, #tpu.memory_space<vmem_shared>>) target_semaphore(%run_scoped3A_35 : memref<!tpu.dma_semaphore, #tpu.memory_space<semaphore_mem>>)
      %dma_wait3A_40 = arith.constant 0 : i32
      %dma_wait3A_41 = tpu.memref_slice %arg10[%add3A_6, %dma_wait3A_40] : memref<10240x128xf32, #tpu.memory_space<vmem_shared>> -> memref<128x128xf32, #tpu.memory_space<vmem_shared>>
      %dma_wait3A_42 = arith.constant 0 : i32
      %dma_wait3A_43 = tpu.memref_slice %arg10[%add3A_6, %dma_wait3A_42] : memref<10240x128xf32, #tpu.memory_space<vmem_shared>> -> memref<128x128xf32, #tpu.memory_space<vmem_shared>>
      tpu.wait_dma2 semaphore(%run_scoped3A_35 : memref<!tpu.dma_semaphore, #tpu.memory_space<semaphore_mem>>) src(%arg8 : memref<128x128xf32, #tpu.memory_space<vmem>>) dst(%dma_wait3A_43 : memref<128x128xf32, #tpu.memory_space<vmem_shared>>)
      tpu.yield
    }) : () -> ()
    %add3A_7 = arith.constant 128 : i32
    %add3A_8 = arith.addi %mul3A_0, %add3A_7 : i32
    "tpu.region"() ({
      %run_scoped3A_35 = tpu.sem_alloc : memref<!tpu.dma_semaphore, #tpu.memory_space<semaphore_mem>>
      %dma_start3A_36 = arith.constant 0 : i32
      %dma_start3A_37 = tpu.memref_slice %arg10[%add3A_8, %dma_start3A_36] : memref<10240x128xf32, #tpu.memory_space<vmem_shared>> -> memref<128x128xf32, #tpu.memory_space<vmem_shared>>
      %dma_start3A_38 = arith.constant 0 : i32
      %dma_start3A_39 = tpu.memref_slice %arg10[%add3A_8, %dma_start3A_38] : memref<10240x128xf32, #tpu.memory_space<vmem_shared>> -> memref<128x128xf32, #tpu.memory_space<vmem_shared>>
      tpu.enqueue_dma source(%arg8 : memref<128x128xf32, #tpu.memory_space<vmem>>) target(%dma_start3A_39 : memref<128x128xf32, #tpu.memory_space<vmem_shared>>) target_semaphore(%run_scoped3A_35 : memref<!tpu.dma_semaphore, #tpu.memory_space<semaphore_mem>>)
      %dma_wait3A_40 = arith.constant 0 : i32
      %dma_wait3A_41 = tpu.memref_slice %arg10[%add3A_8, %dma_wait3A_40] : memref<10240x128xf32, #tpu.memory_space<vmem_shared>> -> memref<128x128xf32, #tpu.memory_space<vmem_shared>>
      %dma_wait3A_42 = arith.constant 0 : i32
      %dma_wait3A_43 = tpu.memref_slice %arg10[%add3A_8, %dma_wait3A_42] : memref<10240x128xf32, #tpu.memory_space<vmem_shared>> -> memref<128x128xf32, #tpu.memory_space<vmem_shared>>
      tpu.wait_dma2 semaphore(%run_scoped3A_35 : memref<!tpu.dma_semaphore, #tpu.memory_space<semaphore_mem>>) src(%arg8 : memref<128x128xf32, #tpu.memory_space<vmem>>) dst(%dma_wait3A_43 : memref<128x128xf32, #tpu.memory_space<vmem_shared>>)
      tpu.yield
    }) : () -> ()
    %add3A_9 = arith.constant 256 : i32
    %add3A_10 = arith.addi %mul3A_0, %add3A_9 : i32
    "tpu.region"() ({
      %run_scoped3A_35 = tpu.sem_alloc : memref<!tpu.dma_semaphore, #tpu.memory_space<semaphore_mem>>
      %dma_start3A_36 = arith.constant 0 : i32
      %dma_start3A_37 = tpu.memref_slice %arg10[%add3A_10, %dma_start3A_36] : memref<10240x128xf32, #tpu.memory_space<vmem_shared>> -> memref<128x128xf32, #tpu.memory_space<vmem_shared>>
      %dma_start3A_38 = arith.constant 0 : i32
      %dma_start3A_39 = tpu.memref_slice %arg10[%add3A_10, %dma_start3A_38] : memref<10240x128xf32, #tpu.memory_space<vmem_shared>> -> memref<128x128xf32, #tpu.memory_space<vmem_shared>>
      tpu.enqueue_dma source(%arg8 : memref<128x128xf32, #tpu.memory_space<vmem>>) target(%dma_start3A_39 : memref<128x128xf32, #tpu.memory_space<vmem_shared>>) target_semaphore(%run_scoped3A_35 : memref<!tpu.dma_semaphore, #tpu.memory_space<semaphore_mem>>)
      %dma_wait3A_40 = arith.constant 0 : i32
      %dma_wait3A_41 = tpu.memref_slice %arg10[%add3A_10, %dma_wait3A_40] : memref<10240x128xf32, #tpu.memory_space<vmem_shared>> -> memref<128x128xf32, #tpu.memory_space<vmem_shared>>
      %dma_wait3A_42 = arith.constant 0 : i32
      %dma_wait3A_43 = tpu.memref_slice %arg10[%add3A_10, %dma_wait3A_42] : memref<10240x128xf32, #tpu.memory_space<vmem_shared>> -> memref<128x128xf32, #tpu.memory_space<vmem_shared>>
      tpu.wait_dma2 semaphore(%run_scoped3A_35 : memref<!tpu.dma_semaphore, #tpu.memory_space<semaphore_mem>>) src(%arg8 : memref<128x128xf32, #tpu.memory_space<vmem>>) dst(%dma_wait3A_43 : memref<128x128xf32, #tpu.memory_space<vmem_shared>>)
      tpu.yield
    }) : () -> ()
    %add3A_11 = arith.constant 384 : i32
    %add3A_12 = arith.addi %mul3A_0, %add3A_11 : i32
    "tpu.region"() ({
      %run_scoped3A_35 = tpu.sem_alloc : memref<!tpu.dma_semaphore, #tpu.memory_space<semaphore_mem>>
      %dma_start3A_36 = arith.constant 0 : i32
      %dma_start3A_37 = tpu.memref_slice %arg10[%add3A_12, %dma_start3A_36] : memref<10240x128xf32, #tpu.memory_space<vmem_shared>> -> memref<128x128xf32, #tpu.memory_space<vmem_shared>>
      %dma_start3A_38 = arith.constant 0 : i32
      %dma_start3A_39 = tpu.memref_slice %arg10[%add3A_12, %dma_start3A_38] : memref<10240x128xf32, #tpu.memory_space<vmem_shared>> -> memref<128x128xf32, #tpu.memory_space<vmem_shared>>
      tpu.enqueue_dma source(%arg8 : memref<128x128xf32, #tpu.memory_space<vmem>>) target(%dma_start3A_39 : memref<128x128xf32, #tpu.memory_space<vmem_shared>>) target_semaphore(%run_scoped3A_35 : memref<!tpu.dma_semaphore, #tpu.memory_space<semaphore_mem>>)
      %dma_wait3A_40 = arith.constant 0 : i32
      %dma_wait3A_41 = tpu.memref_slice %arg10[%add3A_12, %dma_wait3A_40] : memref<10240x128xf32, #tpu.memory_space<vmem_shared>> -> memref<128x128xf32, #tpu.memory_space<vmem_shared>>
      %dma_wait3A_42 = arith.constant 0 : i32
      %dma_wait3A_43 = tpu.memref_slice %arg10[%add3A_12, %dma_wait3A_42] : memref<10240x128xf32, #tpu.memory_space<vmem_shared>> -> memref<128x128xf32, #tpu.memory_space<vmem_shared>>
      tpu.wait_dma2 semaphore(%run_scoped3A_35 : memref<!tpu.dma_semaphore, #tpu.memory_space<semaphore_mem>>) src(%arg8 : memref<128x128xf32, #tpu.memory_space<vmem>>) dst(%dma_wait3A_43 : memref<128x128xf32, #tpu.memory_space<vmem_shared>>)
      tpu.yield
    }) : () -> ()
    %add3A_13 = arith.constant 512 : i32
    %add3A_14 = arith.addi %mul3A_0, %add3A_13 : i32
    "tpu.region"() ({
      %run_scoped3A_35 = tpu.sem_alloc : memref<!tpu.dma_semaphore, #tpu.memory_space<semaphore_mem>>
      %dma_start3A_36 = arith.constant 0 : i32
      %dma_start3A_37 = tpu.memref_slice %arg10[%add3A_14, %dma_start3A_36] : memref<10240x128xf32, #tpu.memory_space<vmem_shared>> -> memref<128x128xf32, #tpu.memory_space<vmem_shared>>
      %dma_start3A_38 = arith.constant 0 : i32
      %dma_start3A_39 = tpu.memref_slice %arg10[%add3A_14, %dma_start3A_38] : memref<10240x128xf32, #tpu.memory_space<vmem_shared>> -> memref<128x128xf32, #tpu.memory_space<vmem_shared>>
      tpu.enqueue_dma source(%arg8 : memref<128x128xf32, #tpu.memory_space<vmem>>) target(%dma_start3A_39 : memref<128x128xf32, #tpu.memory_space<vmem_shared>>) target_semaphore(%run_scoped3A_35 : memref<!tpu.dma_semaphore, #tpu.memory_space<semaphore_mem>>)
      %dma_wait3A_40 = arith.constant 0 : i32
      %dma_wait3A_41 = tpu.memref_slice %arg10[%add3A_14, %dma_wait3A_40] : memref<10240x128xf32, #tpu.memory_space<vmem_shared>> -> memref<128x128xf32, #tpu.memory_space<vmem_shared>>
      %dma_wait3A_42 = arith.constant 0 : i32
      %dma_wait3A_43 = tpu.memref_slice %arg10[%add3A_14, %dma_wait3A_42] : memref<10240x128xf32, #tpu.memory_space<vmem_shared>> -> memref<128x128xf32, #tpu.memory_space<vmem_shared>>
      tpu.wait_dma2 semaphore(%run_scoped3A_35 : memref<!tpu.dma_semaphore, #tpu.memory_space<semaphore_mem>>) src(%arg8 : memref<128x128xf32, #tpu.memory_space<vmem>>) dst(%dma_wait3A_43 : memref<128x128xf32, #tpu.memory_space<vmem_shared>>)
      tpu.yield
    }) : () -> ()
    %barrier3A = arith.constant 0 : index
    tpu.barrier barrier_id(%barrier3A)
    %run_scoped3A = arith.constant 0 : i32
    "tpu.region"() ({
      %run_scoped3A_35 = tpu.sem_alloc : memref<!tpu.dma_semaphore, #tpu.memory_space<semaphore_mem>>
      %dma_start3A_36 = arith.constant 0 : i32
      %dma_start3A_37 = arith.constant 0 : i32
      %dma_start3A_38 = tpu.memref_slice %arg6[%run_scoped3A, %dma_start3A_36, %dma_start3A_37] : memref<2x8x128xi32, #tpu.memory_space<vmem>> -> memref<1x8x128xi32, #tpu.memory_space<vmem>>
      %dma_start3A_39 = tpu.memref_squeeze %dma_start3A_38 : memref<1x8x128xi32, #tpu.memory_space<vmem>> -> memref<8x128xi32, #tpu.memory_space<vmem>>
      %dma_start3A_40 = arith.constant 0 : i32
      %dma_start3A_41 = arith.constant 0 : i32
      %dma_start3A_42 = tpu.memref_slice %arg3[%arg0, %arg1, %dma_start3A_40, %dma_start3A_41] : memref<2x16x160x128xi32, #tpu.memory_space<hbm>> -> memref<1x1x8x128xi32, #tpu.memory_space<hbm>>
      %dma_start3A_43 = tpu.memref_squeeze %dma_start3A_42 : memref<1x1x8x128xi32, #tpu.memory_space<hbm>> -> memref<8x128xi32, #tpu.memory_space<hbm>>
      %dma_start3A_44 = arith.constant 0 : i32
      %dma_start3A_45 = arith.constant 0 : i32
      %dma_start3A_46 = tpu.memref_slice %arg6[%run_scoped3A, %dma_start3A_44, %dma_start3A_45] : memref<2x8x128xi32, #tpu.memory_space<vmem>> -> memref<1x8x128xi32, #tpu.memory_space<vmem>>
      %dma_start3A_47 = tpu.memref_squeeze %dma_start3A_46 : memref<1x8x128xi32, #tpu.memory_space<vmem>> -> memref<8x128xi32, #tpu.memory_space<vmem>>
      %dma_start3A_48 = arith.constant 0 : i32
      %dma_start3A_49 = arith.constant 0 : i32
      %dma_start3A_50 = tpu.memref_slice %arg3[%arg0, %arg1, %dma_start3A_48, %dma_start3A_49] : memref<2x16x160x128xi32, #tpu.memory_space<hbm>> -> memref<1x1x8x128xi32, #tpu.memory_space<hbm>>
      %dma_start3A_51 = tpu.memref_squeeze %dma_start3A_50 : memref<1x1x8x128xi32, #tpu.memory_space<hbm>> -> memref<8x128xi32, #tpu.memory_space<hbm>>
      tpu.enqueue_dma source(%dma_start3A_51 : memref<8x128xi32, #tpu.memory_space<hbm>>) target(%dma_start3A_47 : memref<8x128xi32, #tpu.memory_space<vmem>>) target_semaphore(%run_scoped3A_35 : memref<!tpu.dma_semaphore, #tpu.memory_space<semaphore_mem>>)
      %dma_wait3A_52 = arith.constant 0 : i32
      %dma_wait3A_53 = arith.constant 0 : i32
      %dma_wait3A_54 = tpu.memref_slice %arg6[%run_scoped3A, %dma_wait3A_52, %dma_wait3A_53] : memref<2x8x128xi32, #tpu.memory_space<vmem>> -> memref<1x8x128xi32, #tpu.memory_space<vmem>>
      %dma_wait3A_55 = tpu.memref_squeeze %dma_wait3A_54 : memref<1x8x128xi32, #tpu.memory_space<vmem>> -> memref<8x128xi32, #tpu.memory_space<vmem>>
      %dma_wait3A_56 = arith.constant 0 : i32
      %dma_wait3A_57 = arith.constant 0 : i32
      %dma_wait3A_58 = tpu.memref_slice %arg3[%arg0, %arg1, %dma_wait3A_56, %dma_wait3A_57] : memref<2x16x160x128xi32, #tpu.memory_space<hbm>> -> memref<1x1x8x128xi32, #tpu.memory_space<hbm>>
      %dma_wait3A_59 = tpu.memref_squeeze %dma_wait3A_58 : memref<1x1x8x128xi32, #tpu.memory_space<hbm>> -> memref<8x128xi32, #tpu.memory_space<hbm>>
      %dma_wait3A_60 = arith.constant 0 : i32
      %dma_wait3A_61 = arith.constant 0 : i32
      %dma_wait3A_62 = tpu.memref_slice %arg6[%run_scoped3A, %dma_wait3A_60, %dma_wait3A_61] : memref<2x8x128xi32, #tpu.memory_space<vmem>> -> memref<1x8x128xi32, #tpu.memory_space<vmem>>
      %dma_wait3A_63 = tpu.memref_squeeze %dma_wait3A_62 : memref<1x8x128xi32, #tpu.memory_space<vmem>> -> memref<8x128xi32, #tpu.memory_space<vmem>>
      %dma_wait3A_64 = arith.constant 0 : i32
      %dma_wait3A_65 = arith.constant 0 : i32
      %dma_wait3A_66 = tpu.memref_slice %arg3[%arg0, %arg1, %dma_wait3A_64, %dma_wait3A_65] : memref<2x16x160x128xi32, #tpu.memory_space<hbm>> -> memref<1x1x8x128xi32, #tpu.memory_space<hbm>>
      %dma_wait3A_67 = tpu.memref_squeeze %dma_wait3A_66 : memref<1x1x8x128xi32, #tpu.memory_space<hbm>> -> memref<8x128xi32, #tpu.memory_space<hbm>>
      tpu.wait_dma2 semaphore(%run_scoped3A_35 : memref<!tpu.dma_semaphore, #tpu.memory_space<semaphore_mem>>) src(%dma_wait3A_67 : memref<8x128xi32, #tpu.memory_space<hbm>>) dst(%dma_wait3A_63 : memref<8x128xi32, #tpu.memory_space<vmem>>)
      tpu.yield
    }) : () -> ()
    %run_scoped3A_15 = arith.constant 0 : i32
    "tpu.region"() ({
      %run_scoped3A_35 = tpu.sem_alloc : memref<!tpu.dma_semaphore, #tpu.memory_space<semaphore_mem>>
      %dma_start3A_36 = arith.constant 0 : i32
      %dma_start3A_37 = arith.constant 0 : i32
      %dma_start3A_38 = tpu.memref_slice %arg7[%run_scoped3A_15, %dma_start3A_36, %dma_start3A_37] : memref<2x8x128xi32, #tpu.memory_space<vmem>> -> memref<1x8x128xi32, #tpu.memory_space<vmem>>
      %dma_start3A_39 = tpu.memref_squeeze %dma_start3A_38 : memref<1x8x128xi32, #tpu.memory_space<vmem>> -> memref<8x128xi32, #tpu.memory_space<vmem>>
      %dma_start3A_40 = arith.constant 0 : i32
      %dma_start3A_41 = arith.constant 0 : i32
      %dma_start3A_42 = tpu.memref_slice %arg4[%arg0, %arg1, %dma_start3A_40, %dma_start3A_41] : memref<2x16x160x128xi32, #tpu.memory_space<hbm>> -> memref<1x1x8x128xi32, #tpu.memory_space<hbm>>
      %dma_start3A_43 = tpu.memref_squeeze %dma_start3A_42 : memref<1x1x8x128xi32, #tpu.memory_space<hbm>> -> memref<8x128xi32, #tpu.memory_space<hbm>>
      %dma_start3A_44 = arith.constant 0 : i32
      %dma_start3A_45 = arith.constant 0 : i32
      %dma_start3A_46 = tpu.memref_slice %arg7[%run_scoped3A_15, %dma_start3A_44, %dma_start3A_45] : memref<2x8x128xi32, #tpu.memory_space<vmem>> -> memref<1x8x128xi32, #tpu.memory_space<vmem>>
      %dma_start3A_47 = tpu.memref_squeeze %dma_start3A_46 : memref<1x8x128xi32, #tpu.memory_space<vmem>> -> memref<8x128xi32, #tpu.memory_space<vmem>>
      %dma_start3A_48 = arith.constant 0 : i32
      %dma_start3A_49 = arith.constant 0 : i32
      %dma_start3A_50 = tpu.memref_slice %arg4[%arg0, %arg1, %dma_start3A_48, %dma_start3A_49] : memref<2x16x160x128xi32, #tpu.memory_space<hbm>> -> memref<1x1x8x128xi32, #tpu.memory_space<hbm>>
      %dma_start3A_51 = tpu.memref_squeeze %dma_start3A_50 : memref<1x1x8x128xi32, #tpu.memory_space<hbm>> -> memref<8x128xi32, #tpu.memory_space<hbm>>
      tpu.enqueue_dma source(%dma_start3A_51 : memref<8x128xi32, #tpu.memory_space<hbm>>) target(%dma_start3A_47 : memref<8x128xi32, #tpu.memory_space<vmem>>) target_semaphore(%run_scoped3A_35 : memref<!tpu.dma_semaphore, #tpu.memory_space<semaphore_mem>>)
      %dma_wait3A_52 = arith.constant 0 : i32
      %dma_wait3A_53 = arith.constant 0 : i32
      %dma_wait3A_54 = tpu.memref_slice %arg7[%run_scoped3A_15, %dma_wait3A_52, %dma_wait3A_53] : memref<2x8x128xi32, #tpu.memory_space<vmem>> -> memref<1x8x128xi32, #tpu.memory_space<vmem>>
      %dma_wait3A_55 = tpu.memref_squeeze %dma_wait3A_54 : memref<1x8x128xi32, #tpu.memory_space<vmem>> -> memref<8x128xi32, #tpu.memory_space<vmem>>
      %dma_wait3A_56 = arith.constant 0 : i32
      %dma_wait3A_57 = arith.constant 0 : i32
      %dma_wait3A_58 = tpu.memref_slice %arg4[%arg0, %arg1, %dma_wait3A_56, %dma_wait3A_57] : memref<2x16x160x128xi32, #tpu.memory_space<hbm>> -> memref<1x1x8x128xi32, #tpu.memory_space<hbm>>
      %dma_wait3A_59 = tpu.memref_squeeze %dma_wait3A_58 : memref<1x1x8x128xi32, #tpu.memory_space<hbm>> -> memref<8x128xi32, #tpu.memory_space<hbm>>
      %dma_wait3A_60 = arith.constant 0 : i32
      %dma_wait3A_61 = arith.constant 0 : i32
      %dma_wait3A_62 = tpu.memref_slice %arg7[%run_scoped3A_15, %dma_wait3A_60, %dma_wait3A_61] : memref<2x8x128xi32, #tpu.memory_space<vmem>> -> memref<1x8x128xi32, #tpu.memory_space<vmem>>
      %dma_wait3A_63 = tpu.memref_squeeze %dma_wait3A_62 : memref<1x8x128xi32, #tpu.memory_space<vmem>> -> memref<8x128xi32, #tpu.memory_space<vmem>>
      %dma_wait3A_64 = arith.constant 0 : i32
      %dma_wait3A_65 = arith.constant 0 : i32
      %dma_wait3A_66 = tpu.memref_slice %arg4[%arg0, %arg1, %dma_wait3A_64, %dma_wait3A_65] : memref<2x16x160x128xi32, #tpu.memory_space<hbm>> -> memref<1x1x8x128xi32, #tpu.memory_space<hbm>>
      %dma_wait3A_67 = tpu.memref_squeeze %dma_wait3A_66 : memref<1x1x8x128xi32, #tpu.memory_space<hbm>> -> memref<8x128xi32, #tpu.memory_space<hbm>>
      tpu.wait_dma2 semaphore(%run_scoped3A_35 : memref<!tpu.dma_semaphore, #tpu.memory_space<semaphore_mem>>) src(%dma_wait3A_67 : memref<8x128xi32, #tpu.memory_space<hbm>>) dst(%dma_wait3A_63 : memref<8x128xi32, #tpu.memory_space<vmem>>)
      tpu.yield
    }) : () -> ()
    %dma_start3A = arith.constant 0 : i32
    %dma_start3A_16 = arith.constant 0 : i32
    %dma_start3A_17 = arith.constant 0 : i32
    %dma_start3A_18 = tpu.memref_slice %arg6[%dma_start3A, %dma_start3A_16, %dma_start3A_17] : memref<2x8x128xi32, #tpu.memory_space<vmem>> -> memref<1x1x128xi32, #tpu.memory_space<vmem>>
    %dma_start3A_19 = tpu.memref_squeeze %dma_start3A_18 : memref<1x1x128xi32, #tpu.memory_space<vmem>> -> memref<128xi32, #tpu.memory_space<vmem>>
    %dma_start3A_20 = arith.constant 0 : i32
    %dma_start3A_21 = arith.constant 0 : i32
    %dma_start3A_22 = tpu.memref_slice %arg2[%dma_start3A_20, %dma_start3A_21] : memref<20480x128xf32, #tpu.memory_space<hbm>> -> memref<20480x128xf32, #tpu.memory_space<hbm>>
    tpu.enqueue_indirect_dma source(%dma_start3A_22 : memref<20480x128xf32, #tpu.memory_space<hbm>>) target(%arg8 : memref<128x128xf32, #tpu.memory_space<vmem>>) offsets(%dma_start3A_19 : memref<128xi32, #tpu.memory_space<vmem>>) semaphore(%arg11 : memref<!tpu.dma_semaphore, #tpu.memory_space<semaphore_mem>>)
    %scan3A_23 = arith.constant 0 : i32
    %scan3A_24 = arith.constant 0 : i32
    %scan3A_25 = arith.constant 20 : i32
    %scan3A_26 = arith.addi %scan3A_24, %scan3A_25 : i32
    %scan3A_27 = arith.constant 1 : i32
    scf.for %scan3A_35 = %scan3A_24 to %scan3A_26 step %scan3A_27  : i32 {
      %rem3A = arith.constant 2 : i32
      %rem3A_36 = arith.remsi %scan3A_35, %rem3A : i32
      %add3A_37 = arith.constant 1 : i32
      %add3A_38 = arith.addi %scan3A_35, %add3A_37 : i32
      %rem3A_39 = arith.constant 2 : i32
      %rem3A_40 = arith.remsi %add3A_38, %rem3A_39 : i32
      %gt3A = arith.constant 0 : i32
      %gt3A_41 = arith.cmpi sgt, %scan3A_35, %gt3A : i32
      %convert_element_type3A = arith.extui %gt3A_41 : i1 to i32
      %cond3A = arith.constant 0 : i32
      %cond3A_42 = arith.cmpi ne, %convert_element_type3A, %cond3A : i32
      scf.if %cond3A_42 {
        %dma_wait3A_265 = arith.constant 0 : i32
        %dma_wait3A_266 = arith.constant 0 : i32
        %dma_wait3A_267 = tpu.memref_slice %arg2[%dma_wait3A_265, %dma_wait3A_266] : memref<20480x128xf32, #tpu.memory_space<hbm>> -> memref<128x128xf32, #tpu.memory_space<hbm>>
        %dma_wait3A_268 = arith.constant 0 : i32
        %dma_wait3A_269 = arith.constant 0 : i32
        %dma_wait3A_270 = tpu.memref_slice %arg2[%dma_wait3A_268, %dma_wait3A_269] : memref<20480x128xf32, #tpu.memory_space<hbm>> -> memref<128x128xf32, #tpu.memory_space<hbm>>
        tpu.wait_dma2 semaphore(%arg14 : memref<!tpu.dma_semaphore, #tpu.memory_space<semaphore_mem>>) src(%dma_wait3A_270 : memref<128x128xf32, #tpu.memory_space<hbm>>) dst(%arg9 : memref<128x128xf32, #tpu.memory_space<vmem>>)
      } else {
      }
      %add3A_43 = arith.constant 1 : i32
      %add3A_44 = arith.addi %scan3A_35, %add3A_43 : i32
      %lt3A = arith.constant 20 : i32
      %lt3A_45 = arith.cmpi slt, %add3A_44, %lt3A : i32
      %convert_element_type3A_46 = arith.extui %lt3A_45 : i1 to i32
      %cond3A_47 = arith.constant 0 : i32
      %cond3A_48 = arith.cmpi ne, %convert_element_type3A_46, %cond3A_47 : i32
      scf.if %cond3A_48 {
        %add3A_265 = arith.constant 1 : i32
        %add3A_266 = arith.addi %scan3A_35, %add3A_265 : i32
        %mul3A_267 = arith.constant 8 : i32
        %mul3A_268 = arith.muli %add3A_266, %mul3A_267 : i32
        "tpu.region"() ({
          %run_scoped3A_273 = tpu.sem_alloc : memref<!tpu.dma_semaphore, #tpu.memory_space<semaphore_mem>>
          %dma_start3A_274 = arith.constant 0 : i32
          %dma_start3A_275 = arith.constant 0 : i32
          %dma_start3A_276 = tpu.memref_slice %arg6[%rem3A_40, %dma_start3A_274, %dma_start3A_275] : memref<2x8x128xi32, #tpu.memory_space<vmem>> -> memref<1x8x128xi32, #tpu.memory_space<vmem>>
          %dma_start3A_277 = tpu.memref_squeeze %dma_start3A_276 : memref<1x8x128xi32, #tpu.memory_space<vmem>> -> memref<8x128xi32, #tpu.memory_space<vmem>>
          %dma_start3A_278 = arith.constant 0 : i32
          %dma_start3A_279 = tpu.memref_slice %arg3[%arg0, %arg1, %mul3A_268, %dma_start3A_278] : memref<2x16x160x128xi32, #tpu.memory_space<hbm>> -> memref<1x1x8x128xi32, #tpu.memory_space<hbm>>
          %dma_start3A_280 = tpu.memref_squeeze %dma_start3A_279 : memref<1x1x8x128xi32, #tpu.memory_space<hbm>> -> memref<8x128xi32, #tpu.memory_space<hbm>>
          %dma_start3A_281 = arith.constant 0 : i32
          %dma_start3A_282 = arith.constant 0 : i32
          %dma_start3A_283 = tpu.memref_slice %arg6[%rem3A_40, %dma_start3A_281, %dma_start3A_282] : memref<2x8x128xi32, #tpu.memory_space<vmem>> -> memref<1x8x128xi32, #tpu.memory_space<vmem>>
          %dma_start3A_284 = tpu.memref_squeeze %dma_start3A_283 : memref<1x8x128xi32, #tpu.memory_space<vmem>> -> memref<8x128xi32, #tpu.memory_space<vmem>>
          %dma_start3A_285 = arith.constant 0 : i32
          %dma_start3A_286 = tpu.memref_slice %arg3[%arg0, %arg1, %mul3A_268, %dma_start3A_285] : memref<2x16x160x128xi32, #tpu.memory_space<hbm>> -> memref<1x1x8x128xi32, #tpu.memory_space<hbm>>
          %dma_start3A_287 = tpu.memref_squeeze %dma_start3A_286 : memref<1x1x8x128xi32, #tpu.memory_space<hbm>> -> memref<8x128xi32, #tpu.memory_space<hbm>>
          tpu.enqueue_dma source(%dma_start3A_287 : memref<8x128xi32, #tpu.memory_space<hbm>>) target(%dma_start3A_284 : memref<8x128xi32, #tpu.memory_space<vmem>>) target_semaphore(%run_scoped3A_273 : memref<!tpu.dma_semaphore, #tpu.memory_space<semaphore_mem>>)
          %dma_wait3A_288 = arith.constant 0 : i32
          %dma_wait3A_289 = arith.constant 0 : i32
          %dma_wait3A_290 = tpu.memref_slice %arg6[%rem3A_40, %dma_wait3A_288, %dma_wait3A_289] : memref<2x8x128xi32, #tpu.memory_space<vmem>> -> memref<1x8x128xi32, #tpu.memory_space<vmem>>
          %dma_wait3A_291 = tpu.memref_squeeze %dma_wait3A_290 : memref<1x8x128xi32, #tpu.memory_space<vmem>> -> memref<8x128xi32, #tpu.memory_space<vmem>>
          %dma_wait3A_292 = arith.constant 0 : i32
          %dma_wait3A_293 = tpu.memref_slice %arg3[%arg0, %arg1, %mul3A_268, %dma_wait3A_292] : memref<2x16x160x128xi32, #tpu.memory_space<hbm>> -> memref<1x1x8x128xi32, #tpu.memory_space<hbm>>
          %dma_wait3A_294 = tpu.memref_squeeze %dma_wait3A_293 : memref<1x1x8x128xi32, #tpu.memory_space<hbm>> -> memref<8x128xi32, #tpu.memory_space<hbm>>
          %dma_wait3A_295 = arith.constant 0 : i32
          %dma_wait3A_296 = arith.constant 0 : i32
          %dma_wait3A_297 = tpu.memref_slice %arg6[%rem3A_40, %dma_wait3A_295, %dma_wait3A_296] : memref<2x8x128xi32, #tpu.memory_space<vmem>> -> memref<1x8x128xi32, #tpu.memory_space<vmem>>
          %dma_wait3A_298 = tpu.memref_squeeze %dma_wait3A_297 : memref<1x8x128xi32, #tpu.memory_space<vmem>> -> memref<8x128xi32, #tpu.memory_space<vmem>>
          %dma_wait3A_299 = arith.constant 0 : i32
          %dma_wait3A_300 = tpu.memref_slice %arg3[%arg0, %arg1, %mul3A_268, %dma_wait3A_299] : memref<2x16x160x128xi32, #tpu.memory_space<hbm>> -> memref<1x1x8x128xi32, #tpu.memory_space<hbm>>
          %dma_wait3A_301 = tpu.memref_squeeze %dma_wait3A_300 : memref<1x1x8x128xi32, #tpu.memory_space<hbm>> -> memref<8x128xi32, #tpu.memory_space<hbm>>
          tpu.wait_dma2 semaphore(%run_scoped3A_273 : memref<!tpu.dma_semaphore, #tpu.memory_space<semaphore_mem>>) src(%dma_wait3A_301 : memref<8x128xi32, #tpu.memory_space<hbm>>) dst(%dma_wait3A_298 : memref<8x128xi32, #tpu.memory_space<vmem>>)
          tpu.yield
        }) : () -> ()
        %add3A_269 = arith.constant 1 : i32
        %add3A_270 = arith.addi %scan3A_35, %add3A_269 : i32
        %mul3A_271 = arith.constant 8 : i32
        %mul3A_272 = arith.muli %add3A_270, %mul3A_271 : i32
        "tpu.region"() ({
          %run_scoped3A_273 = tpu.sem_alloc : memref<!tpu.dma_semaphore, #tpu.memory_space<semaphore_mem>>
          %dma_start3A_274 = arith.constant 0 : i32
          %dma_start3A_275 = arith.constant 0 : i32
          %dma_start3A_276 = tpu.memref_slice %arg7[%rem3A_40, %dma_start3A_274, %dma_start3A_275] : memref<2x8x128xi32, #tpu.memory_space<vmem>> -> memref<1x8x128xi32, #tpu.memory_space<vmem>>
          %dma_start3A_277 = tpu.memref_squeeze %dma_start3A_276 : memref<1x8x128xi32, #tpu.memory_space<vmem>> -> memref<8x128xi32, #tpu.memory_space<vmem>>
          %dma_start3A_278 = arith.constant 0 : i32
          %dma_start3A_279 = tpu.memref_slice %arg4[%arg0, %arg1, %mul3A_272, %dma_start3A_278] : memref<2x16x160x128xi32, #tpu.memory_space<hbm>> -> memref<1x1x8x128xi32, #tpu.memory_space<hbm>>
          %dma_start3A_280 = tpu.memref_squeeze %dma_start3A_279 : memref<1x1x8x128xi32, #tpu.memory_space<hbm>> -> memref<8x128xi32, #tpu.memory_space<hbm>>
          %dma_start3A_281 = arith.constant 0 : i32
          %dma_start3A_282 = arith.constant 0 : i32
          %dma_start3A_283 = tpu.memref_slice %arg7[%rem3A_40, %dma_start3A_281, %dma_start3A_282] : memref<2x8x128xi32, #tpu.memory_space<vmem>> -> memref<1x8x128xi32, #tpu.memory_space<vmem>>
          %dma_start3A_284 = tpu.memref_squeeze %dma_start3A_283 : memref<1x8x128xi32, #tpu.memory_space<vmem>> -> memref<8x128xi32, #tpu.memory_space<vmem>>
          %dma_start3A_285 = arith.constant 0 : i32
          %dma_start3A_286 = tpu.memref_slice %arg4[%arg0, %arg1, %mul3A_272, %dma_start3A_285] : memref<2x16x160x128xi32, #tpu.memory_space<hbm>> -> memref<1x1x8x128xi32, #tpu.memory_space<hbm>>
          %dma_start3A_287 = tpu.memref_squeeze %dma_start3A_286 : memref<1x1x8x128xi32, #tpu.memory_space<hbm>> -> memref<8x128xi32, #tpu.memory_space<hbm>>
          tpu.enqueue_dma source(%dma_start3A_287 : memref<8x128xi32, #tpu.memory_space<hbm>>) target(%dma_start3A_284 : memref<8x128xi32, #tpu.memory_space<vmem>>) target_semaphore(%run_scoped3A_273 : memref<!tpu.dma_semaphore, #tpu.memory_space<semaphore_mem>>)
          %dma_wait3A_288 = arith.constant 0 : i32
          %dma_wait3A_289 = arith.constant 0 : i32
          %dma_wait3A_290 = tpu.memref_slice %arg7[%rem3A_40, %dma_wait3A_288, %dma_wait3A_289] : memref<2x8x128xi32, #tpu.memory_space<vmem>> -> memref<1x8x128xi32, #tpu.memory_space<vmem>>
          %dma_wait3A_291 = tpu.memref_squeeze %dma_wait3A_290 : memref<1x8x128xi32, #tpu.memory_space<vmem>> -> memref<8x128xi32, #tpu.memory_space<vmem>>
          %dma_wait3A_292 = arith.constant 0 : i32
          %dma_wait3A_293 = tpu.memref_slice %arg4[%arg0, %arg1, %mul3A_272, %dma_wait3A_292] : memref<2x16x160x128xi32, #tpu.memory_space<hbm>> -> memref<1x1x8x128xi32, #tpu.memory_space<hbm>>
          %dma_wait3A_294 = tpu.memref_squeeze %dma_wait3A_293 : memref<1x1x8x128xi32, #tpu.memory_space<hbm>> -> memref<8x128xi32, #tpu.memory_space<hbm>>
          %dma_wait3A_295 = arith.constant 0 : i32
          %dma_wait3A_296 = arith.constant 0 : i32
          %dma_wait3A_297 = tpu.memref_slice %arg7[%rem3A_40, %dma_wait3A_295, %dma_wait3A_296] : memref<2x8x128xi32, #tpu.memory_space<vmem>> -> memref<1x8x128xi32, #tpu.memory_space<vmem>>
          %dma_wait3A_298 = tpu.memref_squeeze %dma_wait3A_297 : memref<1x8x128xi32, #tpu.memory_space<vmem>> -> memref<8x128xi32, #tpu.memory_space<vmem>>
          %dma_wait3A_299 = arith.constant 0 : i32
          %dma_wait3A_300 = tpu.memref_slice %arg4[%arg0, %arg1, %mul3A_272, %dma_wait3A_299] : memref<2x16x160x128xi32, #tpu.memory_space<hbm>> -> memref<1x1x8x128xi32, #tpu.memory_space<hbm>>
          %dma_wait3A_301 = tpu.memref_squeeze %dma_wait3A_300 : memref<1x1x8x128xi32, #tpu.memory_space<hbm>> -> memref<8x128xi32, #tpu.memory_space<hbm>>
          tpu.wait_dma2 semaphore(%run_scoped3A_273 : memref<!tpu.dma_semaphore, #tpu.memory_space<semaphore_mem>>) src(%dma_wait3A_301 : memref<8x128xi32, #tpu.memory_space<hbm>>) dst(%dma_wait3A_298 : memref<8x128xi32, #tpu.memory_space<vmem>>)
          tpu.yield
        }) : () -> ()
      } else {
      }
      %dma_wait3A_49 = arith.constant 0 : i32
      %dma_wait3A_50 = arith.constant 0 : i32
      %dma_wait3A_51 = tpu.memref_slice %arg2[%dma_wait3A_49, %dma_wait3A_50] : memref<20480x128xf32, #tpu.memory_space<hbm>> -> memref<128x128xf32, #tpu.memory_space<hbm>>
      %dma_wait3A_52 = arith.constant 0 : i32
      %dma_wait3A_53 = arith.constant 0 : i32
      %dma_wait3A_54 = tpu.memref_slice %arg2[%dma_wait3A_52, %dma_wait3A_53] : memref<20480x128xf32, #tpu.memory_space<hbm>> -> memref<128x128xf32, #tpu.memory_space<hbm>>
      tpu.wait_dma2 semaphore(%arg11 : memref<!tpu.dma_semaphore, #tpu.memory_space<semaphore_mem>>) src(%dma_wait3A_54 : memref<128x128xf32, #tpu.memory_space<hbm>>) dst(%arg8 : memref<128x128xf32, #tpu.memory_space<vmem>>)
      %dma_start3A_55 = arith.constant 0 : i32
      %dma_start3A_56 = arith.constant 0 : i32
      %dma_start3A_57 = tpu.memref_slice %arg7[%rem3A_36, %dma_start3A_55, %dma_start3A_56] : memref<2x8x128xi32, #tpu.memory_space<vmem>> -> memref<1x1x128xi32, #tpu.memory_space<vmem>>
      %dma_start3A_58 = tpu.memref_squeeze %dma_start3A_57 : memref<1x1x128xi32, #tpu.memory_space<vmem>> -> memref<128xi32, #tpu.memory_space<vmem>>
      %dma_start3A_59 = arith.constant 0 : i32
      %dma_start3A_60 = arith.constant 0 : i32
      %dma_start3A_61 = tpu.memref_slice %arg10[%dma_start3A_59, %dma_start3A_60] : memref<10240x128xf32, #tpu.memory_space<vmem_shared>> -> memref<10240x128xf32, #tpu.memory_space<vmem_shared>>
      tpu.enqueue_indirect_dma source(%arg8 : memref<128x128xf32, #tpu.memory_space<vmem>>) target(%dma_start3A_61 : memref<10240x128xf32, #tpu.memory_space<vmem_shared>>) offsets(%dma_start3A_58 : memref<128xi32, #tpu.memory_space<vmem>>) semaphore(%arg13 : memref<!tpu.dma_semaphore, #tpu.memory_space<semaphore_mem>>) {add = true}
      %dma_start3A_62 = arith.constant 1 : i32
      %dma_start3A_63 = arith.constant 0 : i32
      %dma_start3A_64 = tpu.memref_slice %arg6[%rem3A_36, %dma_start3A_62, %dma_start3A_63] : memref<2x8x128xi32, #tpu.memory_space<vmem>> -> memref<1x1x128xi32, #tpu.memory_space<vmem>>
      %dma_start3A_65 = tpu.memref_squeeze %dma_start3A_64 : memref<1x1x128xi32, #tpu.memory_space<vmem>> -> memref<128xi32, #tpu.memory_space<vmem>>
      %dma_start3A_66 = arith.constant 0 : i32
      %dma_start3A_67 = arith.constant 0 : i32
      %dma_start3A_68 = tpu.memref_slice %arg2[%dma_start3A_66, %dma_start3A_67] : memref<20480x128xf32, #tpu.memory_space<hbm>> -> memref<20480x128xf32, #tpu.memory_space<hbm>>
      tpu.enqueue_indirect_dma source(%dma_start3A_68 : memref<20480x128xf32, #tpu.memory_space<hbm>>) target(%arg9 : memref<128x128xf32, #tpu.memory_space<vmem>>) offsets(%dma_start3A_65 : memref<128xi32, #tpu.memory_space<vmem>>) semaphore(%arg12 : memref<!tpu.dma_semaphore, #tpu.memory_space<semaphore_mem>>)
      %dma_wait3A_69 = arith.constant 1 : i32
      %dma_wait3A_70 = arith.constant 0 : i32
      %dma_wait3A_71 = tpu.memref_slice %arg6[%rem3A_36, %dma_wait3A_69, %dma_wait3A_70] : memref<2x8x128xi32, #tpu.memory_space<vmem>> -> memref<1x1x128xi32, #tpu.memory_space<vmem>>
      %dma_wait3A_72 = tpu.memref_squeeze %dma_wait3A_71 : memref<1x1x128xi32, #tpu.memory_space<vmem>> -> memref<128xi32, #tpu.memory_space<vmem>>
      %dma_wait3A_73 = arith.constant 0 : i32
      %dma_wait3A_74 = arith.constant 0 : i32
      %dma_wait3A_75 = tpu.memref_slice %arg2[%dma_wait3A_73, %dma_wait3A_74] : memref<20480x128xf32, #tpu.memory_space<hbm>> -> memref<20480x128xf32, #tpu.memory_space<hbm>>
      tpu.wait_indirect_dma semaphore(%arg12 : memref<!tpu.dma_semaphore, #tpu.memory_space<semaphore_mem>>) src(%dma_wait3A_75 : memref<20480x128xf32, #tpu.memory_space<hbm>>) dst(%arg9 : memref<128x128xf32, #tpu.memory_space<vmem>>)
      %dma_start3A_76 = arith.constant 1 : i32
      %dma_start3A_77 = arith.constant 0 : i32
      %dma_start3A_78 = tpu.memref_slice %arg7[%rem3A_36, %dma_start3A_76, %dma_start3A_77] : memref<2x8x128xi32, #tpu.memory_space<vmem>> -> memref<1x1x128xi32, #tpu.memory_space<vmem>>
      %dma_start3A_79 = tpu.memref_squeeze %dma_start3A_78 : memref<1x1x128xi32, #tpu.memory_space<vmem>> -> memref<128xi32, #tpu.memory_space<vmem>>
      %dma_start3A_80 = arith.constant 0 : i32
      %dma_start3A_81 = arith.constant 0 : i32
      %dma_start3A_82 = tpu.memref_slice %arg10[%dma_start3A_80, %dma_start3A_81] : memref<10240x128xf32, #tpu.memory_space<vmem_shared>> -> memref<10240x128xf32, #tpu.memory_space<vmem_shared>>
      tpu.enqueue_indirect_dma source(%arg9 : memref<128x128xf32, #tpu.memory_space<vmem>>) target(%dma_start3A_82 : memref<10240x128xf32, #tpu.memory_space<vmem_shared>>) offsets(%dma_start3A_79 : memref<128xi32, #tpu.memory_space<vmem>>) semaphore(%arg14 : memref<!tpu.dma_semaphore, #tpu.memory_space<semaphore_mem>>) {add = true}
      %dma_wait3A_83 = arith.constant 0 : i32
      %dma_wait3A_84 = arith.constant 0 : i32
      %dma_wait3A_85 = tpu.memref_slice %arg7[%rem3A_36, %dma_wait3A_83, %dma_wait3A_84] : memref<2x8x128xi32, #tpu.memory_space<vmem>> -> memref<1x1x128xi32, #tpu.memory_space<vmem>>
      %dma_wait3A_86 = tpu.memref_squeeze %dma_wait3A_85 : memref<1x1x128xi32, #tpu.memory_space<vmem>> -> memref<128xi32, #tpu.memory_space<vmem>>
      %dma_wait3A_87 = arith.constant 0 : i32
      %dma_wait3A_88 = arith.constant 0 : i32
      %dma_wait3A_89 = tpu.memref_slice %arg10[%dma_wait3A_87, %dma_wait3A_88] : memref<10240x128xf32, #tpu.memory_space<vmem_shared>> -> memref<10240x128xf32, #tpu.memory_space<vmem_shared>>
      tpu.wait_indirect_dma semaphore(%arg13 : memref<!tpu.dma_semaphore, #tpu.memory_space<semaphore_mem>>) src(%arg8 : memref<128x128xf32, #tpu.memory_space<vmem>>) dst(%dma_wait3A_89 : memref<10240x128xf32, #tpu.memory_space<vmem_shared>>)
      %dma_start3A_90 = arith.constant 2 : i32
      %dma_start3A_91 = arith.constant 0 : i32
      %dma_start3A_92 = tpu.memref_slice %arg6[%rem3A_36, %dma_start3A_90, %dma_start3A_91] : memref<2x8x128xi32, #tpu.memory_space<vmem>> -> memref<1x1x128xi32, #tpu.memory_space<vmem>>
      %dma_start3A_93 = tpu.memref_squeeze %dma_start3A_92 : memref<1x1x128xi32, #tpu.memory_space<vmem>> -> memref<128xi32, #tpu.memory_space<vmem>>
      %dma_start3A_94 = arith.constant 0 : i32
      %dma_start3A_95 = arith.constant 0 : i32
      %dma_start3A_96 = tpu.memref_slice %arg2[%dma_start3A_94, %dma_start3A_95] : memref<20480x128xf32, #tpu.memory_space<hbm>> -> memref<20480x128xf32, #tpu.memory_space<hbm>>
      tpu.enqueue_indirect_dma source(%dma_start3A_96 : memref<20480x128xf32, #tpu.memory_space<hbm>>) target(%arg8 : memref<128x128xf32, #tpu.memory_space<vmem>>) offsets(%dma_start3A_93 : memref<128xi32, #tpu.memory_space<vmem>>) semaphore(%arg11 : memref<!tpu.dma_semaphore, #tpu.memory_space<semaphore_mem>>)
      %dma_wait3A_97 = arith.constant 2 : i32
      %dma_wait3A_98 = arith.constant 0 : i32
      %dma_wait3A_99 = tpu.memref_slice %arg6[%rem3A_36, %dma_wait3A_97, %dma_wait3A_98] : memref<2x8x128xi32, #tpu.memory_space<vmem>> -> memref<1x1x128xi32, #tpu.memory_space<vmem>>
      %dma_wait3A_100 = tpu.memref_squeeze %dma_wait3A_99 : memref<1x1x128xi32, #tpu.memory_space<vmem>> -> memref<128xi32, #tpu.memory_space<vmem>>
      %dma_wait3A_101 = arith.constant 0 : i32
      %dma_wait3A_102 = arith.constant 0 : i32
      %dma_wait3A_103 = tpu.memref_slice %arg2[%dma_wait3A_101, %dma_wait3A_102] : memref<20480x128xf32, #tpu.memory_space<hbm>> -> memref<20480x128xf32, #tpu.memory_space<hbm>>
      tpu.wait_indirect_dma semaphore(%arg11 : memref<!tpu.dma_semaphore, #tpu.memory_space<semaphore_mem>>) src(%dma_wait3A_103 : memref<20480x128xf32, #tpu.memory_space<hbm>>) dst(%arg8 : memref<128x128xf32, #tpu.memory_space<vmem>>)
      %dma_start3A_104 = arith.constant 2 : i32
      %dma_start3A_105 = arith.constant 0 : i32
      %dma_start3A_106 = tpu.memref_slice %arg7[%rem3A_36, %dma_start3A_104, %dma_start3A_105] : memref<2x8x128xi32, #tpu.memory_space<vmem>> -> memref<1x1x128xi32, #tpu.memory_space<vmem>>
      %dma_start3A_107 = tpu.memref_squeeze %dma_start3A_106 : memref<1x1x128xi32, #tpu.memory_space<vmem>> -> memref<128xi32, #tpu.memory_space<vmem>>
      %dma_start3A_108 = arith.constant 0 : i32
      %dma_start3A_109 = arith.constant 0 : i32
      %dma_start3A_110 = tpu.memref_slice %arg10[%dma_start3A_108, %dma_start3A_109] : memref<10240x128xf32, #tpu.memory_space<vmem_shared>> -> memref<10240x128xf32, #tpu.memory_space<vmem_shared>>
      tpu.enqueue_indirect_dma source(%arg8 : memref<128x128xf32, #tpu.memory_space<vmem>>) target(%dma_start3A_110 : memref<10240x128xf32, #tpu.memory_space<vmem_shared>>) offsets(%dma_start3A_107 : memref<128xi32, #tpu.memory_space<vmem>>) semaphore(%arg13 : memref<!tpu.dma_semaphore, #tpu.memory_space<semaphore_mem>>) {add = true}
      %dma_wait3A_111 = arith.constant 1 : i32
      %dma_wait3A_112 = arith.constant 0 : i32
      %dma_wait3A_113 = tpu.memref_slice %arg7[%rem3A_36, %dma_wait3A_111, %dma_wait3A_112] : memref<2x8x128xi32, #tpu.memory_space<vmem>> -> memref<1x1x128xi32, #tpu.memory_space<vmem>>
      %dma_wait3A_114 = tpu.memref_squeeze %dma_wait3A_113 : memref<1x1x128xi32, #tpu.memory_space<vmem>> -> memref<128xi32, #tpu.memory_space<vmem>>
      %dma_wait3A_115 = arith.constant 0 : i32
      %dma_wait3A_116 = arith.constant 0 : i32
      %dma_wait3A_117 = tpu.memref_slice %arg10[%dma_wait3A_115, %dma_wait3A_116] : memref<10240x128xf32, #tpu.memory_space<vmem_shared>> -> memref<10240x128xf32, #tpu.memory_space<vmem_shared>>
      tpu.wait_indirect_dma semaphore(%arg14 : memref<!tpu.dma_semaphore, #tpu.memory_space<semaphore_mem>>) src(%arg9 : memref<128x128xf32, #tpu.memory_space<vmem>>) dst(%dma_wait3A_117 : memref<10240x128xf32, #tpu.memory_space<vmem_shared>>)
      %dma_start3A_118 = arith.constant 3 : i32
      %dma_start3A_119 = arith.constant 0 : i32
      %dma_start3A_120 = tpu.memref_slice %arg6[%rem3A_36, %dma_start3A_118, %dma_start3A_119] : memref<2x8x128xi32, #tpu.memory_space<vmem>> -> memref<1x1x128xi32, #tpu.memory_space<vmem>>
      %dma_start3A_121 = tpu.memref_squeeze %dma_start3A_120 : memref<1x1x128xi32, #tpu.memory_space<vmem>> -> memref<128xi32, #tpu.memory_space<vmem>>
      %dma_start3A_122 = arith.constant 0 : i32
      %dma_start3A_123 = arith.constant 0 : i32
      %dma_start3A_124 = tpu.memref_slice %arg2[%dma_start3A_122, %dma_start3A_123] : memref<20480x128xf32, #tpu.memory_space<hbm>> -> memref<20480x128xf32, #tpu.memory_space<hbm>>
      tpu.enqueue_indirect_dma source(%dma_start3A_124 : memref<20480x128xf32, #tpu.memory_space<hbm>>) target(%arg9 : memref<128x128xf32, #tpu.memory_space<vmem>>) offsets(%dma_start3A_121 : memref<128xi32, #tpu.memory_space<vmem>>) semaphore(%arg12 : memref<!tpu.dma_semaphore, #tpu.memory_space<semaphore_mem>>)
      %dma_wait3A_125 = arith.constant 3 : i32
      %dma_wait3A_126 = arith.constant 0 : i32
      %dma_wait3A_127 = tpu.memref_slice %arg6[%rem3A_36, %dma_wait3A_125, %dma_wait3A_126] : memref<2x8x128xi32, #tpu.memory_space<vmem>> -> memref<1x1x128xi32, #tpu.memory_space<vmem>>
      %dma_wait3A_128 = tpu.memref_squeeze %dma_wait3A_127 : memref<1x1x128xi32, #tpu.memory_space<vmem>> -> memref<128xi32, #tpu.memory_space<vmem>>
      %dma_wait3A_129 = arith.constant 0 : i32
      %dma_wait3A_130 = arith.constant 0 : i32
      %dma_wait3A_131 = tpu.memref_slice %arg2[%dma_wait3A_129, %dma_wait3A_130] : memref<20480x128xf32, #tpu.memory_space<hbm>> -> memref<20480x128xf32, #tpu.memory_space<hbm>>
      tpu.wait_indirect_dma semaphore(%arg12 : memref<!tpu.dma_semaphore, #tpu.memory_space<semaphore_mem>>) src(%dma_wait3A_131 : memref<20480x128xf32, #tpu.memory_space<hbm>>) dst(%arg9 : memref<128x128xf32, #tpu.memory_space<vmem>>)
      %dma_start3A_132 = arith.constant 3 : i32
      %dma_start3A_133 = arith.constant 0 : i32
      %dma_start3A_134 = tpu.memref_slice %arg7[%rem3A_36, %dma_start3A_132, %dma_start3A_133] : memref<2x8x128xi32, #tpu.memory_space<vmem>> -> memref<1x1x128xi32, #tpu.memory_space<vmem>>
      %dma_start3A_135 = tpu.memref_squeeze %dma_start3A_134 : memref<1x1x128xi32, #tpu.memory_space<vmem>> -> memref<128xi32, #tpu.memory_space<vmem>>
      %dma_start3A_136 = arith.constant 0 : i32
      %dma_start3A_137 = arith.constant 0 : i32
      %dma_start3A_138 = tpu.memref_slice %arg10[%dma_start3A_136, %dma_start3A_137] : memref<10240x128xf32, #tpu.memory_space<vmem_shared>> -> memref<10240x128xf32, #tpu.memory_space<vmem_shared>>
      tpu.enqueue_indirect_dma source(%arg9 : memref<128x128xf32, #tpu.memory_space<vmem>>) target(%dma_start3A_138 : memref<10240x128xf32, #tpu.memory_space<vmem_shared>>) offsets(%dma_start3A_135 : memref<128xi32, #tpu.memory_space<vmem>>) semaphore(%arg14 : memref<!tpu.dma_semaphore, #tpu.memory_space<semaphore_mem>>) {add = true}
      %dma_wait3A_139 = arith.constant 2 : i32
      %dma_wait3A_140 = arith.constant 0 : i32
      %dma_wait3A_141 = tpu.memref_slice %arg7[%rem3A_36, %dma_wait3A_139, %dma_wait3A_140] : memref<2x8x128xi32, #tpu.memory_space<vmem>> -> memref<1x1x128xi32, #tpu.memory_space<vmem>>
      %dma_wait3A_142 = tpu.memref_squeeze %dma_wait3A_141 : memref<1x1x128xi32, #tpu.memory_space<vmem>> -> memref<128xi32, #tpu.memory_space<vmem>>
      %dma_wait3A_143 = arith.constant 0 : i32
      %dma_wait3A_144 = arith.constant 0 : i32
      %dma_wait3A_145 = tpu.memref_slice %arg10[%dma_wait3A_143, %dma_wait3A_144] : memref<10240x128xf32, #tpu.memory_space<vmem_shared>> -> memref<10240x128xf32, #tpu.memory_space<vmem_shared>>
      tpu.wait_indirect_dma semaphore(%arg13 : memref<!tpu.dma_semaphore, #tpu.memory_space<semaphore_mem>>) src(%arg8 : memref<128x128xf32, #tpu.memory_space<vmem>>) dst(%dma_wait3A_145 : memref<10240x128xf32, #tpu.memory_space<vmem_shared>>)
      %dma_start3A_146 = arith.constant 4 : i32
      %dma_start3A_147 = arith.constant 0 : i32
      %dma_start3A_148 = tpu.memref_slice %arg6[%rem3A_36, %dma_start3A_146, %dma_start3A_147] : memref<2x8x128xi32, #tpu.memory_space<vmem>> -> memref<1x1x128xi32, #tpu.memory_space<vmem>>
      %dma_start3A_149 = tpu.memref_squeeze %dma_start3A_148 : memref<1x1x128xi32, #tpu.memory_space<vmem>> -> memref<128xi32, #tpu.memory_space<vmem>>
      %dma_start3A_150 = arith.constant 0 : i32
      %dma_start3A_151 = arith.constant 0 : i32
      %dma_start3A_152 = tpu.memref_slice %arg2[%dma_start3A_150, %dma_start3A_151] : memref<20480x128xf32, #tpu.memory_space<hbm>> -> memref<20480x128xf32, #tpu.memory_space<hbm>>
      tpu.enqueue_indirect_dma source(%dma_start3A_152 : memref<20480x128xf32, #tpu.memory_space<hbm>>) target(%arg8 : memref<128x128xf32, #tpu.memory_space<vmem>>) offsets(%dma_start3A_149 : memref<128xi32, #tpu.memory_space<vmem>>) semaphore(%arg11 : memref<!tpu.dma_semaphore, #tpu.memory_space<semaphore_mem>>)
      %dma_wait3A_153 = arith.constant 4 : i32
      %dma_wait3A_154 = arith.constant 0 : i32
      %dma_wait3A_155 = tpu.memref_slice %arg6[%rem3A_36, %dma_wait3A_153, %dma_wait3A_154] : memref<2x8x128xi32, #tpu.memory_space<vmem>> -> memref<1x1x128xi32, #tpu.memory_space<vmem>>
      %dma_wait3A_156 = tpu.memref_squeeze %dma_wait3A_155 : memref<1x1x128xi32, #tpu.memory_space<vmem>> -> memref<128xi32, #tpu.memory_space<vmem>>
      %dma_wait3A_157 = arith.constant 0 : i32
      %dma_wait3A_158 = arith.constant 0 : i32
      %dma_wait3A_159 = tpu.memref_slice %arg2[%dma_wait3A_157, %dma_wait3A_158] : memref<20480x128xf32, #tpu.memory_space<hbm>> -> memref<20480x128xf32, #tpu.memory_space<hbm>>
      tpu.wait_indirect_dma semaphore(%arg11 : memref<!tpu.dma_semaphore, #tpu.memory_space<semaphore_mem>>) src(%dma_wait3A_159 : memref<20480x128xf32, #tpu.memory_space<hbm>>) dst(%arg8 : memref<128x128xf32, #tpu.memory_space<vmem>>)
      %dma_start3A_160 = arith.constant 4 : i32
      %dma_start3A_161 = arith.constant 0 : i32
      %dma_start3A_162 = tpu.memref_slice %arg7[%rem3A_36, %dma_start3A_160, %dma_start3A_161] : memref<2x8x128xi32, #tpu.memory_space<vmem>> -> memref<1x1x128xi32, #tpu.memory_space<vmem>>
      %dma_start3A_163 = tpu.memref_squeeze %dma_start3A_162 : memref<1x1x128xi32, #tpu.memory_space<vmem>> -> memref<128xi32, #tpu.memory_space<vmem>>
      %dma_start3A_164 = arith.constant 0 : i32
      %dma_start3A_165 = arith.constant 0 : i32
      %dma_start3A_166 = tpu.memref_slice %arg10[%dma_start3A_164, %dma_start3A_165] : memref<10240x128xf32, #tpu.memory_space<vmem_shared>> -> memref<10240x128xf32, #tpu.memory_space<vmem_shared>>
      tpu.enqueue_indirect_dma source(%arg8 : memref<128x128xf32, #tpu.memory_space<vmem>>) target(%dma_start3A_166 : memref<10240x128xf32, #tpu.memory_space<vmem_shared>>) offsets(%dma_start3A_163 : memref<128xi32, #tpu.memory_space<vmem>>) semaphore(%arg13 : memref<!tpu.dma_semaphore, #tpu.memory_space<semaphore_mem>>) {add = true}
      %dma_wait3A_167 = arith.constant 3 : i32
      %dma_wait3A_168 = arith.constant 0 : i32
      %dma_wait3A_169 = tpu.memref_slice %arg7[%rem3A_36, %dma_wait3A_167, %dma_wait3A_168] : memref<2x8x128xi32, #tpu.memory_space<vmem>> -> memref<1x1x128xi32, #tpu.memory_space<vmem>>
      %dma_wait3A_170 = tpu.memref_squeeze %dma_wait3A_169 : memref<1x1x128xi32, #tpu.memory_space<vmem>> -> memref<128xi32, #tpu.memory_space<vmem>>
      %dma_wait3A_171 = arith.constant 0 : i32
      %dma_wait3A_172 = arith.constant 0 : i32
      %dma_wait3A_173 = tpu.memref_slice %arg10[%dma_wait3A_171, %dma_wait3A_172] : memref<10240x128xf32, #tpu.memory_space<vmem_shared>> -> memref<10240x128xf32, #tpu.memory_space<vmem_shared>>
      tpu.wait_indirect_dma semaphore(%arg14 : memref<!tpu.dma_semaphore, #tpu.memory_space<semaphore_mem>>) src(%arg9 : memref<128x128xf32, #tpu.memory_space<vmem>>) dst(%dma_wait3A_173 : memref<10240x128xf32, #tpu.memory_space<vmem_shared>>)
      %dma_start3A_174 = arith.constant 5 : i32
      %dma_start3A_175 = arith.constant 0 : i32
      %dma_start3A_176 = tpu.memref_slice %arg6[%rem3A_36, %dma_start3A_174, %dma_start3A_175] : memref<2x8x128xi32, #tpu.memory_space<vmem>> -> memref<1x1x128xi32, #tpu.memory_space<vmem>>
      %dma_start3A_177 = tpu.memref_squeeze %dma_start3A_176 : memref<1x1x128xi32, #tpu.memory_space<vmem>> -> memref<128xi32, #tpu.memory_space<vmem>>
      %dma_start3A_178 = arith.constant 0 : i32
      %dma_start3A_179 = arith.constant 0 : i32
      %dma_start3A_180 = tpu.memref_slice %arg2[%dma_start3A_178, %dma_start3A_179] : memref<20480x128xf32, #tpu.memory_space<hbm>> -> memref<20480x128xf32, #tpu.memory_space<hbm>>
      tpu.enqueue_indirect_dma source(%dma_start3A_180 : memref<20480x128xf32, #tpu.memory_space<hbm>>) target(%arg9 : memref<128x128xf32, #tpu.memory_space<vmem>>) offsets(%dma_start3A_177 : memref<128xi32, #tpu.memory_space<vmem>>) semaphore(%arg12 : memref<!tpu.dma_semaphore, #tpu.memory_space<semaphore_mem>>)
      %dma_wait3A_181 = arith.constant 5 : i32
      %dma_wait3A_182 = arith.constant 0 : i32
      %dma_wait3A_183 = tpu.memref_slice %arg6[%rem3A_36, %dma_wait3A_181, %dma_wait3A_182] : memref<2x8x128xi32, #tpu.memory_space<vmem>> -> memref<1x1x128xi32, #tpu.memory_space<vmem>>
      %dma_wait3A_184 = tpu.memref_squeeze %dma_wait3A_183 : memref<1x1x128xi32, #tpu.memory_space<vmem>> -> memref<128xi32, #tpu.memory_space<vmem>>
      %dma_wait3A_185 = arith.constant 0 : i32
      %dma_wait3A_186 = arith.constant 0 : i32
      %dma_wait3A_187 = tpu.memref_slice %arg2[%dma_wait3A_185, %dma_wait3A_186] : memref<20480x128xf32, #tpu.memory_space<hbm>> -> memref<20480x128xf32, #tpu.memory_space<hbm>>
      tpu.wait_indirect_dma semaphore(%arg12 : memref<!tpu.dma_semaphore, #tpu.memory_space<semaphore_mem>>) src(%dma_wait3A_187 : memref<20480x128xf32, #tpu.memory_space<hbm>>) dst(%arg9 : memref<128x128xf32, #tpu.memory_space<vmem>>)
      %dma_start3A_188 = arith.constant 5 : i32
      %dma_start3A_189 = arith.constant 0 : i32
      %dma_start3A_190 = tpu.memref_slice %arg7[%rem3A_36, %dma_start3A_188, %dma_start3A_189] : memref<2x8x128xi32, #tpu.memory_space<vmem>> -> memref<1x1x128xi32, #tpu.memory_space<vmem>>
      %dma_start3A_191 = tpu.memref_squeeze %dma_start3A_190 : memref<1x1x128xi32, #tpu.memory_space<vmem>> -> memref<128xi32, #tpu.memory_space<vmem>>
      %dma_start3A_192 = arith.constant 0 : i32
      %dma_start3A_193 = arith.constant 0 : i32
      %dma_start3A_194 = tpu.memref_slice %arg10[%dma_start3A_192, %dma_start3A_193] : memref<10240x128xf32, #tpu.memory_space<vmem_shared>> -> memref<10240x128xf32, #tpu.memory_space<vmem_shared>>
      tpu.enqueue_indirect_dma source(%arg9 : memref<128x128xf32, #tpu.memory_space<vmem>>) target(%dma_start3A_194 : memref<10240x128xf32, #tpu.memory_space<vmem_shared>>) offsets(%dma_start3A_191 : memref<128xi32, #tpu.memory_space<vmem>>) semaphore(%arg14 : memref<!tpu.dma_semaphore, #tpu.memory_space<semaphore_mem>>) {add = true}
      %dma_wait3A_195 = arith.constant 4 : i32
      %dma_wait3A_196 = arith.constant 0 : i32
      %dma_wait3A_197 = tpu.memref_slice %arg7[%rem3A_36, %dma_wait3A_195, %dma_wait3A_196] : memref<2x8x128xi32, #tpu.memory_space<vmem>> -> memref<1x1x128xi32, #tpu.memory_space<vmem>>
      %dma_wait3A_198 = tpu.memref_squeeze %dma_wait3A_197 : memref<1x1x128xi32, #tpu.memory_space<vmem>> -> memref<128xi32, #tpu.memory_space<vmem>>
      %dma_wait3A_199 = arith.constant 0 : i32
      %dma_wait3A_200 = arith.constant 0 : i32
      %dma_wait3A_201 = tpu.memref_slice %arg10[%dma_wait3A_199, %dma_wait3A_200] : memref<10240x128xf32, #tpu.memory_space<vmem_shared>> -> memref<10240x128xf32, #tpu.memory_space<vmem_shared>>
      tpu.wait_indirect_dma semaphore(%arg13 : memref<!tpu.dma_semaphore, #tpu.memory_space<semaphore_mem>>) src(%arg8 : memref<128x128xf32, #tpu.memory_space<vmem>>) dst(%dma_wait3A_201 : memref<10240x128xf32, #tpu.memory_space<vmem_shared>>)
      %dma_start3A_202 = arith.constant 6 : i32
      %dma_start3A_203 = arith.constant 0 : i32
      %dma_start3A_204 = tpu.memref_slice %arg6[%rem3A_36, %dma_start3A_202, %dma_start3A_203] : memref<2x8x128xi32, #tpu.memory_space<vmem>> -> memref<1x1x128xi32, #tpu.memory_space<vmem>>
      %dma_start3A_205 = tpu.memref_squeeze %dma_start3A_204 : memref<1x1x128xi32, #tpu.memory_space<vmem>> -> memref<128xi32, #tpu.memory_space<vmem>>
      %dma_start3A_206 = arith.constant 0 : i32
      %dma_start3A_207 = arith.constant 0 : i32
      %dma_start3A_208 = tpu.memref_slice %arg2[%dma_start3A_206, %dma_start3A_207] : memref<20480x128xf32, #tpu.memory_space<hbm>> -> memref<20480x128xf32, #tpu.memory_space<hbm>>
      tpu.enqueue_indirect_dma source(%dma_start3A_208 : memref<20480x128xf32, #tpu.memory_space<hbm>>) target(%arg8 : memref<128x128xf32, #tpu.memory_space<vmem>>) offsets(%dma_start3A_205 : memref<128xi32, #tpu.memory_space<vmem>>) semaphore(%arg11 : memref<!tpu.dma_semaphore, #tpu.memory_space<semaphore_mem>>)
      %dma_wait3A_209 = arith.constant 6 : i32
      %dma_wait3A_210 = arith.constant 0 : i32
      %dma_wait3A_211 = tpu.memref_slice %arg6[%rem3A_36, %dma_wait3A_209, %dma_wait3A_210] : memref<2x8x128xi32, #tpu.memory_space<vmem>> -> memref<1x1x128xi32, #tpu.memory_space<vmem>>
      %dma_wait3A_212 = tpu.memref_squeeze %dma_wait3A_211 : memref<1x1x128xi32, #tpu.memory_space<vmem>> -> memref<128xi32, #tpu.memory_space<vmem>>
      %dma_wait3A_213 = arith.constant 0 : i32
      %dma_wait3A_214 = arith.constant 0 : i32
      %dma_wait3A_215 = tpu.memref_slice %arg2[%dma_wait3A_213, %dma_wait3A_214] : memref<20480x128xf32, #tpu.memory_space<hbm>> -> memref<20480x128xf32, #tpu.memory_space<hbm>>
      tpu.wait_indirect_dma semaphore(%arg11 : memref<!tpu.dma_semaphore, #tpu.memory_space<semaphore_mem>>) src(%dma_wait3A_215 : memref<20480x128xf32, #tpu.memory_space<hbm>>) dst(%arg8 : memref<128x128xf32, #tpu.memory_space<vmem>>)
      %dma_start3A_216 = arith.constant 6 : i32
      %dma_start3A_217 = arith.constant 0 : i32
      %dma_start3A_218 = tpu.memref_slice %arg7[%rem3A_36, %dma_start3A_216, %dma_start3A_217] : memref<2x8x128xi32, #tpu.memory_space<vmem>> -> memref<1x1x128xi32, #tpu.memory_space<vmem>>
      %dma_start3A_219 = tpu.memref_squeeze %dma_start3A_218 : memref<1x1x128xi32, #tpu.memory_space<vmem>> -> memref<128xi32, #tpu.memory_space<vmem>>
      %dma_start3A_220 = arith.constant 0 : i32
      %dma_start3A_221 = arith.constant 0 : i32
      %dma_start3A_222 = tpu.memref_slice %arg10[%dma_start3A_220, %dma_start3A_221] : memref<10240x128xf32, #tpu.memory_space<vmem_shared>> -> memref<10240x128xf32, #tpu.memory_space<vmem_shared>>
      tpu.enqueue_indirect_dma source(%arg8 : memref<128x128xf32, #tpu.memory_space<vmem>>) target(%dma_start3A_222 : memref<10240x128xf32, #tpu.memory_space<vmem_shared>>) offsets(%dma_start3A_219 : memref<128xi32, #tpu.memory_space<vmem>>) semaphore(%arg13 : memref<!tpu.dma_semaphore, #tpu.memory_space<semaphore_mem>>) {add = true}
      %dma_wait3A_223 = arith.constant 5 : i32
      %dma_wait3A_224 = arith.constant 0 : i32
      %dma_wait3A_225 = tpu.memref_slice %arg7[%rem3A_36, %dma_wait3A_223, %dma_wait3A_224] : memref<2x8x128xi32, #tpu.memory_space<vmem>> -> memref<1x1x128xi32, #tpu.memory_space<vmem>>
      %dma_wait3A_226 = tpu.memref_squeeze %dma_wait3A_225 : memref<1x1x128xi32, #tpu.memory_space<vmem>> -> memref<128xi32, #tpu.memory_space<vmem>>
      %dma_wait3A_227 = arith.constant 0 : i32
      %dma_wait3A_228 = arith.constant 0 : i32
      %dma_wait3A_229 = tpu.memref_slice %arg10[%dma_wait3A_227, %dma_wait3A_228] : memref<10240x128xf32, #tpu.memory_space<vmem_shared>> -> memref<10240x128xf32, #tpu.memory_space<vmem_shared>>
      tpu.wait_indirect_dma semaphore(%arg14 : memref<!tpu.dma_semaphore, #tpu.memory_space<semaphore_mem>>) src(%arg9 : memref<128x128xf32, #tpu.memory_space<vmem>>) dst(%dma_wait3A_229 : memref<10240x128xf32, #tpu.memory_space<vmem_shared>>)
      %dma_start3A_230 = arith.constant 7 : i32
      %dma_start3A_231 = arith.constant 0 : i32
      %dma_start3A_232 = tpu.memref_slice %arg6[%rem3A_36, %dma_start3A_230, %dma_start3A_231] : memref<2x8x128xi32, #tpu.memory_space<vmem>> -> memref<1x1x128xi32, #tpu.memory_space<vmem>>
      %dma_start3A_233 = tpu.memref_squeeze %dma_start3A_232 : memref<1x1x128xi32, #tpu.memory_space<vmem>> -> memref<128xi32, #tpu.memory_space<vmem>>
      %dma_start3A_234 = arith.constant 0 : i32
      %dma_start3A_235 = arith.constant 0 : i32
      %dma_start3A_236 = tpu.memref_slice %arg2[%dma_start3A_234, %dma_start3A_235] : memref<20480x128xf32, #tpu.memory_space<hbm>> -> memref<20480x128xf32, #tpu.memory_space<hbm>>
      tpu.enqueue_indirect_dma source(%dma_start3A_236 : memref<20480x128xf32, #tpu.memory_space<hbm>>) target(%arg9 : memref<128x128xf32, #tpu.memory_space<vmem>>) offsets(%dma_start3A_233 : memref<128xi32, #tpu.memory_space<vmem>>) semaphore(%arg12 : memref<!tpu.dma_semaphore, #tpu.memory_space<semaphore_mem>>)
      %dma_wait3A_237 = arith.constant 7 : i32
      %dma_wait3A_238 = arith.constant 0 : i32
      %dma_wait3A_239 = tpu.memref_slice %arg6[%rem3A_36, %dma_wait3A_237, %dma_wait3A_238] : memref<2x8x128xi32, #tpu.memory_space<vmem>> -> memref<1x1x128xi32, #tpu.memory_space<vmem>>
      %dma_wait3A_240 = tpu.memref_squeeze %dma_wait3A_239 : memref<1x1x128xi32, #tpu.memory_space<vmem>> -> memref<128xi32, #tpu.memory_space<vmem>>
      %dma_wait3A_241 = arith.constant 0 : i32
      %dma_wait3A_242 = arith.constant 0 : i32
      %dma_wait3A_243 = tpu.memref_slice %arg2[%dma_wait3A_241, %dma_wait3A_242] : memref<20480x128xf32, #tpu.memory_space<hbm>> -> memref<20480x128xf32, #tpu.memory_space<hbm>>
      tpu.wait_indirect_dma semaphore(%arg12 : memref<!tpu.dma_semaphore, #tpu.memory_space<semaphore_mem>>) src(%dma_wait3A_243 : memref<20480x128xf32, #tpu.memory_space<hbm>>) dst(%arg9 : memref<128x128xf32, #tpu.memory_space<vmem>>)
      %dma_start3A_244 = arith.constant 7 : i32
      %dma_start3A_245 = arith.constant 0 : i32
      %dma_start3A_246 = tpu.memref_slice %arg7[%rem3A_36, %dma_start3A_244, %dma_start3A_245] : memref<2x8x128xi32, #tpu.memory_space<vmem>> -> memref<1x1x128xi32, #tpu.memory_space<vmem>>
      %dma_start3A_247 = tpu.memref_squeeze %dma_start3A_246 : memref<1x1x128xi32, #tpu.memory_space<vmem>> -> memref<128xi32, #tpu.memory_space<vmem>>
      %dma_start3A_248 = arith.constant 0 : i32
      %dma_start3A_249 = arith.constant 0 : i32
      %dma_start3A_250 = tpu.memref_slice %arg10[%dma_start3A_248, %dma_start3A_249] : memref<10240x128xf32, #tpu.memory_space<vmem_shared>> -> memref<10240x128xf32, #tpu.memory_space<vmem_shared>>
      tpu.enqueue_indirect_dma source(%arg9 : memref<128x128xf32, #tpu.memory_space<vmem>>) target(%dma_start3A_250 : memref<10240x128xf32, #tpu.memory_space<vmem_shared>>) offsets(%dma_start3A_247 : memref<128xi32, #tpu.memory_space<vmem>>) semaphore(%arg14 : memref<!tpu.dma_semaphore, #tpu.memory_space<semaphore_mem>>) {add = true}
      %dma_wait3A_251 = arith.constant 6 : i32
      %dma_wait3A_252 = arith.constant 0 : i32
      %dma_wait3A_253 = tpu.memref_slice %arg7[%rem3A_36, %dma_wait3A_251, %dma_wait3A_252] : memref<2x8x128xi32, #tpu.memory_space<vmem>> -> memref<1x1x128xi32, #tpu.memory_space<vmem>>
      %dma_wait3A_254 = tpu.memref_squeeze %dma_wait3A_253 : memref<1x1x128xi32, #tpu.memory_space<vmem>> -> memref<128xi32, #tpu.memory_space<vmem>>
      %dma_wait3A_255 = arith.constant 0 : i32
      %dma_wait3A_256 = arith.constant 0 : i32
      %dma_wait3A_257 = tpu.memref_slice %arg10[%dma_wait3A_255, %dma_wait3A_256] : memref<10240x128xf32, #tpu.memory_space<vmem_shared>> -> memref<10240x128xf32, #tpu.memory_space<vmem_shared>>
      tpu.wait_indirect_dma semaphore(%arg13 : memref<!tpu.dma_semaphore, #tpu.memory_space<semaphore_mem>>) src(%arg8 : memref<128x128xf32, #tpu.memory_space<vmem>>) dst(%dma_wait3A_257 : memref<10240x128xf32, #tpu.memory_space<vmem_shared>>)
      %add3A_258 = arith.constant 1 : i32
      %add3A_259 = arith.addi %scan3A_35, %add3A_258 : i32
      %lt3A_260 = arith.constant 20 : i32
      %lt3A_261 = arith.cmpi slt, %add3A_259, %lt3A_260 : i32
      %convert_element_type3A_262 = arith.extui %lt3A_261 : i1 to i32
      %cond3A_263 = arith.constant 0 : i32
      %cond3A_264 = arith.cmpi ne, %convert_element_type3A_262, %cond3A_263 : i32
      scf.if %cond3A_264 {
        %dma_start3A_265 = arith.constant 0 : i32
        %dma_start3A_266 = arith.constant 0 : i32
        %dma_start3A_267 = tpu.memref_slice %arg6[%rem3A_40, %dma_start3A_265, %dma_start3A_266] : memref<2x8x128xi32, #tpu.memory_space<vmem>> -> memref<1x1x128xi32, #tpu.memory_space<vmem>>
        %dma_start3A_268 = tpu.memref_squeeze %dma_start3A_267 : memref<1x1x128xi32, #tpu.memory_space<vmem>> -> memref<128xi32, #tpu.memory_space<vmem>>
        %dma_start3A_269 = arith.constant 0 : i32
        %dma_start3A_270 = arith.constant 0 : i32
        %dma_start3A_271 = tpu.memref_slice %arg2[%dma_start3A_269, %dma_start3A_270] : memref<20480x128xf32, #tpu.memory_space<hbm>> -> memref<20480x128xf32, #tpu.memory_space<hbm>>
        tpu.enqueue_indirect_dma source(%dma_start3A_271 : memref<20480x128xf32, #tpu.memory_space<hbm>>) target(%arg8 : memref<128x128xf32, #tpu.memory_space<vmem>>) offsets(%dma_start3A_268 : memref<128xi32, #tpu.memory_space<vmem>>) semaphore(%arg11 : memref<!tpu.dma_semaphore, #tpu.memory_space<semaphore_mem>>)
      } else {
      }
    }
    %scan3A_28 = arith.constant 20 : i32
    %dma_wait3A = arith.constant 0 : i32
    %dma_wait3A_29 = arith.constant 0 : i32
    %dma_wait3A_30 = tpu.memref_slice %arg2[%dma_wait3A, %dma_wait3A_29] : memref<20480x128xf32, #tpu.memory_space<hbm>> -> memref<128x128xf32, #tpu.memory_space<hbm>>
    %dma_wait3A_31 = arith.constant 0 : i32
    %dma_wait3A_32 = arith.constant 0 : i32
    %dma_wait3A_33 = tpu.memref_slice %arg2[%dma_wait3A_31, %dma_wait3A_32] : memref<20480x128xf32, #tpu.memory_space<hbm>> -> memref<128x128xf32, #tpu.memory_space<hbm>>
    tpu.wait_dma2 semaphore(%arg14 : memref<!tpu.dma_semaphore, #tpu.memory_space<semaphore_mem>>) src(%dma_wait3A_33 : memref<128x128xf32, #tpu.memory_space<hbm>>) dst(%arg9 : memref<128x128xf32, #tpu.memory_space<vmem>>)
    %barrier3A_34 = arith.constant 0 : index
    tpu.barrier barrier_id(%barrier3A_34)
    "tpu.region"() ({
      %run_scoped3A_35 = tpu.sem_alloc : memref<!tpu.dma_semaphore, #tpu.memory_space<semaphore_mem>>
      %dma_start3A_36 = arith.constant 0 : i32
      %dma_start3A_37 = arith.constant 0 : i32
      %dma_start3A_38 = tpu.memref_slice %arg5[%arg0, %arg1, %dma_start3A_36, %dma_start3A_37] : memref<2x16x640x128xf32, #tpu.memory_space<hbm>> -> memref<1x1x640x128xf32, #tpu.memory_space<hbm>>
      %dma_start3A_39 = tpu.memref_squeeze %dma_start3A_38 : memref<1x1x640x128xf32, #tpu.memory_space<hbm>> -> memref<640x128xf32, #tpu.memory_space<hbm>>
      %dma_start3A_40 = arith.constant 0 : i32
      %dma_start3A_41 = tpu.memref_slice %arg10[%mul3A_0, %dma_start3A_40] : memref<10240x128xf32, #tpu.memory_space<vmem_shared>> -> memref<640x128xf32, #tpu.memory_space<vmem_shared>>
      tpu.enqueue_dma source(%dma_start3A_41 : memref<640x128xf32, #tpu.memory_space<vmem_shared>>) target(%dma_start3A_39 : memref<640x128xf32, #tpu.memory_space<hbm>>) target_semaphore(%run_scoped3A_35 : memref<!tpu.dma_semaphore, #tpu.memory_space<semaphore_mem>>)
      %dma_wait3A_42 = arith.constant 0 : i32
      %dma_wait3A_43 = arith.constant 0 : i32
      %dma_wait3A_44 = tpu.memref_slice %arg5[%arg0, %arg1, %dma_wait3A_42, %dma_wait3A_43] : memref<2x16x640x128xf32, #tpu.memory_space<hbm>> -> memref<1x1x640x128xf32, #tpu.memory_space<hbm>>
      %dma_wait3A_45 = tpu.memref_squeeze %dma_wait3A_44 : memref<1x1x640x128xf32, #tpu.memory_space<hbm>> -> memref<640x128xf32, #tpu.memory_space<hbm>>
      %dma_wait3A_46 = arith.constant 0 : i32
      %dma_wait3A_47 = tpu.memref_slice %arg10[%mul3A_0, %dma_wait3A_46] : memref<10240x128xf32, #tpu.memory_space<vmem_shared>> -> memref<640x128xf32, #tpu.memory_space<vmem_shared>>
      tpu.wait_dma2 semaphore(%run_scoped3A_35 : memref<!tpu.dma_semaphore, #tpu.memory_space<semaphore_mem>>) src(%dma_wait3A_47 : memref<640x128xf32, #tpu.memory_space<vmem_shared>>) dst(%dma_wait3A_45 : memref<640x128xf32, #tpu.memory_space<hbm>>)
      tpu.yield
    }) : () -> ()
    return
  }
}

module attributes {stable_mosaic.version = 14 : i64} {
  func.func @_emb_body(%arg0: i32, %arg1: memref<512x128xf32, #tpu.memory_space<vmem>>, %arg2: memref<128x128xf32, #tpu.memory_space<vmem>>, %arg3: memref<512x128xf32, #tpu.memory_space<vmem>>) attributes {dimension_semantics = [#tpu.dimension_semantics<arbitrary>], iteration_bounds = array<i64: 40>, scalar_prefetch = 0 : i64, scratch_operands = 0 : i64, tpu.core_type = #tpu.core_type<tc>, window_params = [{transform_indices = @transform_0, window_bounds = array<i64: 512, 128>}, {pipeline_mode = #tpu.pipeline_mode<synchronous>, transform_indices = @transform_1, window_bounds = array<i64: 128, 128>}, {transform_indices = @transform_2, window_bounds = array<i64: 512, 128>}]} {
    %get3A = arith.constant 0 : index
    %get3A_0 = arith.constant 0 : index
    %get3A_1 = vector.load %arg1[%get3A, %get3A_0] : memref<512x128xf32, #tpu.memory_space<vmem>>, vector<512x128xf32>
    %get3A_2 = arith.constant 0 : index
    %get3A_3 = arith.constant 0 : index
    %get3A_4 = vector.load %arg2[%get3A_2, %get3A_3] : memref<128x128xf32, #tpu.memory_space<vmem>>, vector<128x128xf32>
    %dot_general3A = arith.constant dense<0.000000e+00> : vector<512x128xf32>
    %dot_general3A_5 = tpu.matmul %get3A_1, %get3A_4, %dot_general3A {dimension_numbers = #tpu.dot_dimension_numbers<[1], [0], [0], [1], [0, 0, 1, 1], [], []>, transpose_lhs_hint = false} : vector<512x128xf32>, vector<128x128xf32>, vector<512x128xf32> -> vector<512x128xf32>
    %swap3A = arith.constant 0 : index
    %swap3A_6 = arith.constant 0 : index
    %swap3A_7 = vector.load %arg3[%swap3A, %swap3A_6] : memref<512x128xf32, #tpu.memory_space<vmem>>, vector<512x128xf32>
    tpu.vector_store %arg3[%swap3A, %swap3A_6], %dot_general3A_5 {strides = array<i32>} : memref<512x128xf32, #tpu.memory_space<vmem>>, vector<512x128xf32>,
    return
  }
  func.func @transform_0(%arg0: i32) -> (i32, i32) {
    %c0_i32 = arith.constant 0 : i32
    %c0_i32_0 = arith.constant 0 : i32
    return %arg0, %c0_i32 : i32, i32
  }
  func.func @transform_1(%arg0: i32) -> (i32, i32) {
    %c0_i32 = arith.constant 0 : i32
    %c0_i32_0 = arith.constant 0 : i32
    %c0_i32_1 = arith.constant 0 : i32
    return %c0_i32, %c0_i32_0 : i32, i32
  }
  func.func @transform_2(%arg0: i32) -> (i32, i32) {
    %c0_i32 = arith.constant 0 : i32
    %c0_i32_0 = arith.constant 0 : i32
    return %arg0, %c0_i32 : i32, i32
  }
}

module attributes {stable_mosaic.version = 14 : i64} {
  func.func @_layer_body(%arg0: i32, %arg1: memref<512x128xf32, #tpu.memory_space<vmem>>, %arg2: memref<512x128xf32, #tpu.memory_space<vmem>>, %arg3: memref<1x128x128xf32, #tpu.memory_space<vmem>>, %arg4: memref<512x128xf32, #tpu.memory_space<vmem>>) attributes {dimension_semantics = [#tpu.dimension_semantics<arbitrary>], iteration_bounds = array<i64: 40>, scalar_prefetch = 0 : i64, scratch_operands = 0 : i64, tpu.core_type = #tpu.core_type<tc>, window_params = [{transform_indices = @transform_0, window_bounds = array<i64: 512, 128>}, {transform_indices = @transform_1, window_bounds = array<i64: 512, 128>}, {transform_indices = @transform_2, window_bounds = array<i64: 1, 128, 128>}, {transform_indices = @transform_3, window_bounds = array<i64: 512, 128>}]} {
    %get3A = arith.constant 0 : index
    %get3A_0 = arith.constant 0 : index
    %get3A_1 = vector.load %arg2[%get3A, %get3A_0] : memref<512x128xf32, #tpu.memory_space<vmem>>, vector<512x1xf32>
    %max3A = arith.constant 1.000000e+00 : f32
    %max3A_2 = vector.broadcast %max3A : f32 to vector<512x1xf32>
    %max3A_3 = arith.maximumf %get3A_1, %max3A_2 : vector<512x1xf32>
    %get3A_4 = arith.constant 0 : index
    %get3A_5 = arith.constant 0 : index
    %get3A_6 = vector.load %arg1[%get3A_4, %get3A_5] : memref<512x128xf32, #tpu.memory_space<vmem>>, vector<512x128xf32>
    %div3A = vector.broadcast %max3A_3 : vector<512x1xf32> to vector<512x128xf32>
    %div3A_7 = arith.divf %get3A_6, %div3A : vector<512x128xf32>
    %get3A_8 = arith.constant 0 : index
    %get3A_9 = arith.constant 0 : index
    %get3A_10 = arith.constant 0 : index
    %get3A_11 = vector.load %arg3[%get3A_8, %get3A_9, %get3A_10] : memref<1x128x128xf32, #tpu.memory_space<vmem>>, vector<1x128x128xf32>
    %get3A_12 = vector.shape_cast %get3A_11 : vector<1x128x128xf32> to vector<128x128xf32>
    %dot_general3A = arith.constant dense<0.000000e+00> : vector<512x128xf32>
    %dot_general3A_13 = tpu.matmul %div3A_7, %get3A_12, %dot_general3A {dimension_numbers = #tpu.dot_dimension_numbers<[1], [0], [0], [1], [0, 0, 1, 1], [], []>, transpose_lhs_hint = false} : vector<512x128xf32>, vector<128x128xf32>, vector<512x128xf32> -> vector<512x128xf32>
    %max3A_14 = arith.constant 0.000000e+00 : f32
    %max3A_15 = vector.broadcast %max3A_14 : f32 to vector<512x128xf32>
    %max3A_16 = arith.maximumf %dot_general3A_13, %max3A_15 : vector<512x128xf32>
    %swap3A = arith.constant 0 : index
    %swap3A_17 = arith.constant 0 : index
    %swap3A_18 = vector.load %arg4[%swap3A, %swap3A_17] : memref<512x128xf32, #tpu.memory_space<vmem>>, vector<512x128xf32>
    tpu.vector_store %arg4[%swap3A, %swap3A_17], %max3A_16 {strides = array<i32>} : memref<512x128xf32, #tpu.memory_space<vmem>>, vector<512x128xf32>,
    return
  }
  func.func @transform_0(%arg0: i32) -> (i32, i32) {
    %c0_i32 = arith.constant 0 : i32
    %c0_i32_0 = arith.constant 0 : i32
    return %arg0, %c0_i32 : i32, i32
  }
  func.func @transform_1(%arg0: i32) -> (i32, i32) {
    %c0_i32 = arith.constant 0 : i32
    %c0_i32_0 = arith.constant 0 : i32
    return %arg0, %c0_i32 : i32, i32
  }
  func.func @transform_2(%arg0: i32) -> (i32, i32, i32) {
    %jit3A = arith.constant 20 : i32
    %div3A = arith.divsi %arg0, %jit3A : i32
    %sign3A = arith.constant 0 : i32
    %sign3A_0 = arith.cmpi sgt, %arg0, %sign3A : i32
    %sign3A_1 = arith.extui %sign3A_0 : i1 to i32
    %sign3A_2 = arith.constant 0 : i32
    %sign3A_3 = arith.cmpi slt, %arg0, %sign3A_2 : i32
    %sign3A_4 = arith.extui %sign3A_3 : i1 to i32
    %sign3A_5 = arith.subi %sign3A_1, %sign3A_4 : i32
    %sign3A_6 = arith.constant 0 : i32
    %sign3A_7 = arith.cmpi sgt, %jit3A, %sign3A_6 : i32
    %sign3A_8 = arith.extui %sign3A_7 : i1 to i32
    %sign3A_9 = arith.constant 0 : i32
    %sign3A_10 = arith.cmpi slt, %jit3A, %sign3A_9 : i32
    %sign3A_11 = arith.extui %sign3A_10 : i1 to i32
    %sign3A_12 = arith.subi %sign3A_8, %sign3A_11 : i32
    %ne3A = arith.cmpi ne, %sign3A_5, %sign3A_12 : i32
    %rem3A = arith.remsi %arg0, %jit3A : i32
    %ne3A_13 = arith.constant 0 : i32
    %ne3A_14 = arith.cmpi ne, %rem3A, %ne3A_13 : i32
    %and3A = arith.andi %ne3A, %ne3A_14 : i1
    %sub3A = arith.constant 1 : i32
    %sub3A_15 = arith.subi %div3A, %sub3A : i32
    %select_n3A = arith.select %and3A, %sub3A_15, %div3A : i32
    %c0_i32 = arith.constant 0 : i32
    %c0_i32_16 = arith.constant 0 : i32
    %c0_i32_17 = arith.constant 0 : i32
    return %select_n3A, %c0_i32, %c0_i32_16 : i32, i32, i32
  }
  func.func @transform_3(%arg0: i32) -> (i32, i32) {
    %c0_i32 = arith.constant 0 : i32
    %c0_i32_0 = arith.constant 0 : i32
    return %arg0, %c0_i32 : i32, i32
  }
}

module attributes {stable_mosaic.version = 14 : i64} {
  func.func @_layer_readout_body(%arg0: i32, %arg1: memref<512x128xf32, #tpu.memory_space<vmem>>, %arg2: memref<512x128xf32, #tpu.memory_space<vmem>>, %arg3: memref<1x128x128xf32, #tpu.memory_space<vmem>>, %arg4: memref<1x1x512xi32, #tpu.memory_space<vmem>>, %arg5: memref<1x32x128xf32, #tpu.memory_space<vmem>>, %arg6: memref<1x32x128xf32, #tpu.memory_space<vmem>>) attributes {dimension_semantics = [#tpu.dimension_semantics<arbitrary>], iteration_bounds = array<i64: 40>, scalar_prefetch = 0 : i64, scratch_operands = 0 : i64, tpu.core_type = #tpu.core_type<tc>, window_params = [{transform_indices = @transform_0, window_bounds = array<i64: 512, 128>}, {transform_indices = @transform_1, window_bounds = array<i64: 512, 128>}, {transform_indices = @transform_2, window_bounds = array<i64: 1, 128, 128>}, {transform_indices = @transform_3, window_bounds = array<i64: 1, 1, 512>}, {transform_indices = @transform_4, window_bounds = array<i64: 1, 32, 128>}, {transform_indices = @transform_5, window_bounds = array<i64: 1, 32, 128>}]} {
    %get3A = arith.constant 0 : index
    %get3A_0 = arith.constant 0 : index
    %get3A_1 = vector.load %arg2[%get3A, %get3A_0] : memref<512x128xf32, #tpu.memory_space<vmem>>, vector<512x1xf32>
    %max3A = arith.constant 1.000000e+00 : f32
    %max3A_2 = vector.broadcast %max3A : f32 to vector<512x1xf32>
    %max3A_3 = arith.maximumf %get3A_1, %max3A_2 : vector<512x1xf32>
    %get3A_4 = arith.constant 0 : index
    %get3A_5 = arith.constant 0 : index
    %get3A_6 = vector.load %arg1[%get3A_4, %get3A_5] : memref<512x128xf32, #tpu.memory_space<vmem>>, vector<512x128xf32>
    %div3A = vector.broadcast %max3A_3 : vector<512x1xf32> to vector<512x128xf32>
    %div3A_7 = arith.divf %get3A_6, %div3A : vector<512x128xf32>
    %get3A_8 = arith.constant 0 : index
    %get3A_9 = arith.constant 0 : index
    %get3A_10 = arith.constant 0 : index
    %get3A_11 = vector.load %arg3[%get3A_8, %get3A_9, %get3A_10] : memref<1x128x128xf32, #tpu.memory_space<vmem>>, vector<1x128x128xf32>
    %get3A_12 = vector.shape_cast %get3A_11 : vector<1x128x128xf32> to vector<128x128xf32>
    %dot_general3A = arith.constant dense<0.000000e+00> : vector<512x128xf32>
    %dot_general3A_13 = tpu.matmul %div3A_7, %get3A_12, %dot_general3A {dimension_numbers = #tpu.dot_dimension_numbers<[1], [0], [0], [1], [0, 0, 1, 1], [], []>, transpose_lhs_hint = false} : vector<512x128xf32>, vector<128x128xf32>, vector<512x128xf32> -> vector<512x128xf32>
    %max3A_14 = arith.constant 0.000000e+00 : f32
    %max3A_15 = vector.broadcast %max3A_14 : f32 to vector<512x128xf32>
    %max3A_16 = arith.maximumf %dot_general3A_13, %max3A_15 : vector<512x128xf32>
    %get3A_17 = arith.constant 0 : index
    %get3A_18 = arith.constant 0 : index
    %get3A_19 = arith.constant 0 : index
    %get3A_20 = vector.load %arg4[%get3A_17, %get3A_18, %get3A_19] : memref<1x1x512xi32, #tpu.memory_space<vmem>>, vector<1x1x512xi32>
    %get3A_21 = vector.shape_cast %get3A_20 : vector<1x1x512xi32> to vector<1x512xi32>
    %iota3A = tpu.iota {dimensions = array<i32: 0>} : vector<32x512xi32>
    %eq3A = vector.broadcast %get3A_21 : vector<1x512xi32> to vector<32x512xi32>
    %eq3A_22 = arith.cmpi eq, %iota3A, %eq3A : vector<32x512xi32>
    %convert_element_type3A = arith.extui %eq3A_22 : vector<32x512xi1> to vector<32x512xi32>
    %convert_element_type3A_23 = arith.sitofp %convert_element_type3A : vector<32x512xi32> to vector<32x512xf32>
    %dot_general3A_24 = arith.constant dense<0.000000e+00> : vector<32x128xf32>
    %dot_general3A_25 = tpu.matmul %convert_element_type3A_23, %max3A_16, %dot_general3A_24 {dimension_numbers = #tpu.dot_dimension_numbers<[1], [0], [0], [1], [0, 0, 1, 1], [], []>, transpose_lhs_hint = false} : vector<32x512xf32>, vector<512x128xf32>, vector<32x128xf32> -> vector<32x128xf32>
    %reduce_sum3A = arith.constant dense<0.000000e+00> : vector<32xf32>
    %reduce_sum3A_26 = vector.multi_reduction <add>, %convert_element_type3A_23, %reduce_sum3A [1] : vector<32x512xf32> to vector<32xf32>
    %broadcast_in_dim3A = vector.shape_cast %reduce_sum3A_26 : vector<32xf32> to vector<32x1xf32>
    %broadcast_in_dim3A_27 = vector.shape_cast %broadcast_in_dim3A : vector<32x1xf32> to vector<32x1xf32>
    %broadcast_in_dim3A_28 = vector.broadcast %broadcast_in_dim3A_27 : vector<32x1xf32> to vector<32x128xf32>
    %jit3A = arith.constant 20 : i32
    %eq3A_29 = arith.constant 0 : i32
    %eq3A_30 = arith.cmpi eq, %jit3A, %eq3A_29 : i32
    %jit3A_31 = arith.constant 1 : i32
    %select_n3A = arith.select %eq3A_30, %jit3A_31, %jit3A : i32
    %rem3A = arith.remsi %arg0, %select_n3A : i32
    %ne3A = arith.constant 0 : i32
    %ne3A_32 = arith.cmpi ne, %rem3A, %ne3A : i32
    %lt3A = arith.constant 0 : i32
    %lt3A_33 = arith.cmpi slt, %rem3A, %lt3A : i32
    %lt3A_34 = arith.constant 0 : i32
    %lt3A_35 = arith.cmpi slt, %select_n3A, %lt3A_34 : i32
    %ne3A_36 = arith.xori %lt3A_33, %lt3A_35 : i1
    %and3A = arith.andi %ne3A_36, %ne3A_32 : i1
    %add3A = arith.addi %rem3A, %select_n3A : i32
    %select_n3A_37 = arith.select %and3A, %add3A, %rem3A : i32
    %eq3A_38 = arith.constant 0 : i32
    %eq3A_39 = arith.cmpi eq, %select_n3A_37, %eq3A_38 : i32
    %convert_element_type3A_40 = arith.extui %eq3A_39 : i1 to i32
    %cond3A = arith.constant 0 : i32
    %cond3A_41 = arith.cmpi ne, %convert_element_type3A_40, %cond3A : i32
    scf.if %cond3A_41 {
      %swap3A = arith.constant 0 : index
      %swap3A_63 = arith.constant 0 : index
      %swap3A_64 = arith.constant 0 : index
      %swap3A_65 = vector.load %arg5[%swap3A, %swap3A_63, %swap3A_64] : memref<1x32x128xf32, #tpu.memory_space<vmem>>, vector<1x32x128xf32>
      %swap3A_66 = vector.shape_cast %swap3A_65 : vector<1x32x128xf32> to vector<32x128xf32>
      %swap3A_67 = vector.shape_cast %dot_general3A_25 : vector<32x128xf32> to vector<1x32x128xf32>
      tpu.vector_store %arg5[%swap3A, %swap3A_63, %swap3A_64], %swap3A_67 {strides = array<i32>} : memref<1x32x128xf32, #tpu.memory_space<vmem>>, vector<1x32x128xf32>,
      %swap3A_68 = arith.constant 0 : index
      %swap3A_69 = arith.constant 0 : index
      %swap3A_70 = arith.constant 0 : index
      %swap3A_71 = vector.load %arg6[%swap3A_68, %swap3A_69, %swap3A_70] : memref<1x32x128xf32, #tpu.memory_space<vmem>>, vector<1x32x128xf32>
      %swap3A_72 = vector.shape_cast %swap3A_71 : vector<1x32x128xf32> to vector<32x128xf32>
      %swap3A_73 = vector.shape_cast %broadcast_in_dim3A_28 : vector<32x128xf32> to vector<1x32x128xf32>
      tpu.vector_store %arg6[%swap3A_68, %swap3A_69, %swap3A_70], %swap3A_73 {strides = array<i32>} : memref<1x32x128xf32, #tpu.memory_space<vmem>>, vector<1x32x128xf32>,
    } else {
    }
    %jit3A_42 = arith.constant 20 : i32
    %eq3A_43 = arith.constant 0 : i32
    %eq3A_44 = arith.cmpi eq, %jit3A_42, %eq3A_43 : i32
    %jit3A_45 = arith.constant 1 : i32
    %select_n3A_46 = arith.select %eq3A_44, %jit3A_45, %jit3A_42 : i32
    %rem3A_47 = arith.remsi %arg0, %select_n3A_46 : i32
    %ne3A_48 = arith.constant 0 : i32
    %ne3A_49 = arith.cmpi ne, %rem3A_47, %ne3A_48 : i32
    %lt3A_50 = arith.constant 0 : i32
    %lt3A_51 = arith.cmpi slt, %rem3A_47, %lt3A_50 : i32
    %lt3A_52 = arith.constant 0 : i32
    %lt3A_53 = arith.cmpi slt, %select_n3A_46, %lt3A_52 : i32
    %ne3A_54 = arith.xori %lt3A_51, %lt3A_53 : i1
    %and3A_55 = arith.andi %ne3A_54, %ne3A_49 : i1
    %add3A_56 = arith.addi %rem3A_47, %select_n3A_46 : i32
    %select_n3A_57 = arith.select %and3A_55, %add3A_56, %rem3A_47 : i32
    %ne3A_58 = arith.constant 0 : i32
    %ne3A_59 = arith.cmpi ne, %select_n3A_57, %ne3A_58 : i32
    %convert_element_type3A_60 = arith.extui %ne3A_59 : i1 to i32
    %cond3A_61 = arith.constant 0 : i32
    %cond3A_62 = arith.cmpi ne, %convert_element_type3A_60, %cond3A_61 : i32
    scf.if %cond3A_62 {
      %get3A_63 = arith.constant 0 : index
      %get3A_64 = arith.constant 0 : index
      %get3A_65 = arith.constant 0 : index
      %get3A_66 = vector.load %arg5[%get3A_63, %get3A_64, %get3A_65] : memref<1x32x128xf32, #tpu.memory_space<vmem>>, vector<1x32x128xf32>
      %get3A_67 = vector.shape_cast %get3A_66 : vector<1x32x128xf32> to vector<32x128xf32>
      %add3A_68 = arith.addf %get3A_67, %dot_general3A_25 : vector<32x128xf32>
      %swap3A = arith.constant 0 : index
      %swap3A_69 = arith.constant 0 : index
      %swap3A_70 = arith.constant 0 : index
      %swap3A_71 = vector.load %arg5[%swap3A, %swap3A_69, %swap3A_70] : memref<1x32x128xf32, #tpu.memory_space<vmem>>, vector<1x32x128xf32>
      %swap3A_72 = vector.shape_cast %swap3A_71 : vector<1x32x128xf32> to vector<32x128xf32>
      %swap3A_73 = vector.shape_cast %add3A_68 : vector<32x128xf32> to vector<1x32x128xf32>
      tpu.vector_store %arg5[%swap3A, %swap3A_69, %swap3A_70], %swap3A_73 {strides = array<i32>} : memref<1x32x128xf32, #tpu.memory_space<vmem>>, vector<1x32x128xf32>,
      %get3A_74 = arith.constant 0 : index
      %get3A_75 = arith.constant 0 : index
      %get3A_76 = arith.constant 0 : index
      %get3A_77 = vector.load %arg6[%get3A_74, %get3A_75, %get3A_76] : memref<1x32x128xf32, #tpu.memory_space<vmem>>, vector<1x32x128xf32>
      %get3A_78 = vector.shape_cast %get3A_77 : vector<1x32x128xf32> to vector<32x128xf32>
      %add3A_79 = arith.addf %get3A_78, %broadcast_in_dim3A_28 : vector<32x128xf32>
      %swap3A_80 = arith.constant 0 : index
      %swap3A_81 = arith.constant 0 : index
      %swap3A_82 = arith.constant 0 : index
      %swap3A_83 = vector.load %arg6[%swap3A_80, %swap3A_81, %swap3A_82] : memref<1x32x128xf32, #tpu.memory_space<vmem>>, vector<1x32x128xf32>
      %swap3A_84 = vector.shape_cast %swap3A_83 : vector<1x32x128xf32> to vector<32x128xf32>
      %swap3A_85 = vector.shape_cast %add3A_79 : vector<32x128xf32> to vector<1x32x128xf32>
      tpu.vector_store %arg6[%swap3A_80, %swap3A_81, %swap3A_82], %swap3A_85 {strides = array<i32>} : memref<1x32x128xf32, #tpu.memory_space<vmem>>, vector<1x32x128xf32>,
    } else {
    }
    return
  }
  func.func @transform_0(%arg0: i32) -> (i32, i32) {
    %c0_i32 = arith.constant 0 : i32
    %c0_i32_0 = arith.constant 0 : i32
    return %arg0, %c0_i32 : i32, i32
  }
  func.func @transform_1(%arg0: i32) -> (i32, i32) {
    %c0_i32 = arith.constant 0 : i32
    %c0_i32_0 = arith.constant 0 : i32
    return %arg0, %c0_i32 : i32, i32
  }
  func.func @transform_2(%arg0: i32) -> (i32, i32, i32) {
    %jit3A = arith.constant 20 : i32
    %div3A = arith.divsi %arg0, %jit3A : i32
    %sign3A = arith.constant 0 : i32
    %sign3A_0 = arith.cmpi sgt, %arg0, %sign3A : i32
    %sign3A_1 = arith.extui %sign3A_0 : i1 to i32
    %sign3A_2 = arith.constant 0 : i32
    %sign3A_3 = arith.cmpi slt, %arg0, %sign3A_2 : i32
    %sign3A_4 = arith.extui %sign3A_3 : i1 to i32
    %sign3A_5 = arith.subi %sign3A_1, %sign3A_4 : i32
    %sign3A_6 = arith.constant 0 : i32
    %sign3A_7 = arith.cmpi sgt, %jit3A, %sign3A_6 : i32
    %sign3A_8 = arith.extui %sign3A_7 : i1 to i32
    %sign3A_9 = arith.constant 0 : i32
    %sign3A_10 = arith.cmpi slt, %jit3A, %sign3A_9 : i32
    %sign3A_11 = arith.extui %sign3A_10 : i1 to i32
    %sign3A_12 = arith.subi %sign3A_8, %sign3A_11 : i32
    %ne3A = arith.cmpi ne, %sign3A_5, %sign3A_12 : i32
    %rem3A = arith.remsi %arg0, %jit3A : i32
    %ne3A_13 = arith.constant 0 : i32
    %ne3A_14 = arith.cmpi ne, %rem3A, %ne3A_13 : i32
    %and3A = arith.andi %ne3A, %ne3A_14 : i1
    %sub3A = arith.constant 1 : i32
    %sub3A_15 = arith.subi %div3A, %sub3A : i32
    %select_n3A = arith.select %and3A, %sub3A_15, %div3A : i32
    %c0_i32 = arith.constant 0 : i32
    %c0_i32_16 = arith.constant 0 : i32
    %c0_i32_17 = arith.constant 0 : i32
    return %select_n3A, %c0_i32, %c0_i32_16 : i32, i32, i32
  }
  func.func @transform_3(%arg0: i32) -> (i32, i32, i32) {
    %c0_i32 = arith.constant 0 : i32
    %c0_i32_0 = arith.constant 0 : i32
    %c0_i32_1 = arith.constant 0 : i32
    return %arg0, %c0_i32, %c0_i32_0 : i32, i32, i32
  }
  func.func @transform_4(%arg0: i32) -> (i32, i32, i32) {
    %jit3A = arith.constant 20 : i32
    %div3A = arith.divsi %arg0, %jit3A : i32
    %sign3A = arith.constant 0 : i32
    %sign3A_0 = arith.cmpi sgt, %arg0, %sign3A : i32
    %sign3A_1 = arith.extui %sign3A_0 : i1 to i32
    %sign3A_2 = arith.constant 0 : i32
    %sign3A_3 = arith.cmpi slt, %arg0, %sign3A_2 : i32
    %sign3A_4 = arith.extui %sign3A_3 : i1 to i32
    %sign3A_5 = arith.subi %sign3A_1, %sign3A_4 : i32
    %sign3A_6 = arith.constant 0 : i32
    %sign3A_7 = arith.cmpi sgt, %jit3A, %sign3A_6 : i32
    %sign3A_8 = arith.extui %sign3A_7 : i1 to i32
    %sign3A_9 = arith.constant 0 : i32
    %sign3A_10 = arith.cmpi slt, %jit3A, %sign3A_9 : i32
    %sign3A_11 = arith.extui %sign3A_10 : i1 to i32
    %sign3A_12 = arith.subi %sign3A_8, %sign3A_11 : i32
    %ne3A = arith.cmpi ne, %sign3A_5, %sign3A_12 : i32
    %rem3A = arith.remsi %arg0, %jit3A : i32
    %ne3A_13 = arith.constant 0 : i32
    %ne3A_14 = arith.cmpi ne, %rem3A, %ne3A_13 : i32
    %and3A = arith.andi %ne3A, %ne3A_14 : i1
    %sub3A = arith.constant 1 : i32
    %sub3A_15 = arith.subi %div3A, %sub3A : i32
    %select_n3A = arith.select %and3A, %sub3A_15, %div3A : i32
    %c0_i32 = arith.constant 0 : i32
    %c0_i32_16 = arith.constant 0 : i32
    %c0_i32_17 = arith.constant 0 : i32
    return %select_n3A, %c0_i32, %c0_i32_16 : i32, i32, i32
  }
  func.func @transform_5(%arg0: i32) -> (i32, i32, i32) {
    %jit3A = arith.constant 20 : i32
    %div3A = arith.divsi %arg0, %jit3A : i32
    %sign3A = arith.constant 0 : i32
    %sign3A_0 = arith.cmpi sgt, %arg0, %sign3A : i32
    %sign3A_1 = arith.extui %sign3A_0 : i1 to i32
    %sign3A_2 = arith.constant 0 : i32
    %sign3A_3 = arith.cmpi slt, %arg0, %sign3A_2 : i32
    %sign3A_4 = arith.extui %sign3A_3 : i1 to i32
    %sign3A_5 = arith.subi %sign3A_1, %sign3A_4 : i32
    %sign3A_6 = arith.constant 0 : i32
    %sign3A_7 = arith.cmpi sgt, %jit3A, %sign3A_6 : i32
    %sign3A_8 = arith.extui %sign3A_7 : i1 to i32
    %sign3A_9 = arith.constant 0 : i32
    %sign3A_10 = arith.cmpi slt, %jit3A, %sign3A_9 : i32
    %sign3A_11 = arith.extui %sign3A_10 : i1 to i32
    %sign3A_12 = arith.subi %sign3A_8, %sign3A_11 : i32
    %ne3A = arith.cmpi ne, %sign3A_5, %sign3A_12 : i32
    %rem3A = arith.remsi %arg0, %jit3A : i32
    %ne3A_13 = arith.constant 0 : i32
    %ne3A_14 = arith.cmpi ne, %rem3A, %ne3A_13 : i32
    %and3A = arith.andi %ne3A, %ne3A_14 : i1
    %sub3A = arith.constant 1 : i32
    %sub3A_15 = arith.subi %div3A, %sub3A : i32
    %select_n3A = arith.select %and3A, %sub3A_15, %div3A : i32
    %c0_i32 = arith.constant 0 : i32
    %c0_i32_16 = arith.constant 0 : i32
    %c0_i32_17 = arith.constant 0 : i32
    return %select_n3A, %c0_i32, %c0_i32_16 : i32, i32, i32
  }
}

module attributes {stable_mosaic.version = 14 : i64} {
  func.func @_head_body(%arg0: memref<2x32x128xf32, #tpu.memory_space<vmem>>, %arg1: memref<2x32x128xf32, #tpu.memory_space<vmem>>, %arg2: memref<128x2xf32, #tpu.memory_space<vmem>>, %arg3: memref<8x2xf32, #tpu.memory_space<vmem>>, %arg4: memref<32x2xf32, #tpu.memory_space<vmem>>, %arg5: memref<32x2xf32, #tpu.memory_space<vmem>>, %arg6: memref<8x128xf32, #tpu.memory_space<vmem>>) attributes {dimension_semantics = [], scalar_prefetch = 0 : i64, scratch_operands = 0 : i64, tpu.core_type = #tpu.core_type<tc>} {
    %get3A = arith.constant 0 : index
    %get3A_0 = arith.constant 0 : index
    %get3A_1 = arith.constant 0 : index
    %get3A_2 = vector.load %arg0[%get3A, %get3A_0, %get3A_1] : memref<2x32x128xf32, #tpu.memory_space<vmem>>, vector<1x32x128xf32>
    %get3A_3 = vector.shape_cast %get3A_2 : vector<1x32x128xf32> to vector<32x128xf32>
    %get3A_4 = arith.constant 0 : index
    %get3A_5 = arith.constant 0 : index
    %get3A_6 = arith.constant 0 : index
    %get3A_7 = vector.load %arg1[%get3A_4, %get3A_5, %get3A_6] : memref<2x32x128xf32, #tpu.memory_space<vmem>>, vector<1x32x128xf32>
    %get3A_8 = vector.shape_cast %get3A_7 : vector<1x32x128xf32> to vector<32x128xf32>
    %max3A = arith.constant 1.000000e+00 : f32
    %max3A_9 = vector.broadcast %max3A : f32 to vector<32x128xf32>
    %max3A_10 = arith.maximumf %get3A_8, %max3A_9 : vector<32x128xf32>
    %div3A = arith.divf %get3A_3, %max3A_10 : vector<32x128xf32>
    %get3A_11 = arith.constant 1 : index
    %get3A_12 = arith.constant 0 : index
    %get3A_13 = arith.constant 0 : index
    %get3A_14 = vector.load %arg0[%get3A_11, %get3A_12, %get3A_13] : memref<2x32x128xf32, #tpu.memory_space<vmem>>, vector<1x32x128xf32>
    %get3A_15 = vector.shape_cast %get3A_14 : vector<1x32x128xf32> to vector<32x128xf32>
    %get3A_16 = arith.constant 1 : index
    %get3A_17 = arith.constant 0 : index
    %get3A_18 = arith.constant 0 : index
    %get3A_19 = vector.load %arg1[%get3A_16, %get3A_17, %get3A_18] : memref<2x32x128xf32, #tpu.memory_space<vmem>>, vector<1x32x128xf32>
    %get3A_20 = vector.shape_cast %get3A_19 : vector<1x32x128xf32> to vector<32x128xf32>
    %max3A_21 = arith.constant 1.000000e+00 : f32
    %max3A_22 = vector.broadcast %max3A_21 : f32 to vector<32x128xf32>
    %max3A_23 = arith.maximumf %get3A_20, %max3A_22 : vector<32x128xf32>
    %div3A_24 = arith.divf %get3A_15, %max3A_23 : vector<32x128xf32>
    %sub3A = arith.subf %div3A, %div3A_24 : vector<32x128xf32>
    %integer_pow3A = arith.mulf %sub3A, %sub3A : vector<32x128xf32>
    %get3A_25 = arith.constant 0 : index
    %get3A_26 = arith.constant 0 : index
    %get3A_27 = vector.load %arg2[%get3A_25, %get3A_26] : memref<128x2xf32, #tpu.memory_space<vmem>>, vector<128x2xf32>
    %dot_general3A = arith.constant dense<0.000000e+00> : vector<32x2xf32>
    %dot_general3A_28 = tpu.matmul %integer_pow3A, %get3A_27, %dot_general3A {dimension_numbers = #tpu.dot_dimension_numbers<[1], [0], [0], [1], [0, 0, 1, 1], [], []>, transpose_lhs_hint = false} : vector<32x128xf32>, vector<128x2xf32>, vector<32x2xf32> -> vector<32x2xf32>
    %get3A_29 = arith.constant 0 : index
    %get3A_30 = arith.constant 0 : index
    %get3A_31 = vector.load %arg3[%get3A_29, %get3A_30] : memref<8x2xf32, #tpu.memory_space<vmem>>, vector<1x2xf32>
    %add3A = vector.broadcast %get3A_31 : vector<1x2xf32> to vector<32x2xf32>
    %add3A_32 = arith.addf %dot_general3A_28, %add3A : vector<32x2xf32>
    %gt3A = arith.constant 0.000000e+00 : f32
    %gt3A_33 = vector.broadcast %gt3A : f32 to vector<32x2xf32>
    %gt3A_34 = arith.cmpf ogt, %add3A_32, %gt3A_33 : vector<32x2xf32>
    %mul3A = arith.constant 0.00999999977 : f32
    %mul3A_35 = vector.broadcast %mul3A : f32 to vector<32x2xf32>
    %mul3A_36 = arith.mulf %mul3A_35, %add3A_32 : vector<32x2xf32>
    %select_n3A = arith.select %gt3A_34, %add3A_32, %mul3A_36 : vector<32x2xi1>, vector<32x2xf32>
    %reduce_max3A = arith.constant dense<0xFF800000> : vector<32xf32>
    %reduce_max3A_37 = vector.multi_reduction <maximumf>, %select_n3A, %reduce_max3A [1] : vector<32x2xf32> to vector<32xf32>
    %broadcast_in_dim3A = vector.shape_cast %reduce_max3A_37 : vector<32xf32> to vector<32x1xf32>
    %sub3A_38 = vector.broadcast %broadcast_in_dim3A : vector<32x1xf32> to vector<32x2xf32>
    %sub3A_39 = arith.subf %select_n3A, %sub3A_38 : vector<32x2xf32>
    %exp3A = math.exp %sub3A_39 : vector<32x2xf32>
    %reduce_sum3A = arith.constant dense<0.000000e+00> : vector<32xf32>
    %reduce_sum3A_40 = vector.multi_reduction <add>, %exp3A, %reduce_sum3A [1] : vector<32x2xf32> to vector<32xf32>
    %broadcast_in_dim3A_41 = vector.shape_cast %reduce_sum3A_40 : vector<32xf32> to vector<32x1xf32>
    %log3A = math.log %broadcast_in_dim3A_41 : vector<32x1xf32>
    %sub3A_42 = vector.broadcast %log3A : vector<32x1xf32> to vector<32x2xf32>
    %sub3A_43 = arith.subf %sub3A_39, %sub3A_42 : vector<32x2xf32>
    %get3A_44 = arith.constant 0 : index
    %get3A_45 = arith.constant 0 : index
    %get3A_46 = vector.load %arg4[%get3A_44, %get3A_45] : memref<32x2xf32, #tpu.memory_space<vmem>>, vector<32x2xf32>
    %mul3A_47 = arith.mulf %sub3A_43, %get3A_46 : vector<32x2xf32>
    %reduce_sum3A_48 = vector.shape_cast %mul3A_47 : vector<32x2xf32> to vector<1x32x2xf32>
    %reduce_sum3A_49 = arith.constant dense<0.000000e+00> : vector<1xf32>
    %reduce_sum3A_50 = vector.multi_reduction <add>, %reduce_sum3A_48, %reduce_sum3A_49 [1, 2] : vector<1x32x2xf32> to vector<1xf32>
    %reduce_sum3A_51 = vector.shape_cast %reduce_sum3A_50 : vector<1xf32> to vector<1x1x1xf32>
    %reduce_sum3A_52 = vector.extract %reduce_sum3A_51[0, 0, 0] : f32 from vector<1x1x1xf32>
    %neg3A = arith.constant 0.000000e+00 : f32
    %neg3A_53 = arith.subf %neg3A, %reduce_sum3A_52 : f32
    %div3A_54 = arith.constant 3.200000e+01 : f32
    %div3A_55 = arith.divf %neg3A_53, %div3A_54 : f32
    %exp3A_56 = math.exp %sub3A_43 : vector<32x2xf32>
    %swap3A = arith.constant 0 : index
    %swap3A_57 = arith.constant 0 : index
    %swap3A_58 = vector.load %arg5[%swap3A, %swap3A_57] : memref<32x2xf32, #tpu.memory_space<vmem>>, vector<32x2xf32>
    tpu.vector_store %arg5[%swap3A, %swap3A_57], %exp3A_56 {strides = array<i32>} : memref<32x2xf32, #tpu.memory_space<vmem>>, vector<32x2xf32>,
    %broadcast_in_dim3A_59 = vector.broadcast %div3A_55 : f32 to vector<8x128xf32>
    %swap3A_60 = arith.constant 0 : index
    %swap3A_61 = arith.constant 0 : index
    %swap3A_62 = vector.load %arg6[%swap3A_60, %swap3A_61] : memref<8x128xf32, #tpu.memory_space<vmem>>, vector<8x128xf32>
    tpu.vector_store %arg6[%swap3A_60, %swap3A_61], %broadcast_in_dim3A_59 {strides = array<i32>} : memref<8x128xf32, #tpu.memory_space<vmem>>, vector<8x128xf32>,
    return
  }
}

</mosaic_0001>

<sc_bundles>
// kernel: kernel.12.cloned.1.call-start
scs
__scs_entry_jumppad:
0x0: {  	(pc) =	sbr.rel $0x88, $3  }
0x1: {  	(tag) =	ssettag $0x0;
	lr =	simm.s32 $0x1  }
0x2: {  	[smem:$0x3F93] =	sst lr;
	_ =	strace $0xD0000000  }
0x3: {  	_ = 	snop  }
0x4: {  	_ = 	snop  }
0x5: {  	_ = 	snop  }
0x6: {  	_ = 	snop  }
0x7: {  	_ = 	snop  }
__scs_overlays_trampoline_lowered:
0x8: {  	[smem:$0x3FA2] =	sst s0  }
0x9: {  	[smem:$0x3FA3] =	sst s1  }
0xa: {  	[smem:$0x3FA4] =	sst s2  }
0xb: {  	[smem:$0x3FA5] =	sst s3  }
0xc: {  	[smem:$0x3FA6] =	sst s4  }
0xd: {  	[smem:$0x3FA7] =	sst s5  }
0xe: {  	[smem:$0x3FA8] =	sst s6  }
0xf: {  	[smem:$0x3FA9] =	sst s7  }
0x10: {  	[smem:$0x3FAA] =	sst s8  }
0x11: {  	[smem:$0x3FAB] =	sst s9;
	s0 =	simm.s32 @!p0 $0x0  }
0x12: {  	s1 =	sld [smem:$0x3F91];
	s0 =	simm.s32 @p0 $0x1  }
0x13: {  	[smem:$0x3FAC] =	sst s0;
	s0 =	simm.s32 @!p1 $0x0  }
0x14: {  	s2 =	sld [smem:$0x3F90];
	s0 =	simm.s32 @p1 $0x1  }
0x15: {  	[smem:$0x3FAD] =	sst s0;
	s0 =	simm.s32 @!p2 $0x0  }
0x16: {  	s3 =	sld [smem:$0x3FDB];
	s0 =	simm.s32 @p2 $0x1  }
0x17: {  	s4 =	simm.s32 $0x1BF5;
	[smem:$0x3FAF] =	sst s0  }
0x18: {  	s0 =	sld [smem:$0x3F92];
	_ =	swait.ge [sflag:s4], $0x0  }
0x19: {  	s7 =	sld [smem:$0x3F93]  }
0x1a: {  	s8 =	sadd.s32 $0xFFFFE003, lr  }
0x1b: {  	s9 =	sadd.s32 $0xFFFFFEF7, lr;
	s5 =	simm.s32 $0xFFFFFFFF;
	p2 =	slt.u32 s8, $0xFFFFF086  }
0x1c: {  	p1 =	slt.u32 s9, $0xF7A;
	s5 =	simm.s32 @!p2 $0x0  }
0x1d: {  	s5 =	simm.s32 @p1 $0x1;
	p0 =	seq.s32 s7, s2  }
0x1e: {  	s7 =	smul.u32 @!p0 $0xF7A, s2;
	p2 =	seq.s32 @!p0 s5, $0x0  }
0x1f: {  	s9 =	smul.u32 $0xF7A, s1;
	s8 =	simm.s32 @!p0 $0x1BF5;
	p2 =	por !p2, p0  }
0x20: {  	[sflag:s8] =	ssyncset.s32 @!p0 $0xFFFFF086;
	s6 =	sadd.s32 @!p0 s3, s7;
	s7 =	simm.s32 @!p0 $0x108  }
0x21: {  	s3 =	sadd.s32 s3, s9;
	s6 =	sadd.s32 @!p0 $0x88, s6;
	s7 =	simm.s32 @p2 $0x1082  }
0x22: {  	[simem:s7], [sflag:s8] =	dma.local @!p0 [hbm:s6], $0xF7A  }
0x23: {  	s9 =	sor.u32 $0xD0000000, s2;
	s6 =	simm.s32 $0x108;
	_ =	swait.ge @!p0 [sflag:s8], $0x0  }
0x24: {  	s3 =	sadd.s32 $0x88, s3;
	s6 =	simm.s32 @!p1 $0x1082;
	[sflag:s4] =	ssyncset.s32 $0xFFFFF086  }
0x25: {  	[simem:s6], [sflag:s4] =	dma.local [hbm:s3], $0xF7A  }
0x26: {  	[smem:$0x3F93] =	sst s1;
	(tag) =	ssettag s2;
	_ =	strace s9  }
0x27: {  	s1 =	sld [smem:$0x3FA3]  }
0x28: {  	s2 =	sld [smem:$0x3FA4]  }
0x29: {  	s4 =	sld [smem:$0x3FA6]  }
0x2a: {  	p0 =	seq.s32 s5, $0x0;
	s5 =	sld [smem:$0x3FA7]  }
0x2b: {  	s6 =	sld [smem:$0x3FA8]  }
0x2c: {  	s7 =	sld [smem:$0x3FA9]  }
0x2d: {  	s3 =	simm.s32 $0x108;
	s8 =	sld [smem:$0x3FAA]  }
0x2e: {  	s3 =	simm.s32 @!p0 $0x1082;
	s9 =	sld [smem:$0x3FAB]  }
0x2f: {  	lr =	sadd.s32 s0, s3;
	s0 =	sld [smem:$0x3FA2]  }
0x30: {  	s3 =	sld [smem:$0x3FA5]  }
0x31: {  	[smem:$0x3FAE] =	sst s10  }
0x32: {  	s10 =	sld [smem:$0x3FAC];
	_ =	sdelay $0x3  }
0x33: {  	p0 =	seq.s32 s10, $0x1;
	s10 =	sld [smem:$0x3FAE];
	_ =	sdelay $0x3  }
0x34: {  	[smem:$0x3FAE] =	sst s10  }
0x35: {  	s10 =	sld [smem:$0x3FAD];
	_ =	sdelay $0x3  }
0x36: {  	p1 =	seq.s32 s10, $0x1;
	s10 =	sld [smem:$0x3FAE];
	_ =	sdelay $0x3  }
0x37: {  	[smem:$0x3FAE] =	sst s10  }
0x38: {  	s10 =	sld [smem:$0x3FAF]  }
0x39: {  	_ = 	snop;
	(pc) =	sbr.ind lr, $3  }
0x3a: {  	_ = 	snop  }
0x3b: {  	_ = 	snop  }
0x3c: {  	p2 =	seq.s32 s10, $0x1;
	s10 =	sld [smem:$0x3FAE]  }
0x3d: {  	_ =	shalt  }
0x3e: {  	_ =	shalt  }
0x3f: {  	_ =	shalt  }
0x40: {  	_ =	shalt  }
0x41: {  	_ =	shalt  }
0x42: {  	_ =	shalt  }
0x43: {  	_ =	shalt  }
0x44: {  	_ =	shalt  }
0x45: {  	_ =	shalt  }
0x46: {  	_ =	shalt  }
0x47: {  	_ =	shalt  }
0x48: {  	_ =	shalt  }
0x49: {  	_ =	shalt  }
0x4a: {  	_ =	shalt  }
0x4b: {  	_ =	shalt  }
0x4c: {  	_ =	shalt  }
0x4d: {  	_ =	shalt  }
0x4e: {  	_ =	shalt  }
0x4f: {  	_ =	shalt  }
0x50: {  	_ =	shalt  }
0x51: {  	_ =	shalt  }
0x52: {  	_ =	shalt  }
0x53: {  	_ =	shalt  }
0x54: {  	_ =	shalt  }
0x55: {  	_ =	shalt  }
0x56: {  	_ =	shalt  }
0x57: {  	_ =	shalt  }
0x58: {  	_ =	shalt  }
0x59: {  	_ =	shalt  }
0x5a: {  	_ =	shalt  }
0x5b: {  	_ =	shalt  }
0x5c: {  	_ =	shalt  }
0x5d: {  	_ =	shalt  }
0x5e: {  	_ =	shalt  }
0x5f: {  	_ =	shalt  }
0x60: {  	_ =	shalt  }
0x61: {  	_ =	shalt  }
0x62: {  	_ =	shalt  }
0x63: {  	_ =	shalt  }
0x64: {  	_ =	shalt  }
0x65: {  	_ =	shalt  }
0x66: {  	_ =	shalt  }
0x67: {  	_ =	shalt  }
0x68: {  	_ =	shalt  }
0x69: {  	_ =	shalt  }
0x6a: {  	_ =	shalt  }
0x6b: {  	_ =	shalt  }
0x6c: {  	_ =	shalt  }
0x6d: {  	_ =	shalt  }
0x6e: {  	_ =	shalt  }
0x6f: {  	_ =	shalt  }
0x70: {  	_ =	shalt  }
0x71: {  	_ =	shalt  }
0x72: {  	_ =	shalt  }
0x73: {  	_ =	shalt  }
0x74: {  	_ =	shalt  }
0x75: {  	_ =	shalt  }
0x76: {  	_ =	shalt  }
0x77: {  	_ =	shalt  }
0x78: {  	_ =	shalt  }
0x79: {  	_ =	shalt  }
0x7a: {  	_ =	shalt  }
0x7b: {  	_ =	shalt  }
0x7c: {  	_ =	shalt  }
0x7d: {  	_ =	shalt  }
0x7e: {  	_ =	shalt  }
0x7f: {  	_ =	shalt  }
0x80: {  	_ =	shalt  }
0x81: {  	_ =	shalt  }
0x82: {  	_ =	shalt  }
0x83: {  	_ =	shalt  }
0x84: {  	_ =	shalt  }
0x85: {  	_ =	shalt  }
0x86: {  	_ =	shalt  }
0x87: {  	_ =	shalt  }
.Lfunc_end0:
.L_simem_size_0:
called_computation.1_lowered:
.L_overlay_start_0:
0x88: {  	s2 =	sld [smem:$0x3FD9]  }
0x89: {  	s3 =	sld [smem:$0x3FFE];
	_ =	sdelay $0x1  }
0x8a: {  	s1 =	srdreg.scid  }
0x8b: {  	s0 =	sand.u32 $0x1, s1  }
0x8c: {  	s16 =	sshll.u32 s0, $0xA;
	s2 =	sadd.s32 s3, s2  }
0x8d: {  	s2 =	sadd.s32 s2, s16  }
0x8e: {  	[smem:$0x3FBA] =	sst s2  }
0x8f: {  	_ = 	snop  }
0x90: {  	(tm) =	ssettm $0x1  }
0x91: {  	s17 =	sld [smem:$0x3FFB];
	_ =	sdelay $0x3  }
0x92: {  	_ =	strace s17  }
0x93: {  	s2 =	sld [smem:$0x3FFC];
	_ =	sdelay $0x3  }
0x94: {  	_ =	strace s2  }
0x95: {  	s2 =	sld [smem:$0x3FFD];
	_ =	sdelay $0x3  }
0x96: {  	_ =	strace s2  }
0x97: {  	_ =	strace $0x8FFFFFFF  }
0x98: {  	s18 =	sld [smem:$0x3FDB];
	_ =	sdelay $0x1  }
0x99: {  	s19 =	simm.s32 $_scs_section_size  }
0x9a: {  	s4 =	simm.s32 $_size__tile_overlayer_lowered;
	s5 =	simm.s32 $_tile_overlayer_lowered  }
0x9b: {  	s22 =	simm.s32 $0x1BFF;
	s21 =	sshll.u32 s5, $0x1;
	s2 =	sadd.s32 s19, s18  }
0x9c: {  	s6 =	simm.s32 $0x0;
	s20 =	sshll.u32 s4, $0x1;
	s4 =	sadd.s32 s21, s2  }
0x9d: {  	[timem:s6], [sflag:s22] =	dma.local [hbm:s4], s20  }
0x9e: {  	_ =	swait.ge [sflag:s22], s20  }
0x9f: {  	s3 =	ssub.s32 $0x0, s20;
	[sflag:s22] =	ssyncset.done $0x0  }
0xa0: {  	[sflag:s22] =	ssyncadd.s32 s3;
	_ =	sdelay $0x1  }
0xa1: {  	s23 =	simm.s32 $0x1B8B  }
0xa2: {  	_ =	swait.ge [sflag:s23], $0x1  }
0xa3: {  	[sflag:s23] =	ssyncset.done $0x0  }
0xa4: {  	s25 =	simm.s32 $0x1B8E;
	s24 =	sld [smem:$0x3FFE];
	[sflag:s23] =	ssyncadd.s32 $0xFFFFFFFF  }
0xa5: {  	s26 =	simm.s32 $execute0_lowered;
	[smem:$0x3FD2] =	sst s25  }
0xa6: {  	s4 =	sshll.u32 s26, $0x1;
	_ =	strace $0x80000046;
	[dreg:$0x1] =	wrdreg $0xFFFFFFFF  }
0xa7: {  	s28 =	simm.s32 $_size_execute0_lowered;
	s2 =	sadd.s32 s2, s4;
	[dreg:$0x0] =	wrdreg $0x0  }
0xa8: {  	s4 =	sshll.u32 s28, $0x1;
	[dreg:$0x2] =	wrdreg s2  }
0xa9: {  	[dreg:$0x3] =	wrdreg s4  }
0xaa: {  	[dreg:$0x4] =	wrdreg $0xC0  }
0xab: {  	_ =	task [dreg:s6], $0x5FFFF  }
0xac: {  	[dreg:$0x1] =	wrdreg $0xFFFFFFFF  }
0xad: {  	[dreg:$0x0] =	wrdreg $0x60  }
0xae: {  	[dreg:$0x2] =	wrdreg s24  }
0xaf: {  	[dreg:$0x3] =	wrdreg $0x90000  }
0xb0: {  	[dreg:$0x4] =	wrdreg $0xA  }
0xb1: {  	_ =	task.clear_ibuf [dreg:s6], $0x5FFFF;
	_ =	strace $0x90000046  }
0xb2: {  	s29 =	simm.s32 $0xA;
	_ =	strace $0x80000048  }
0xb3: {  	_ =	swait.ge [sflag:s29], $0x1  }
0xb4: {  	[sflag:s29] =	ssyncadd.s32 $0xFFFFFFFF  }
0xb5: {  	_ =	strace $0x90000048  }
0xb6: {  	_ =	sfence  }
0xb7: {  	s30 =	sld [smem:$0x0];
	_ =	sdelay $0x2  }
0xb8: {  	s31 =	sshll.u32 s1, $0xD;
	s1 =	sshrl.u32 s1, $0x2  }
0xb9: {  	s3 =	sand.u32 $0x4000, s31;
	s1 =	sadd.s32 s1, s30  }
0xba: {  	s0 =	sor.u32 s3, s0;
	s1 =	sshll.u32 s1, $0x11  }
0xbb: {  	s0 =	sor.u32 s1, s0  }
0xbc: {  	s0 =	sadd.s32 $0x8F2B, s0  }
0xbd: {  	[sflag:s0] =	ssyncadd.remote.s32 $0x1  }
0xbe: {  	_ =	sfence.sel $0xFFFF  }
0xbf: {  	[dreg:$0x0] =	wrdreg $0xFFFFFFFF;
	(pc) =	sbr.abs _section_cstart, $3  }
0xc0: {  	[dreg:$0x1] =	wrdreg $0xFFFFFFFF  }
0xc1: {  	_ =	task.clear_ibuf [dreg:s6], $0x2FFFF;
	_ =	strace $0x9FFFFFFF  }
0xc2: {  	(tm) =	ssettm $0x7FFFFFFF  }
0xc3: {  	_ =	shalt  }
tec
execute0_lowered:
.L_overlay_start_1:
0x0: {  	(tag) =	ssettag $0x1  }
0x1: {  	s5 =	rddreg [dreg:$0x0]  }
0x2: {  	s1 =	rddreg [dreg:$0x1];
	s2 =	srdreg.scid  }
0x3: {  	s3 =	simm.s32 $0x0;
	s17 =	simm.s32 $0x5;
	s18 =	simm.s32 $0x800  }
0x4: {  	s19 =	simm.s32 $0x80;
	s20 =	simm.s32 $0x1;
	s6 =	sand.u32 $0x1, s2  }
0x5: {  	s21 =	simm.s32 $0x5000;
	s2 =	stileid.u32;
	s7 =	smul.u32 $0x140000, s6  }
0x6: {  	s22 =	simm.s32 $0x2;
	s23 =	simm.s32 $0x3;
	s8 =	smul.u32 $0x14000, s2  }
0x7: {  	s24 =	simm.s32 $0x4;
	s25 =	simm.s32 $0x0;
	s30 =	smul.u32 $0x50000, s2  }
0x8: {  	[smem:$0x7FF] =	sst s3;
	s4 =	sadd.s32 $0x3A00, s5;
	s10 =	smul.u32 $0x50000, s6  }
0x9: {  	s15 =	sadd.s32 $0x53A00, s5;
	s9 =	ssub.s32 $0x2, s6;
	s11 =	smul.u32 $0x5000, s2  }
0xa: {  	s14 =	sadd.s32 $0x67A00, s5;
	_ =	strace $0x80000047;
	s31 =	sshrl.u32 s9, $0x1  }
0xb: {  	s7 =	sadd.s32 s8, s7;
	s8 =	sshrl.u32 s30, $0x2;
	s16 =	sadd.s32 s11, s10  }
0xc: {  	s13 =	ssub.s32 s9, s31;
	s7 =	sshrl.u32 s7, $0x3;
	s11 =	sshrl.u32 s16, $0x3  }
0xd: {  	s16 =	sor.u32 $0x400, s16;
	s13 =	smax.u32 s13, $0x1;
	s12 =	sadd.s32 s7, s5  }
0xe: {  	s5 =	sadd.s32 s8, s1;
	s10 =	sadd.s32 s15, s11;
	s11 =	sadd.s32 s14, s11  }
0xf: {  	s16 =	sshrl.u32 s16, $0x3;
	s6 =	sadd.s32 $0x4000, s5;
	s7 =	sadd.s32 $0x8000, s5  }
0x10: {  	s8 =	sadd.s32 $0xC000, s5;
	s9 =	sadd.s32 $0x10000, s5;
	s12 =	sadd.s32 $0x7BA00, s12  }
0x11: {  	v0 =	vimm.f32 $0.0e+00;
	s14 =	sadd.s32 s16, s14;
	s15 =	sadd.s32 s16, s15;
	s16 =	simm.s32 $0x1000  }
.LBB2_1:
0x12: {  	s26 =	simm.s32 $0x0;
	s28 =	simm.s32 $0x200  }
.LBB2_2:
0x13: {  	p0 =	sne.s32 s28, $0xFE00;
	[tilespmem:s26+$0x1070] =	vst v0  }
0x14: {  	[tilespmem:s26+$0x1000] =	vst v0  }
0x15: {  	[tilespmem:s26+$0x1010] =	vst v0  }
.Ltmp0:
0x16: {  	[tilespmem:s26+$0x1020] =	vst v0;
	(pc) =	sbr.rel @p0 .LBB2_2-.Ltmp0, $4  }
0x17: {  	[tilespmem:s26+$0x1030] =	vst v0  }
0x18: {  	[tilespmem:s26+$0x1040] =	vst v0  }
0x19: {  	[tilespmem:s26+$0x1050] =	vst v0  }
0x1a: {  	[tilespmem:s26+$0x1060] =	vst v0;
	s26 =	sshra.s32 s28, $0x2;
	s28 =	sadd.s32 $0x200, s28  }
0x1b: {  	[tilespmem:s26+$0x1070] =	vst v0  }
0x1c: {  	[tilespmem:s26+$0x1000] =	vst v0  }
0x1d: {  	[tilespmem:s26+$0x1010] =	vst v0  }
0x1e: {  	[tilespmem:s26+$0x1020] =	vst v0  }
0x1f: {  	[tilespmem:s26+$0x1030] =	vst v0  }
0x20: {  	[tilespmem:s26+$0x1040] =	vst v0  }
0x21: {  	[tilespmem:s26+$0x1050] =	vst v0  }
0x22: {  	[tilespmem:s26+$0x1060] =	vst v0  }
0x23: {  	[spmem:s5] =	stream.linear.scatter [tilespmem:s16], [sflag:$0x5], $0x4000, $0x38;
	[tilespmem:$0x1D000] =	vst v63  }
0x24: {  	_ =	swait.ge [sflag:s17], $0x4000  }
0x25: {  	[sflag:s17] =	ssyncset.done $0x0  }
0x26: {  	[sflag:s17] =	ssyncadd.s32 $0xFFFFC000  }
0x27: {  	[spmem:s6] =	stream.linear.scatter [tilespmem:s16], [sflag:$0x5], $0x4000, $0x38;
	[tilespmem:$0x1D000] =	vst v63  }
0x28: {  	_ =	swait.ge [sflag:s17], $0x4000  }
0x29: {  	[sflag:s17] =	ssyncset.done $0x0  }
0x2a: {  	[sflag:s17] =	ssyncadd.s32 $0xFFFFC000  }
0x2b: {  	[spmem:s7] =	stream.linear.scatter [tilespmem:s16], [sflag:$0x5], $0x4000, $0x38;
	[tilespmem:$0x1D000] =	vst v63  }
0x2c: {  	_ =	swait.ge [sflag:s17], $0x4000  }
0x2d: {  	[sflag:s17] =	ssyncset.done $0x0  }
0x2e: {  	[sflag:s17] =	ssyncadd.s32 $0xFFFFC000  }
0x2f: {  	[spmem:s8] =	stream.linear.scatter [tilespmem:s16], [sflag:$0x5], $0x4000, $0x38;
	[tilespmem:$0x1D000] =	vst v63  }
0x30: {  	_ =	swait.ge [sflag:s17], $0x4000  }
0x31: {  	[sflag:s17] =	ssyncset.done $0x0  }
0x32: {  	[sflag:s17] =	ssyncadd.s32 $0xFFFFC000  }
0x33: {  	[spmem:s9] =	stream.linear.scatter [tilespmem:s16], [sflag:$0x5], $0x4000, $0x38;
	[tilespmem:$0x1D000] =	vst v63  }
0x34: {  	_ =	swait.ge [sflag:s17], $0x4000  }
0x35: {  	[sflag:s17] =	ssyncset.done $0x0  }
0x36: {  	[sflag:s17] =	ssyncadd.s32 $0xFFFFC000  }
0x37: {  	s26 =	simm.s32 $0x0;
	[bflag:$0x0] =	sbarrier.arrive $0xFFFF  }
0x38: {  	[tilespmem:s26], [sflag:$0x5] =	stream.linear.gather [hbm4b:s10+s26], $0x400, $0x38;
	[tilespmem:$0x1D000] =	vst v63  }
0x39: {  	_ =	swait.ge [sflag:s17], $0x400  }
0x3a: {  	[sflag:s17] =	ssyncset.done $0x0  }
0x3b: {  	[sflag:s17] =	ssyncadd.s32 $0xFFFFFC00  }
0x3c: {  	[tilespmem:s18], [sflag:$0x5] =	stream.linear.gather [hbm4b:s11+s26], $0x400, $0x38;
	[tilespmem:$0x1D000] =	vst v63  }
0x3d: {  	_ =	swait.ge [sflag:s17], $0x400  }
0x3e: {  	[sflag:s17] =	ssyncset.done $0x0  }
0x3f: {  	s28 =	simm.s32 $0x1;
	s29 =	simm.s32 $0x0;
	[sflag:s17] =	ssyncadd.s32 $0xFFFFFC00  }
0x40: {  	[tilespmem:s16], [sflag:$0x1] =	stream.indirect.gather [hbm4b:s4+s19], $0x80, s26, s19, $0xb8;
	[tilespmem:$0x1D000] =	vst v63  }
.LBB2_4:
0x41: {  	p0 =	seq.s32 s29, $0x0  }
0x42: {  	s31 =	simm.s32 @!p0 $0x4  }
0x43: {  	p1 =	seq.s32 @!p0 s29, $0x980;
	_ =	swait.ge @!p0 [sflag:s31], $0x4000  }
0x44: {  	s30 =	sand.u32 $0x1, s28;
	p1 =	por p0, !p1;
	[sflag:s31] =	ssyncset.done @!p0 $0x0  }
0x45: {  	s0 =	sadd.s32 @p1 s29, s15;
	[sflag:s31] =	ssyncadd.s32 @!p0 $0xFFFFC000;
	s31 =	sshll.u32 @p1 s30, $0xA  }
0x46: {  	[tilespmem:s31], [sflag:$0x5] =	stream.linear.gather @p1 [hbm4b:s0+s3], $0x400, $0x38;
	[tilespmem:$0x1D000] =	vst v63  }
0x47: {  	_ =	swait.ge @p1 [sflag:s17], $0x400  }
0x48: {  	[sflag:s17] =	ssyncset.done @p1 $0x0  }
0x49: {  	s0 =	sor.u32 @p1 $0x800, s31;
	s31 =	sadd.s32 @p1 s29, s14;
	[sflag:s17] =	ssyncadd.s32 @p1 $0xFFFFFC00  }
0x4a: {  	[tilespmem:s0], [sflag:$0x5] =	stream.linear.gather @p1 [hbm4b:s31+s3], $0x400, $0x38;
	[tilespmem:$0x1D000] =	vst v63  }
0x4b: {  	_ =	swait.ge @p1 [sflag:s17], $0x400  }
0x4c: {  	[sflag:s17] =	ssyncset.done @p1 $0x0  }
0x4d: {  	[sflag:s17] =	ssyncadd.s32 @p1 $0xFFFFFC00  }
0x4e: {  	_ =	swait.ge [sflag:s20], $0x4000  }
0x4f: {  	s31 =	sand.u32 $0x400, s26;
	[sflag:s20] =	ssyncset.done $0x0  }
0x50: {  	s0 =	sor.u32 $0x800, s31;
	[sflag:s20] =	ssyncadd.s32 $0xFFFFC000  }
0x51: {  	[spmem:s1] =	stream.indirect.scatter.add.f32 [tilespmem:s16], [sflag:$0x3], $0x80, s0, s19, $0xb8;
	[tilespmem:$0x1D000] =	vst v63  }
0x52: {  	s0 =	sor.u32 $0x80, s31  }
0x53: {  	[tilespmem:s21], [sflag:$0x2] =	stream.indirect.gather [hbm4b:s4+s19], $0x80, s0, s19, $0xb8;
	[tilespmem:$0x1D000] =	vst v63  }
0x54: {  	_ =	swait.ge [sflag:s22], $0x4000  }
0x55: {  	[sflag:s22] =	ssyncset.done $0x0  }
0x56: {  	s0 =	sor.u32 $0x880, s31;
	[sflag:s22] =	ssyncadd.s32 $0xFFFFC000  }
0x57: {  	[spmem:s1] =	stream.indirect.scatter.add.f32 [tilespmem:s21], [sflag:$0x4], $0x80, s0, s19, $0xb8;
	[tilespmem:$0x1D000] =	vst v63  }
0x58: {  	_ =	swait.ge [sflag:s23], $0x4000  }
0x59: {  	[sflag:s23] =	ssyncset.done $0x0  }
0x5a: {  	s0 =	sor.u32 $0x100, s31;
	[sflag:s23] =	ssyncadd.s32 $0xFFFFC000  }
0x5b: {  	[tilespmem:s16], [sflag:$0x1] =	stream.indirect.gather [hbm4b:s4+s19], $0x80, s0, s19, $0xb8;
	[tilespmem:$0x1D000] =	vst v63  }
0x5c: {  	_ =	swait.ge [sflag:s20], $0x4000  }
0x5d: {  	[sflag:s20] =	ssyncset.done $0x0  }
0x5e: {  	s0 =	sor.u32 $0x900, s31;
	[sflag:s20] =	ssyncadd.s32 $0xFFFFC000  }
0x5f: {  	[spmem:s1] =	stream.indirect.scatter.add.f32 [tilespmem:s16], [sflag:$0x3], $0x80, s0, s19, $0xb8;
	[tilespmem:$0x1D000] =	vst v63  }
0x60: {  	_ =	swait.ge [sflag:s24], $0x4000  }
0x61: {  	[sflag:s24] =	ssyncset.done $0x0  }
0x62: {  	s0 =	sor.u32 $0x180, s31;
	[sflag:s24] =	ssyncadd.s32 $0xFFFFC000  }
0x63: {  	[tilespmem:s21], [sflag:$0x2] =	stream.indirect.gather [hbm4b:s4+s19], $0x80, s0, s19, $0xb8;
	[tilespmem:$0x1D000] =	vst v63  }
0x64: {  	_ =	swait.ge [sflag:s22], $0x4000  }
0x65: {  	[sflag:s22] =	ssyncset.done $0x0  }
0x66: {  	s0 =	sor.u32 $0x980, s31;
	[sflag:s22] =	ssyncadd.s32 $0xFFFFC000  }
0x67: {  	[spmem:s1] =	stream.indirect.scatter.add.f32 [tilespmem:s21], [sflag:$0x4], $0x80, s0, s19, $0xb8;
	[tilespmem:$0x1D000] =	vst v63  }
0x68: {  	_ =	swait.ge [sflag:s23], $0x4000  }
0x69: {  	[sflag:s23] =	ssyncset.done $0x0  }
0x6a: {  	s0 =	sor.u32 $0x200, s31;
	[sflag:s23] =	ssyncadd.s32 $0xFFFFC000  }
0x6b: {  	[tilespmem:s16], [sflag:$0x1] =	stream.indirect.gather [hbm4b:s4+s19], $0x80, s0, s19, $0xb8;
	[tilespmem:$0x1D000] =	vst v63  }
0x6c: {  	_ =	swait.ge [sflag:s20], $0x4000  }
0x6d: {  	[sflag:s20] =	ssyncset.done $0x0  }
0x6e: {  	s0 =	sor.u32 $0xA00, s31;
	[sflag:s20] =	ssyncadd.s32 $0xFFFFC000  }
0x6f: {  	[spmem:s1] =	stream.indirect.scatter.add.f32 [tilespmem:s16], [sflag:$0x3], $0x80, s0, s19, $0xb8;
	[tilespmem:$0x1D000] =	vst v63  }
0x70: {  	_ =	swait.ge [sflag:s24], $0x4000  }
0x71: {  	[sflag:s24] =	ssyncset.done $0x0  }
0x72: {  	s0 =	sor.u32 $0x280, s31;
	[sflag:s24] =	ssyncadd.s32 $0xFFFFC000  }
0x73: {  	[tilespmem:s21], [sflag:$0x2] =	stream.indirect.gather [hbm4b:s4+s19], $0x80, s0, s19, $0xb8;
	[tilespmem:$0x1D000] =	vst v63  }
0x74: {  	_ =	swait.ge [sflag:s22], $0x4000  }
0x75: {  	[sflag:s22] =	ssyncset.done $0x0  }
0x76: {  	s0 =	sor.u32 $0xA80, s31;
	[sflag:s22] =	ssyncadd.s32 $0xFFFFC000  }
0x77: {  	[spmem:s1] =	stream.indirect.scatter.add.f32 [tilespmem:s21], [sflag:$0x4], $0x80, s0, s19, $0xb8;
	[tilespmem:$0x1D000] =	vst v63  }
0x78: {  	_ =	swait.ge [sflag:s23], $0x4000  }
0x79: {  	[sflag:s23] =	ssyncset.done $0x0  }
0x7a: {  	s0 =	sor.u32 $0x300, s31;
	[sflag:s23] =	ssyncadd.s32 $0xFFFFC000  }
0x7b: {  	[tilespmem:s16], [sflag:$0x1] =	stream.indirect.gather [hbm4b:s4+s19], $0x80, s0, s19, $0xb8;
	[tilespmem:$0x1D000] =	vst v63  }
0x7c: {  	_ =	swait.ge [sflag:s20], $0x4000  }
0x7d: {  	[sflag:s20] =	ssyncset.done $0x0  }
0x7e: {  	s0 =	sor.u32 $0xB00, s31;
	[sflag:s20] =	ssyncadd.s32 $0xFFFFC000  }
0x7f: {  	[spmem:s1] =	stream.indirect.scatter.add.f32 [tilespmem:s16], [sflag:$0x3], $0x80, s0, s19, $0xb8;
	[tilespmem:$0x1D000] =	vst v63  }
0x80: {  	_ =	swait.ge [sflag:s24], $0x4000  }
0x81: {  	[sflag:s24] =	ssyncset.done $0x0  }
0x82: {  	s0 =	sor.u32 $0x380, s31;
	[sflag:s24] =	ssyncadd.s32 $0xFFFFC000  }
0x83: {  	[tilespmem:s21], [sflag:$0x2] =	stream.indirect.gather [hbm4b:s4+s19], $0x80, s0, s19, $0xb8;
	[tilespmem:$0x1D000] =	vst v63  }
0x84: {  	_ =	swait.ge [sflag:s22], $0x4000  }
0x85: {  	[sflag:s22] =	ssyncset.done $0x0  }
0x86: {  	p0 =	por @!p0 $0x1, $0x1;
	s31 =	sor.u32 $0xB80, s31;
	[sflag:s22] =	ssyncadd.s32 $0xFFFFC000  }
0x87: {  	[spmem:s1] =	stream.indirect.scatter.add.f32 [tilespmem:s21], [sflag:$0x4], $0x80, s31, s19, $0xb8;
	[tilespmem:$0x1D000] =	vst v63  }
0x88: {  	p0 =	por @p1 $0x0, $0x0;
	_ =	swait.ge [sflag:s23], $0x4000  }
0x89: {  	s29 =	sadd.s32 $0x80, s29;
	s0 =	sshll.u32 @!p0 s30, $0xA;
	[sflag:s23] =	ssyncset.done $0x0  }
0x8a: {  	s30 =	simm.s32 @!p0 $0x80;
	s31 =	simm.s32 @!p0 $0x1000;
	[sflag:s23] =	ssyncadd.s32 $0xFFFFC000  }
0x8b: {  	[tilespmem:s31], [sflag:$0x1] =	stream.indirect.gather @!p0 [hbm4b:s4+s30], $0x80, s0, s30, $0xb8;
	[tilespmem:$0x1D000] =	vst v63  }
0x8c: {  	p0 =	sne.s32 s29, $0xA00  }
.Ltmp1:
0x8d: {  	_ = 	snop;
	(pc) =	sbr.rel @p0 .LBB2_4-.Ltmp1, $2  }
0x8e: {  	_ =	sdelay $0x2  }
0x8f: {  	s28 =	sadd.s32 $0x1, s28;
	s26 =	sadd.s32 $0x400, s26  }
0x90: {  	_ =	swait.ge [sflag:s24], $0x4000  }
0x91: {  	s0 =	sshll.u32 s2, $0x6;
	s25 =	sadd.s32 $0x1, s25;
	[sflag:s24] =	ssyncset.done $0x0  }
0x92: {  	s26 =	sshrl.u32 s5, $0x3;
	p0 =	sne.s32 s25, s13;
	[sflag:s24] =	ssyncadd.s32 $0xFFFFC000  }
.Ltmp2:
0x93: {  	s0 =	sor.u32 $0x1C05, s0;
	[bflag:$0x0] =	sbarrier.arrive $0xFFFF;
	(pc) =	sbr.rel @p0 .LBB2_1-.Ltmp2, $4  }
0x94: {  	[hbm:s12], [sflag:s0] =	dma.local [spmem:s26], $0x2800  }
0x95: {  	_ =	swait.ge [sflag:s17], $0x2800  }
0x96: {  	[sflag:s17] =	ssyncset.done $0x0  }
0x97: {  	[sflag:s17] =	ssyncadd.s32 $0xFFFFD800  }
0x98: {  	_ =	sfence.sel $0x180000  }
0x99: {  	[bflag:$0x0] =	sbarrier.arrive $0xFFFF  }
0x9a: {  	_ =	strace $0x90000047  }
0x9b: {  	[bflag:$0x2] =	sbarrier.arrive $0xFFFF  }
0x9c: {  	p0 =	sne.s32 s2, $0x0;
	s0 =	rddreg [dreg:$0x2]  }
0x9d: {  	s0 =	sadd.s32 @!p0 $0x100000, s0  }
0x9e: {  	[sflag:s0] =	ssyncadd.tile.s32 @!p0 $0x1;
	_ =	shalt  }
.Lfunc_end2:
_tile_overlayer_lowered:
.L_overlay_start_2:
0x9f: {  	(tag) =	ssettag $0x2  }
0xa0: {  	s0 =	rddreg [dreg:$0x0];
	s2 =	stileid.u32  }
0xa1: {  	s1 =	rddreg [dreg:$0x1];
	p0 =	sne.s32 s2, $0x0  }
0xa2: {  	s3 =	rddreg [dreg:$0x2];
	[bflag:$0x3] =	sbarrier.arrive $0xFFFF;
	s2 =	simm.s32 @!p0 $0x1C05  }
0xa3: {  	[timem:s3], [sflag:s2] =	dma.local @!p0 [hbm:s0], s1  }
0xa4: {  	s0 =	simm.s32 @!p0 $0x5  }
0xa5: {  	_ =	swait.ge @!p0 [sflag:s0], s1  }
0xa6: {  	s1 =	ssub.s32 @!p0 $0x0, s1;
	[sflag:s0] =	ssyncset.done @!p0 $0x0  }
0xa7: {  	[sflag:s0] =	ssyncadd.s32 @!p0 s1  }
0xa8: {  	[bflag:$0x3] =	sbarrier.arrive $0xFFFF  }
0xa9: {  	_ =	shalt  }

// kernel: kernel.15.cloned.1.call-start
scs
__scs_entry_jumppad:
0x0: {  	(pc) =	sbr.rel $0x88, $3  }
0x1: {  	(tag) =	ssettag $0x0;
	lr =	simm.s32 $0x1  }
0x2: {  	[smem:$0x3F93] =	sst lr;
	_ =	strace $0xD0000000  }
0x3: {  	_ = 	snop  }
0x4: {  	_ = 	snop  }
0x5: {  	_ = 	snop  }
0x6: {  	_ = 	snop  }
0x7: {  	_ = 	snop  }
__scs_overlays_trampoline_lowered:
0x8: {  	[smem:$0x3FA2] =	sst s0  }
0x9: {  	[smem:$0x3FA3] =	sst s1  }
0xa: {  	[smem:$0x3FA4] =	sst s2  }
0xb: {  	[smem:$0x3FA5] =	sst s3  }
0xc: {  	[smem:$0x3FA6] =	sst s4  }
0xd: {  	[smem:$0x3FA7] =	sst s5  }
0xe: {  	[smem:$0x3FA8] =	sst s6  }
0xf: {  	[smem:$0x3FA9] =	sst s7  }
0x10: {  	[smem:$0x3FAA] =	sst s8  }
0x11: {  	[smem:$0x3FAB] =	sst s9;
	s0 =	simm.s32 @!p0 $0x0  }
0x12: {  	s1 =	sld [smem:$0x3F91];
	s0 =	simm.s32 @p0 $0x1  }
0x13: {  	[smem:$0x3FAC] =	sst s0;
	s0 =	simm.s32 @!p1 $0x0  }
0x14: {  	s2 =	sld [smem:$0x3F90];
	s0 =	simm.s32 @p1 $0x1  }
0x15: {  	[smem:$0x3FAD] =	sst s0;
	s0 =	simm.s32 @!p2 $0x0  }
0x16: {  	s3 =	sld [smem:$0x3FDB];
	s0 =	simm.s32 @p2 $0x1  }
0x17: {  	s4 =	simm.s32 $0x1BF5;
	[smem:$0x3FAF] =	sst s0  }
0x18: {  	s0 =	sld [smem:$0x3F92];
	_ =	swait.ge [sflag:s4], $0x0  }
0x19: {  	s7 =	sld [smem:$0x3F93]  }
0x1a: {  	s8 =	sadd.s32 $0xFFFFE003, lr  }
0x1b: {  	s9 =	sadd.s32 $0xFFFFFEF7, lr;
	s5 =	simm.s32 $0xFFFFFFFF;
	p2 =	slt.u32 s8, $0xFFFFF086  }
0x1c: {  	p1 =	slt.u32 s9, $0xF7A;
	s5 =	simm.s32 @!p2 $0x0  }
0x1d: {  	s5 =	simm.s32 @p1 $0x1;
	p0 =	seq.s32 s7, s2  }
0x1e: {  	s7 =	smul.u32 @!p0 $0xF7A, s2;
	p2 =	seq.s32 @!p0 s5, $0x0  }
0x1f: {  	s9 =	smul.u32 $0xF7A, s1;
	s8 =	simm.s32 @!p0 $0x1BF5;
	p2 =	por !p2, p0  }
0x20: {  	[sflag:s8] =	ssyncset.s32 @!p0 $0xFFFFF086;
	s6 =	sadd.s32 @!p0 s3, s7;
	s7 =	simm.s32 @!p0 $0x108  }
0x21: {  	s3 =	sadd.s32 s3, s9;
	s6 =	sadd.s32 @!p0 $0x88, s6;
	s7 =	simm.s32 @p2 $0x1082  }
0x22: {  	[simem:s7], [sflag:s8] =	dma.local @!p0 [hbm:s6], $0xF7A  }
0x23: {  	s9 =	sor.u32 $0xD0000000, s2;
	s6 =	simm.s32 $0x108;
	_ =	swait.ge @!p0 [sflag:s8], $0x0  }
0x24: {  	s3 =	sadd.s32 $0x88, s3;
	s6 =	simm.s32 @!p1 $0x1082;
	[sflag:s4] =	ssyncset.s32 $0xFFFFF086  }
0x25: {  	[simem:s6], [sflag:s4] =	dma.local [hbm:s3], $0xF7A  }
0x26: {  	[smem:$0x3F93] =	sst s1;
	(tag) =	ssettag s2;
	_ =	strace s9  }
0x27: {  	s1 =	sld [smem:$0x3FA3]  }
0x28: {  	s2 =	sld [smem:$0x3FA4]  }
0x29: {  	s4 =	sld [smem:$0x3FA6]  }
0x2a: {  	p0 =	seq.s32 s5, $0x0;
	s5 =	sld [smem:$0x3FA7]  }
0x2b: {  	s6 =	sld [smem:$0x3FA8]  }
0x2c: {  	s7 =	sld [smem:$0x3FA9]  }
0x2d: {  	s3 =	simm.s32 $0x108;
	s8 =	sld [smem:$0x3FAA]  }
0x2e: {  	s3 =	simm.s32 @!p0 $0x1082;
	s9 =	sld [smem:$0x3FAB]  }
0x2f: {  	lr =	sadd.s32 s0, s3;
	s0 =	sld [smem:$0x3FA2]  }
0x30: {  	s3 =	sld [smem:$0x3FA5]  }
0x31: {  	[smem:$0x3FAE] =	sst s10  }
0x32: {  	s10 =	sld [smem:$0x3FAC];
	_ =	sdelay $0x3  }
0x33: {  	p0 =	seq.s32 s10, $0x1;
	s10 =	sld [smem:$0x3FAE];
	_ =	sdelay $0x3  }
0x34: {  	[smem:$0x3FAE] =	sst s10  }
0x35: {  	s10 =	sld [smem:$0x3FAD];
	_ =	sdelay $0x3  }
0x36: {  	p1 =	seq.s32 s10, $0x1;
	s10 =	sld [smem:$0x3FAE];
	_ =	sdelay $0x3  }
0x37: {  	[smem:$0x3FAE] =	sst s10  }
0x38: {  	s10 =	sld [smem:$0x3FAF]  }
0x39: {  	_ = 	snop;
	(pc) =	sbr.ind lr, $3  }
0x3a: {  	_ = 	snop  }
0x3b: {  	_ = 	snop  }
0x3c: {  	p2 =	seq.s32 s10, $0x1;
	s10 =	sld [smem:$0x3FAE]  }
0x3d: {  	_ =	shalt  }
0x3e: {  	_ =	shalt  }
0x3f: {  	_ =	shalt  }
0x40: {  	_ =	shalt  }
0x41: {  	_ =	shalt  }
0x42: {  	_ =	shalt  }
0x43: {  	_ =	shalt  }
0x44: {  	_ =	shalt  }
0x45: {  	_ =	shalt  }
0x46: {  	_ =	shalt  }
0x47: {  	_ =	shalt  }
0x48: {  	_ =	shalt  }
0x49: {  	_ =	shalt  }
0x4a: {  	_ =	shalt  }
0x4b: {  	_ =	shalt  }
0x4c: {  	_ =	shalt  }
0x4d: {  	_ =	shalt  }
0x4e: {  	_ =	shalt  }
0x4f: {  	_ =	shalt  }
0x50: {  	_ =	shalt  }
0x51: {  	_ =	shalt  }
0x52: {  	_ =	shalt  }
0x53: {  	_ =	shalt  }
0x54: {  	_ =	shalt  }
0x55: {  	_ =	shalt  }
0x56: {  	_ =	shalt  }
0x57: {  	_ =	shalt  }
0x58: {  	_ =	shalt  }
0x59: {  	_ =	shalt  }
0x5a: {  	_ =	shalt  }
0x5b: {  	_ =	shalt  }
0x5c: {  	_ =	shalt  }
0x5d: {  	_ =	shalt  }
0x5e: {  	_ =	shalt  }
0x5f: {  	_ =	shalt  }
0x60: {  	_ =	shalt  }
0x61: {  	_ =	shalt  }
0x62: {  	_ =	shalt  }
0x63: {  	_ =	shalt  }
0x64: {  	_ =	shalt  }
0x65: {  	_ =	shalt  }
0x66: {  	_ =	shalt  }
0x67: {  	_ =	shalt  }
0x68: {  	_ =	shalt  }
0x69: {  	_ =	shalt  }
0x6a: {  	_ =	shalt  }
0x6b: {  	_ =	shalt  }
0x6c: {  	_ =	shalt  }
0x6d: {  	_ =	shalt  }
0x6e: {  	_ =	shalt  }
0x6f: {  	_ =	shalt  }
0x70: {  	_ =	shalt  }
0x71: {  	_ =	shalt  }
0x72: {  	_ =	shalt  }
0x73: {  	_ =	shalt  }
0x74: {  	_ =	shalt  }
0x75: {  	_ =	shalt  }
0x76: {  	_ =	shalt  }
0x77: {  	_ =	shalt  }
0x78: {  	_ =	shalt  }
0x79: {  	_ =	shalt  }
0x7a: {  	_ =	shalt  }
0x7b: {  	_ =	shalt  }
0x7c: {  	_ =	shalt  }
0x7d: {  	_ =	shalt  }
0x7e: {  	_ =	shalt  }
0x7f: {  	_ =	shalt  }
0x80: {  	_ =	shalt  }
0x81: {  	_ =	shalt  }
0x82: {  	_ =	shalt  }
0x83: {  	_ =	shalt  }
0x84: {  	_ =	shalt  }
0x85: {  	_ =	shalt  }
0x86: {  	_ =	shalt  }
0x87: {  	_ =	shalt  }
.Lfunc_end0:
.L_simem_size_0:
called_computation.2_lowered:
.L_overlay_start_0:
0x88: {  	s2 =	sld [smem:$0x3FD9]  }
0x89: {  	s3 =	sld [smem:$0x3FFE];
	_ =	sdelay $0x1  }
0x8a: {  	s1 =	srdreg.scid  }
0x8b: {  	s0 =	sand.u32 $0x1, s1  }
0x8c: {  	s16 =	sshll.u32 s0, $0xA;
	s2 =	sadd.s32 s3, s2  }
0x8d: {  	s2 =	sadd.s32 s2, s16  }
0x8e: {  	[smem:$0x3FBA] =	sst s2  }
0x8f: {  	_ = 	snop  }
0x90: {  	(tm) =	ssettm $0x1  }
0x91: {  	s17 =	sld [smem:$0x3FFB];
	_ =	sdelay $0x3  }
0x92: {  	_ =	strace s17  }
0x93: {  	s2 =	sld [smem:$0x3FFC];
	_ =	sdelay $0x3  }
0x94: {  	_ =	strace s2  }
0x95: {  	s2 =	sld [smem:$0x3FFD];
	_ =	sdelay $0x3  }
0x96: {  	_ =	strace s2  }
0x97: {  	_ =	strace $0x8FFFFFFF  }
0x98: {  	s18 =	sld [smem:$0x3FDB];
	_ =	sdelay $0x1  }
0x99: {  	s19 =	simm.s32 $_scs_section_size  }
0x9a: {  	s4 =	simm.s32 $_size__tile_overlayer_lowered;
	s5 =	simm.s32 $_tile_overlayer_lowered  }
0x9b: {  	s22 =	simm.s32 $0x1BFF;
	s21 =	sshll.u32 s5, $0x1;
	s2 =	sadd.s32 s19, s18  }
0x9c: {  	s6 =	simm.s32 $0x0;
	s20 =	sshll.u32 s4, $0x1;
	s4 =	sadd.s32 s21, s2  }
0x9d: {  	[timem:s6], [sflag:s22] =	dma.local [hbm:s4], s20  }
0x9e: {  	_ =	swait.ge [sflag:s22], s20  }
0x9f: {  	s3 =	ssub.s32 $0x0, s20;
	[sflag:s22] =	ssyncset.done $0x0  }
0xa0: {  	[sflag:s22] =	ssyncadd.s32 s3;
	_ =	sdelay $0x1  }
0xa1: {  	s23 =	simm.s32 $0x1B8B  }
0xa2: {  	_ =	swait.ge [sflag:s23], $0x1  }
0xa3: {  	[sflag:s23] =	ssyncset.done $0x0  }
0xa4: {  	s25 =	simm.s32 $0x1B8E;
	s24 =	sld [smem:$0x3FFE];
	[sflag:s23] =	ssyncadd.s32 $0xFFFFFFFF  }
0xa5: {  	s26 =	simm.s32 $execute0_lowered;
	[smem:$0x3FD2] =	sst s25  }
0xa6: {  	s4 =	sshll.u32 s26, $0x1;
	_ =	strace $0x8000004C;
	[dreg:$0x1] =	wrdreg $0xFFFFFFFF  }
0xa7: {  	s28 =	simm.s32 $_size_execute0_lowered;
	s2 =	sadd.s32 s2, s4;
	[dreg:$0x0] =	wrdreg $0x0  }
0xa8: {  	s4 =	sshll.u32 s28, $0x1;
	[dreg:$0x2] =	wrdreg s2  }
0xa9: {  	[dreg:$0x3] =	wrdreg s4  }
0xaa: {  	[dreg:$0x4] =	wrdreg $0xC0  }
0xab: {  	_ =	task [dreg:s6], $0x5FFFF  }
0xac: {  	[dreg:$0x1] =	wrdreg $0xFFFFFFFF  }
0xad: {  	[dreg:$0x0] =	wrdreg $0x60  }
0xae: {  	[dreg:$0x2] =	wrdreg s24  }
0xaf: {  	[dreg:$0x3] =	wrdreg $0x90000  }
0xb0: {  	[dreg:$0x4] =	wrdreg $0x9  }
0xb1: {  	_ =	task.clear_ibuf [dreg:s6], $0x5FFFF;
	_ =	strace $0x9000004C  }
0xb2: {  	s29 =	simm.s32 $0x9;
	_ =	strace $0x8000004E  }
0xb3: {  	_ =	swait.ge [sflag:s29], $0x1  }
0xb4: {  	[sflag:s29] =	ssyncadd.s32 $0xFFFFFFFF  }
0xb5: {  	_ =	strace $0x9000004E  }
0xb6: {  	_ =	sfence  }
0xb7: {  	s30 =	sld [smem:$0x0];
	_ =	sdelay $0x2  }
0xb8: {  	s31 =	sshll.u32 s1, $0xD;
	s1 =	sshrl.u32 s1, $0x2  }
0xb9: {  	s3 =	sand.u32 $0x4000, s31;
	s1 =	sadd.s32 s1, s30  }
0xba: {  	s0 =	sor.u32 s3, s0;
	s1 =	sshll.u32 s1, $0x11  }
0xbb: {  	s0 =	sor.u32 s1, s0  }
0xbc: {  	s0 =	sadd.s32 $0x8F2B, s0  }
0xbd: {  	[sflag:s0] =	ssyncadd.remote.s32 $0x1  }
0xbe: {  	_ =	sfence.sel $0xFFFF  }
0xbf: {  	[dreg:$0x0] =	wrdreg $0xFFFFFFFF;
	(pc) =	sbr.abs _section_cstart, $3  }
0xc0: {  	[dreg:$0x1] =	wrdreg $0xFFFFFFFF  }
0xc1: {  	_ =	task.clear_ibuf [dreg:s6], $0x2FFFF;
	_ =	strace $0x9FFFFFFF  }
0xc2: {  	(tm) =	ssettm $0x7FFFFFFF  }
0xc3: {  	_ =	shalt  }
tec
execute0_lowered:
.L_overlay_start_1:
0x0: {  	(tag) =	ssettag $0x1  }
0x1: {  	s5 =	rddreg [dreg:$0x0]  }
0x2: {  	s1 =	rddreg [dreg:$0x1];
	s2 =	srdreg.scid  }
0x3: {  	s3 =	simm.s32 $0x0;
	s17 =	simm.s32 $0x5;
	s18 =	simm.s32 $0x800  }
0x4: {  	s19 =	simm.s32 $0x80;
	s20 =	simm.s32 $0x1;
	s6 =	sand.u32 $0x1, s2  }
0x5: {  	s21 =	simm.s32 $0x5000;
	s2 =	stileid.u32;
	s7 =	smul.u32 $0x140000, s6  }
0x6: {  	s22 =	simm.s32 $0x2;
	s23 =	simm.s32 $0x3;
	s8 =	smul.u32 $0x14000, s2  }
0x7: {  	s24 =	simm.s32 $0x4;
	s25 =	simm.s32 $0x0;
	s30 =	smul.u32 $0x50000, s2  }
0x8: {  	[smem:$0x7FF] =	sst s3;
	s4 =	sadd.s32 $0x3A00, s5;
	s10 =	smul.u32 $0x50000, s6  }
0x9: {  	s15 =	sadd.s32 $0x53A00, s5;
	s9 =	ssub.s32 $0x2, s6;
	s11 =	smul.u32 $0x5000, s2  }
0xa: {  	s14 =	sadd.s32 $0x67A00, s5;
	_ =	strace $0x8000004D;
	s31 =	sshrl.u32 s9, $0x1  }
0xb: {  	s7 =	sadd.s32 s8, s7;
	s8 =	sshrl.u32 s30, $0x2;
	s16 =	sadd.s32 s11, s10  }
0xc: {  	s13 =	ssub.s32 s9, s31;
	s7 =	sshrl.u32 s7, $0x3;
	s11 =	sshrl.u32 s16, $0x3  }
0xd: {  	s16 =	sor.u32 $0x400, s16;
	s13 =	smax.u32 s13, $0x1;
	s12 =	sadd.s32 s7, s5  }
0xe: {  	s5 =	sadd.s32 s8, s1;
	s10 =	sadd.s32 s15, s11;
	s11 =	sadd.s32 s14, s11  }
0xf: {  	s16 =	sshrl.u32 s16, $0x3;
	s6 =	sadd.s32 $0x4000, s5;
	s7 =	sadd.s32 $0x8000, s5  }
0x10: {  	s8 =	sadd.s32 $0xC000, s5;
	s9 =	sadd.s32 $0x10000, s5;
	s12 =	sadd.s32 $0x7BA00, s12  }
0x11: {  	v0 =	vimm.f32 $0.0e+00;
	s14 =	sadd.s32 s16, s14;
	s15 =	sadd.s32 s16, s15;
	s16 =	simm.s32 $0x1000  }
.LBB2_1:
0x12: {  	s26 =	simm.s32 $0x0;
	s28 =	simm.s32 $0x200  }
.LBB2_2:
0x13: {  	p0 =	sne.s32 s28, $0xFE00;
	[tilespmem:s26+$0x1070] =	vst v0  }
0x14: {  	[tilespmem:s26+$0x1000] =	vst v0  }
0x15: {  	[tilespmem:s26+$0x1010] =	vst v0  }
.Ltmp0:
0x16: {  	[tilespmem:s26+$0x1020] =	vst v0;
	(pc) =	sbr.rel @p0 .LBB2_2-.Ltmp0, $4  }
0x17: {  	[tilespmem:s26+$0x1030] =	vst v0  }
0x18: {  	[tilespmem:s26+$0x1040] =	vst v0  }
0x19: {  	[tilespmem:s26+$0x1050] =	vst v0  }
0x1a: {  	[tilespmem:s26+$0x1060] =	vst v0;
	s26 =	sshra.s32 s28, $0x2;
	s28 =	sadd.s32 $0x200, s28  }
0x1b: {  	[tilespmem:s26+$0x1070] =	vst v0  }
0x1c: {  	[tilespmem:s26+$0x1000] =	vst v0  }
0x1d: {  	[tilespmem:s26+$0x1010] =	vst v0  }
0x1e: {  	[tilespmem:s26+$0x1020] =	vst v0  }
0x1f: {  	[tilespmem:s26+$0x1030] =	vst v0  }
0x20: {  	[tilespmem:s26+$0x1040] =	vst v0  }
0x21: {  	[tilespmem:s26+$0x1050] =	vst v0  }
0x22: {  	[tilespmem:s26+$0x1060] =	vst v0  }
0x23: {  	[spmem:s5] =	stream.linear.scatter [tilespmem:s16], [sflag:$0x5], $0x4000, $0x38;
	[tilespmem:$0x1D000] =	vst v63  }
0x24: {  	_ =	swait.ge [sflag:s17], $0x4000  }
0x25: {  	[sflag:s17] =	ssyncset.done $0x0  }
0x26: {  	[sflag:s17] =	ssyncadd.s32 $0xFFFFC000  }
0x27: {  	[spmem:s6] =	stream.linear.scatter [tilespmem:s16], [sflag:$0x5], $0x4000, $0x38;
	[tilespmem:$0x1D000] =	vst v63  }
0x28: {  	_ =	swait.ge [sflag:s17], $0x4000  }
0x29: {  	[sflag:s17] =	ssyncset.done $0x0  }
0x2a: {  	[sflag:s17] =	ssyncadd.s32 $0xFFFFC000  }
0x2b: {  	[spmem:s7] =	stream.linear.scatter [tilespmem:s16], [sflag:$0x5], $0x4000, $0x38;
	[tilespmem:$0x1D000] =	vst v63  }
0x2c: {  	_ =	swait.ge [sflag:s17], $0x4000  }
0x2d: {  	[sflag:s17] =	ssyncset.done $0x0  }
0x2e: {  	[sflag:s17] =	ssyncadd.s32 $0xFFFFC000  }
0x2f: {  	[spmem:s8] =	stream.linear.scatter [tilespmem:s16], [sflag:$0x5], $0x4000, $0x38;
	[tilespmem:$0x1D000] =	vst v63  }
0x30: {  	_ =	swait.ge [sflag:s17], $0x4000  }
0x31: {  	[sflag:s17] =	ssyncset.done $0x0  }
0x32: {  	[sflag:s17] =	ssyncadd.s32 $0xFFFFC000  }
0x33: {  	[spmem:s9] =	stream.linear.scatter [tilespmem:s16], [sflag:$0x5], $0x4000, $0x38;
	[tilespmem:$0x1D000] =	vst v63  }
0x34: {  	_ =	swait.ge [sflag:s17], $0x4000  }
0x35: {  	[sflag:s17] =	ssyncset.done $0x0  }
0x36: {  	[sflag:s17] =	ssyncadd.s32 $0xFFFFC000  }
0x37: {  	s26 =	simm.s32 $0x0;
	[bflag:$0x0] =	sbarrier.arrive $0xFFFF  }
0x38: {  	[tilespmem:s26], [sflag:$0x5] =	stream.linear.gather [hbm4b:s10+s26], $0x400, $0x38;
	[tilespmem:$0x1D000] =	vst v63  }
0x39: {  	_ =	swait.ge [sflag:s17], $0x400  }
0x3a: {  	[sflag:s17] =	ssyncset.done $0x0  }
0x3b: {  	[sflag:s17] =	ssyncadd.s32 $0xFFFFFC00  }
0x3c: {  	[tilespmem:s18], [sflag:$0x5] =	stream.linear.gather [hbm4b:s11+s26], $0x400, $0x38;
	[tilespmem:$0x1D000] =	vst v63  }
0x3d: {  	_ =	swait.ge [sflag:s17], $0x400  }
0x3e: {  	[sflag:s17] =	ssyncset.done $0x0  }
0x3f: {  	s28 =	simm.s32 $0x1;
	s29 =	simm.s32 $0x0;
	[sflag:s17] =	ssyncadd.s32 $0xFFFFFC00  }
0x40: {  	[tilespmem:s16], [sflag:$0x1] =	stream.indirect.gather [hbm4b:s4+s19], $0x80, s26, s19, $0xb8;
	[tilespmem:$0x1D000] =	vst v63  }
.LBB2_4:
0x41: {  	p0 =	seq.s32 s29, $0x0  }
0x42: {  	s31 =	simm.s32 @!p0 $0x4  }
0x43: {  	p1 =	seq.s32 @!p0 s29, $0x980;
	_ =	swait.ge @!p0 [sflag:s31], $0x4000  }
0x44: {  	s30 =	sand.u32 $0x1, s28;
	p1 =	por p0, !p1;
	[sflag:s31] =	ssyncset.done @!p0 $0x0  }
0x45: {  	s0 =	sadd.s32 @p1 s29, s15;
	[sflag:s31] =	ssyncadd.s32 @!p0 $0xFFFFC000;
	s31 =	sshll.u32 @p1 s30, $0xA  }
0x46: {  	[tilespmem:s31], [sflag:$0x5] =	stream.linear.gather @p1 [hbm4b:s0+s3], $0x400, $0x38;
	[tilespmem:$0x1D000] =	vst v63  }
0x47: {  	_ =	swait.ge @p1 [sflag:s17], $0x400  }
0x48: {  	[sflag:s17] =	ssyncset.done @p1 $0x0  }
0x49: {  	s0 =	sor.u32 @p1 $0x800, s31;
	s31 =	sadd.s32 @p1 s29, s14;
	[sflag:s17] =	ssyncadd.s32 @p1 $0xFFFFFC00  }
0x4a: {  	[tilespmem:s0], [sflag:$0x5] =	stream.linear.gather @p1 [hbm4b:s31+s3], $0x400, $0x38;
	[tilespmem:$0x1D000] =	vst v63  }
0x4b: {  	_ =	swait.ge @p1 [sflag:s17], $0x400  }
0x4c: {  	[sflag:s17] =	ssyncset.done @p1 $0x0  }
0x4d: {  	[sflag:s17] =	ssyncadd.s32 @p1 $0xFFFFFC00  }
0x4e: {  	_ =	swait.ge [sflag:s20], $0x4000  }
0x4f: {  	s31 =	sand.u32 $0x400, s26;
	[sflag:s20] =	ssyncset.done $0x0  }
0x50: {  	s0 =	sor.u32 $0x800, s31;
	[sflag:s20] =	ssyncadd.s32 $0xFFFFC000  }
0x51: {  	[spmem:s1] =	stream.indirect.scatter.add.f32 [tilespmem:s16], [sflag:$0x3], $0x80, s0, s19, $0xb8;
	[tilespmem:$0x1D000] =	vst v63  }
0x52: {  	s0 =	sor.u32 $0x80, s31  }
0x53: {  	[tilespmem:s21], [sflag:$0x2] =	stream.indirect.gather [hbm4b:s4+s19], $0x80, s0, s19, $0xb8;
	[tilespmem:$0x1D000] =	vst v63  }
0x54: {  	_ =	swait.ge [sflag:s22], $0x4000  }
0x55: {  	[sflag:s22] =	ssyncset.done $0x0  }
0x56: {  	s0 =	sor.u32 $0x880, s31;
	[sflag:s22] =	ssyncadd.s32 $0xFFFFC000  }
0x57: {  	[spmem:s1] =	stream.indirect.scatter.add.f32 [tilespmem:s21], [sflag:$0x4], $0x80, s0, s19, $0xb8;
	[tilespmem:$0x1D000] =	vst v63  }
0x58: {  	_ =	swait.ge [sflag:s23], $0x4000  }
0x59: {  	[sflag:s23] =	ssyncset.done $0x0  }
0x5a: {  	s0 =	sor.u32 $0x100, s31;
	[sflag:s23] =	ssyncadd.s32 $0xFFFFC000  }
0x5b: {  	[tilespmem:s16], [sflag:$0x1] =	stream.indirect.gather [hbm4b:s4+s19], $0x80, s0, s19, $0xb8;
	[tilespmem:$0x1D000] =	vst v63  }
0x5c: {  	_ =	swait.ge [sflag:s20], $0x4000  }
0x5d: {  	[sflag:s20] =	ssyncset.done $0x0  }
0x5e: {  	s0 =	sor.u32 $0x900, s31;
	[sflag:s20] =	ssyncadd.s32 $0xFFFFC000  }
0x5f: {  	[spmem:s1] =	stream.indirect.scatter.add.f32 [tilespmem:s16], [sflag:$0x3], $0x80, s0, s19, $0xb8;
	[tilespmem:$0x1D000] =	vst v63  }
0x60: {  	_ =	swait.ge [sflag:s24], $0x4000  }
0x61: {  	[sflag:s24] =	ssyncset.done $0x0  }
0x62: {  	s0 =	sor.u32 $0x180, s31;
	[sflag:s24] =	ssyncadd.s32 $0xFFFFC000  }
0x63: {  	[tilespmem:s21], [sflag:$0x2] =	stream.indirect.gather [hbm4b:s4+s19], $0x80, s0, s19, $0xb8;
	[tilespmem:$0x1D000] =	vst v63  }
0x64: {  	_ =	swait.ge [sflag:s22], $0x4000  }
0x65: {  	[sflag:s22] =	ssyncset.done $0x0  }
0x66: {  	s0 =	sor.u32 $0x980, s31;
	[sflag:s22] =	ssyncadd.s32 $0xFFFFC000  }
0x67: {  	[spmem:s1] =	stream.indirect.scatter.add.f32 [tilespmem:s21], [sflag:$0x4], $0x80, s0, s19, $0xb8;
	[tilespmem:$0x1D000] =	vst v63  }
0x68: {  	_ =	swait.ge [sflag:s23], $0x4000  }
0x69: {  	[sflag:s23] =	ssyncset.done $0x0  }
0x6a: {  	s0 =	sor.u32 $0x200, s31;
	[sflag:s23] =	ssyncadd.s32 $0xFFFFC000  }
0x6b: {  	[tilespmem:s16], [sflag:$0x1] =	stream.indirect.gather [hbm4b:s4+s19], $0x80, s0, s19, $0xb8;
	[tilespmem:$0x1D000] =	vst v63  }
0x6c: {  	_ =	swait.ge [sflag:s20], $0x4000  }
0x6d: {  	[sflag:s20] =	ssyncset.done $0x0  }
0x6e: {  	s0 =	sor.u32 $0xA00, s31;
	[sflag:s20] =	ssyncadd.s32 $0xFFFFC000  }
0x6f: {  	[spmem:s1] =	stream.indirect.scatter.add.f32 [tilespmem:s16], [sflag:$0x3], $0x80, s0, s19, $0xb8;
	[tilespmem:$0x1D000] =	vst v63  }
0x70: {  	_ =	swait.ge [sflag:s24], $0x4000  }
0x71: {  	[sflag:s24] =	ssyncset.done $0x0  }
0x72: {  	s0 =	sor.u32 $0x280, s31;
	[sflag:s24] =	ssyncadd.s32 $0xFFFFC000  }
0x73: {  	[tilespmem:s21], [sflag:$0x2] =	stream.indirect.gather [hbm4b:s4+s19], $0x80, s0, s19, $0xb8;
	[tilespmem:$0x1D000] =	vst v63  }
0x74: {  	_ =	swait.ge [sflag:s22], $0x4000  }
0x75: {  	[sflag:s22] =	ssyncset.done $0x0  }
0x76: {  	s0 =	sor.u32 $0xA80, s31;
	[sflag:s22] =	ssyncadd.s32 $0xFFFFC000  }
0x77: {  	[spmem:s1] =	stream.indirect.scatter.add.f32 [tilespmem:s21], [sflag:$0x4], $0x80, s0, s19, $0xb8;
	[tilespmem:$0x1D000] =	vst v63  }
0x78: {  	_ =	swait.ge [sflag:s23], $0x4000  }
0x79: {  	[sflag:s23] =	ssyncset.done $0x0  }
0x7a: {  	s0 =	sor.u32 $0x300, s31;
	[sflag:s23] =	ssyncadd.s32 $0xFFFFC000  }
0x7b: {  	[tilespmem:s16], [sflag:$0x1] =	stream.indirect.gather [hbm4b:s4+s19], $0x80, s0, s19, $0xb8;
	[tilespmem:$0x1D000] =	vst v63  }
0x7c: {  	_ =	swait.ge [sflag:s20], $0x4000  }
0x7d: {  	[sflag:s20] =	ssyncset.done $0x0  }
0x7e: {  	s0 =	sor.u32 $0xB00, s31;
	[sflag:s20] =	ssyncadd.s32 $0xFFFFC000  }
0x7f: {  	[spmem:s1] =	stream.indirect.scatter.add.f32 [tilespmem:s16], [sflag:$0x3], $0x80, s0, s19, $0xb8;
	[tilespmem:$0x1D000] =	vst v63  }
0x80: {  	_ =	swait.ge [sflag:s24], $0x4000  }
0x81: {  	[sflag:s24] =	ssyncset.done $0x0  }
0x82: {  	s0 =	sor.u32 $0x380, s31;
	[sflag:s24] =	ssyncadd.s32 $0xFFFFC000  }
0x83: {  	[tilespmem:s21], [sflag:$0x2] =	stream.indirect.gather [hbm4b:s4+s19], $0x80, s0, s19, $0xb8;
	[tilespmem:$0x1D000] =	vst v63  }
0x84: {  	_ =	swait.ge [sflag:s22], $0x4000  }
0x85: {  	[sflag:s22] =	ssyncset.done $0x0  }
0x86: {  	p0 =	por @!p0 $0x1, $0x1;
	s31 =	sor.u32 $0xB80, s31;
	[sflag:s22] =	ssyncadd.s32 $0xFFFFC000  }
0x87: {  	[spmem:s1] =	stream.indirect.scatter.add.f32 [tilespmem:s21], [sflag:$0x4], $0x80, s31, s19, $0xb8;
	[tilespmem:$0x1D000] =	vst v63  }
0x88: {  	p0 =	por @p1 $0x0, $0x0;
	_ =	swait.ge [sflag:s23], $0x4000  }
0x89: {  	s29 =	sadd.s32 $0x80, s29;
	s0 =	sshll.u32 @!p0 s30, $0xA;
	[sflag:s23] =	ssyncset.done $0x0  }
0x8a: {  	s30 =	simm.s32 @!p0 $0x80;
	s31 =	simm.s32 @!p0 $0x1000;
	[sflag:s23] =	ssyncadd.s32 $0xFFFFC000  }
0x8b: {  	[tilespmem:s31], [sflag:$0x1] =	stream.indirect.gather @!p0 [hbm4b:s4+s30], $0x80, s0, s30, $0xb8;
	[tilespmem:$0x1D000] =	vst v63  }
0x8c: {  	p0 =	sne.s32 s29, $0xA00  }
.Ltmp1:
0x8d: {  	_ = 	snop;
	(pc) =	sbr.rel @p0 .LBB2_4-.Ltmp1, $2  }
0x8e: {  	_ =	sdelay $0x2  }
0x8f: {  	s28 =	sadd.s32 $0x1, s28;
	s26 =	sadd.s32 $0x400, s26  }
0x90: {  	_ =	swait.ge [sflag:s24], $0x4000  }
0x91: {  	s0 =	sshll.u32 s2, $0x6;
	s25 =	sadd.s32 $0x1, s25;
	[sflag:s24] =	ssyncset.done $0x0  }
0x92: {  	s26 =	sshrl.u32 s5, $0x3;
	p0 =	sne.s32 s25, s13;
	[sflag:s24] =	ssyncadd.s32 $0xFFFFC000  }
.Ltmp2:
0x93: {  	s0 =	sor.u32 $0x1C05, s0;
	[bflag:$0x0] =	sbarrier.arrive $0xFFFF;
	(pc) =	sbr.rel @p0 .LBB2_1-.Ltmp2, $4  }
0x94: {  	[hbm:s12], [sflag:s0] =	dma.local [spmem:s26], $0x2800  }
0x95: {  	_ =	swait.ge [sflag:s17], $0x2800  }
0x96: {  	[sflag:s17] =	ssyncset.done $0x0  }
0x97: {  	[sflag:s17] =	ssyncadd.s32 $0xFFFFD800  }
0x98: {  	_ =	sfence.sel $0x180000  }
0x99: {  	[bflag:$0x0] =	sbarrier.arrive $0xFFFF  }
0x9a: {  	_ =	strace $0x9000004D  }
0x9b: {  	[bflag:$0x2] =	sbarrier.arrive $0xFFFF  }
0x9c: {  	p0 =	sne.s32 s2, $0x0;
	s0 =	rddreg [dreg:$0x2]  }
0x9d: {  	s0 =	sadd.s32 @!p0 $0x100000, s0  }
0x9e: {  	[sflag:s0] =	ssyncadd.tile.s32 @!p0 $0x1;
	_ =	shalt  }
.Lfunc_end2:
_tile_overlayer_lowered:
.L_overlay_start_2:
0x9f: {  	(tag) =	ssettag $0x2  }
0xa0: {  	s0 =	rddreg [dreg:$0x0];
	s2 =	stileid.u32  }
0xa1: {  	s1 =	rddreg [dreg:$0x1];
	p0 =	sne.s32 s2, $0x0  }
0xa2: {  	s3 =	rddreg [dreg:$0x2];
	[bflag:$0x3] =	sbarrier.arrive $0xFFFF;
	s2 =	simm.s32 @!p0 $0x1C05  }
0xa3: {  	[timem:s3], [sflag:s2] =	dma.local @!p0 [hbm:s0], s1  }
0xa4: {  	s0 =	simm.s32 @!p0 $0x5  }
0xa5: {  	_ =	swait.ge @!p0 [sflag:s0], s1  }
0xa6: {  	s1 =	ssub.s32 @!p0 $0x0, s1;
	[sflag:s0] =	ssyncset.done @!p0 $0x0  }
0xa7: {  	[sflag:s0] =	ssyncadd.s32 @!p0 s1  }
0xa8: {  	[bflag:$0x3] =	sbarrier.arrive $0xFFFF  }
0xa9: {  	_ =	shalt  }

// kernel: kernel.9.cloned.1.call-start
scs
__scs_entry_jumppad:
0x0: {  	(pc) =	sbr.rel $0x88, $3  }
0x1: {  	(tag) =	ssettag $0x0;
	lr =	simm.s32 $0x1  }
0x2: {  	[smem:$0x3F93] =	sst lr;
	_ =	strace $0xD0000000  }
0x3: {  	_ = 	snop  }
0x4: {  	_ = 	snop  }
0x5: {  	_ = 	snop  }
0x6: {  	_ = 	snop  }
0x7: {  	_ = 	snop  }
__scs_overlays_trampoline_lowered:
0x8: {  	[smem:$0x3FA2] =	sst s0  }
0x9: {  	[smem:$0x3FA3] =	sst s1  }
0xa: {  	[smem:$0x3FA4] =	sst s2  }
0xb: {  	[smem:$0x3FA5] =	sst s3  }
0xc: {  	[smem:$0x3FA6] =	sst s4  }
0xd: {  	[smem:$0x3FA7] =	sst s5  }
0xe: {  	[smem:$0x3FA8] =	sst s6  }
0xf: {  	[smem:$0x3FA9] =	sst s7  }
0x10: {  	[smem:$0x3FAA] =	sst s8  }
0x11: {  	[smem:$0x3FAB] =	sst s9;
	s0 =	simm.s32 @!p0 $0x0  }
0x12: {  	s1 =	sld [smem:$0x3F91];
	s0 =	simm.s32 @p0 $0x1  }
0x13: {  	[smem:$0x3FAC] =	sst s0;
	s0 =	simm.s32 @!p1 $0x0  }
0x14: {  	s2 =	sld [smem:$0x3F90];
	s0 =	simm.s32 @p1 $0x1  }
0x15: {  	[smem:$0x3FAD] =	sst s0;
	s0 =	simm.s32 @!p2 $0x0  }
0x16: {  	s3 =	sld [smem:$0x3FDB];
	s0 =	simm.s32 @p2 $0x1  }
0x17: {  	s4 =	simm.s32 $0x1BF5;
	[smem:$0x3FAF] =	sst s0  }
0x18: {  	s0 =	sld [smem:$0x3F92];
	_ =	swait.ge [sflag:s4], $0x0  }
0x19: {  	s7 =	sld [smem:$0x3F93]  }
0x1a: {  	s8 =	sadd.s32 $0xFFFFE003, lr  }
0x1b: {  	s9 =	sadd.s32 $0xFFFFFEF7, lr;
	s5 =	simm.s32 $0xFFFFFFFF;
	p2 =	slt.u32 s8, $0xFFFFF086  }
0x1c: {  	p1 =	slt.u32 s9, $0xF7A;
	s5 =	simm.s32 @!p2 $0x0  }
0x1d: {  	s5 =	simm.s32 @p1 $0x1;
	p0 =	seq.s32 s7, s2  }
0x1e: {  	s7 =	smul.u32 @!p0 $0xF7A, s2;
	p2 =	seq.s32 @!p0 s5, $0x0  }
0x1f: {  	s9 =	smul.u32 $0xF7A, s1;
	s8 =	simm.s32 @!p0 $0x1BF5;
	p2 =	por !p2, p0  }
0x20: {  	[sflag:s8] =	ssyncset.s32 @!p0 $0xFFFFF086;
	s6 =	sadd.s32 @!p0 s3, s7;
	s7 =	simm.s32 @!p0 $0x108  }
0x21: {  	s3 =	sadd.s32 s3, s9;
	s6 =	sadd.s32 @!p0 $0x88, s6;
	s7 =	simm.s32 @p2 $0x1082  }
0x22: {  	[simem:s7], [sflag:s8] =	dma.local @!p0 [hbm:s6], $0xF7A  }
0x23: {  	s9 =	sor.u32 $0xD0000000, s2;
	s6 =	simm.s32 $0x108;
	_ =	swait.ge @!p0 [sflag:s8], $0x0  }
0x24: {  	s3 =	sadd.s32 $0x88, s3;
	s6 =	simm.s32 @!p1 $0x1082;
	[sflag:s4] =	ssyncset.s32 $0xFFFFF086  }
0x25: {  	[simem:s6], [sflag:s4] =	dma.local [hbm:s3], $0xF7A  }
0x26: {  	[smem:$0x3F93] =	sst s1;
	(tag) =	ssettag s2;
	_ =	strace s9  }
0x27: {  	s1 =	sld [smem:$0x3FA3]  }
0x28: {  	s2 =	sld [smem:$0x3FA4]  }
0x29: {  	s4 =	sld [smem:$0x3FA6]  }
0x2a: {  	p0 =	seq.s32 s5, $0x0;
	s5 =	sld [smem:$0x3FA7]  }
0x2b: {  	s6 =	sld [smem:$0x3FA8]  }
0x2c: {  	s7 =	sld [smem:$0x3FA9]  }
0x2d: {  	s3 =	simm.s32 $0x108;
	s8 =	sld [smem:$0x3FAA]  }
0x2e: {  	s3 =	simm.s32 @!p0 $0x1082;
	s9 =	sld [smem:$0x3FAB]  }
0x2f: {  	lr =	sadd.s32 s0, s3;
	s0 =	sld [smem:$0x3FA2]  }
0x30: {  	s3 =	sld [smem:$0x3FA5]  }
0x31: {  	[smem:$0x3FAE] =	sst s10  }
0x32: {  	s10 =	sld [smem:$0x3FAC];
	_ =	sdelay $0x3  }
0x33: {  	p0 =	seq.s32 s10, $0x1;
	s10 =	sld [smem:$0x3FAE];
	_ =	sdelay $0x3  }
0x34: {  	[smem:$0x3FAE] =	sst s10  }
0x35: {  	s10 =	sld [smem:$0x3FAD];
	_ =	sdelay $0x3  }
0x36: {  	p1 =	seq.s32 s10, $0x1;
	s10 =	sld [smem:$0x3FAE];
	_ =	sdelay $0x3  }
0x37: {  	[smem:$0x3FAE] =	sst s10  }
0x38: {  	s10 =	sld [smem:$0x3FAF]  }
0x39: {  	_ = 	snop;
	(pc) =	sbr.ind lr, $3  }
0x3a: {  	_ = 	snop  }
0x3b: {  	_ = 	snop  }
0x3c: {  	p2 =	seq.s32 s10, $0x1;
	s10 =	sld [smem:$0x3FAE]  }
0x3d: {  	_ =	shalt  }
0x3e: {  	_ =	shalt  }
0x3f: {  	_ =	shalt  }
0x40: {  	_ =	shalt  }
0x41: {  	_ =	shalt  }
0x42: {  	_ =	shalt  }
0x43: {  	_ =	shalt  }
0x44: {  	_ =	shalt  }
0x45: {  	_ =	shalt  }
0x46: {  	_ =	shalt  }
0x47: {  	_ =	shalt  }
0x48: {  	_ =	shalt  }
0x49: {  	_ =	shalt  }
0x4a: {  	_ =	shalt  }
0x4b: {  	_ =	shalt  }
0x4c: {  	_ =	shalt  }
0x4d: {  	_ =	shalt  }
0x4e: {  	_ =	shalt  }
0x4f: {  	_ =	shalt  }
0x50: {  	_ =	shalt  }
0x51: {  	_ =	shalt  }
0x52: {  	_ =	shalt  }
0x53: {  	_ =	shalt  }
0x54: {  	_ =	shalt  }
0x55: {  	_ =	shalt  }
0x56: {  	_ =	shalt  }
0x57: {  	_ =	shalt  }
0x58: {  	_ =	shalt  }
0x59: {  	_ =	shalt  }
0x5a: {  	_ =	shalt  }
0x5b: {  	_ =	shalt  }
0x5c: {  	_ =	shalt  }
0x5d: {  	_ =	shalt  }
0x5e: {  	_ =	shalt  }
0x5f: {  	_ =	shalt  }
0x60: {  	_ =	shalt  }
0x61: {  	_ =	shalt  }
0x62: {  	_ =	shalt  }
0x63: {  	_ =	shalt  }
0x64: {  	_ =	shalt  }
0x65: {  	_ =	shalt  }
0x66: {  	_ =	shalt  }
0x67: {  	_ =	shalt  }
0x68: {  	_ =	shalt  }
0x69: {  	_ =	shalt  }
0x6a: {  	_ =	shalt  }
0x6b: {  	_ =	shalt  }
0x6c: {  	_ =	shalt  }
0x6d: {  	_ =	shalt  }
0x6e: {  	_ =	shalt  }
0x6f: {  	_ =	shalt  }
0x70: {  	_ =	shalt  }
0x71: {  	_ =	shalt  }
0x72: {  	_ =	shalt  }
0x73: {  	_ =	shalt  }
0x74: {  	_ =	shalt  }
0x75: {  	_ =	shalt  }
0x76: {  	_ =	shalt  }
0x77: {  	_ =	shalt  }
0x78: {  	_ =	shalt  }
0x79: {  	_ =	shalt  }
0x7a: {  	_ =	shalt  }
0x7b: {  	_ =	shalt  }
0x7c: {  	_ =	shalt  }
0x7d: {  	_ =	shalt  }
0x7e: {  	_ =	shalt  }
0x7f: {  	_ =	shalt  }
0x80: {  	_ =	shalt  }
0x81: {  	_ =	shalt  }
0x82: {  	_ =	shalt  }
0x83: {  	_ =	shalt  }
0x84: {  	_ =	shalt  }
0x85: {  	_ =	shalt  }
0x86: {  	_ =	shalt  }
0x87: {  	_ =	shalt  }
.Lfunc_end0:
.L_simem_size_0:
called_computation_lowered:
.L_overlay_start_0:
0x88: {  	s2 =	sld [smem:$0x3FD9]  }
0x89: {  	s3 =	sld [smem:$0x3FFE];
	_ =	sdelay $0x1  }
0x8a: {  	s1 =	srdreg.scid  }
0x8b: {  	s0 =	sand.u32 $0x1, s1  }
0x8c: {  	s17 =	sshll.u32 s0, $0xA;
	s2 =	sadd.s32 s3, s2  }
0x8d: {  	s2 =	sadd.s32 s2, s17  }
0x8e: {  	[smem:$0x3FBA] =	sst s2  }
0x8f: {  	_ = 	snop  }
0x90: {  	(tm) =	ssettm $0x1  }
0x91: {  	s18 =	sld [smem:$0x3FFB];
	_ =	sdelay $0x3  }
0x92: {  	_ =	strace s18  }
0x93: {  	s2 =	sld [smem:$0x3FFC];
	_ =	sdelay $0x3  }
0x94: {  	_ =	strace s2  }
0x95: {  	s2 =	sld [smem:$0x3FFD];
	_ =	sdelay $0x3  }
0x96: {  	_ =	strace s2  }
0x97: {  	_ =	strace $0x8FFFFFFF  }
0x98: {  	s19 =	sld [smem:$0x3FDB];
	_ =	sdelay $0x1  }
0x99: {  	s20 =	simm.s32 $_scs_section_size  }
0x9a: {  	s4 =	simm.s32 $_size__tile_overlayer_lowered;
	s5 =	simm.s32 $_tile_overlayer_lowered  }
0x9b: {  	s6 =	simm.s32 $0x1BFF;
	s21 =	sshll.u32 s5, $0x1;
	s3 =	sadd.s32 s20, s19  }
0x9c: {  	s22 =	simm.s32 $0x0;
	s4 =	sshll.u32 s4, $0x1;
	s5 =	sadd.s32 s21, s3  }
0x9d: {  	[timem:s22], [sflag:s6] =	dma.local [hbm:s5], s4  }
0x9e: {  	_ =	swait.ge [sflag:s6], s4  }
0x9f: {  	s4 =	ssub.s32 $0x0, s4;
	[sflag:s6] =	ssyncset.done $0x0  }
0xa0: {  	[sflag:s6] =	ssyncadd.s32 s4;
	_ =	sdelay $0x1  }
0xa1: {  	s23 =	simm.s32 $0x1B8B  }
0xa2: {  	_ =	swait.ge [sflag:s23], $0x1  }
0xa3: {  	[sflag:s23] =	ssyncset.done $0x0  }
0xa4: {  	[sflag:s23] =	ssyncadd.s32 $0xFFFFFFFF  }
0xa5: {  	s4 =	sld [smem:$0x0]  }
0xa6: {  	s5 =	sand.u32 $0xFFFFFFFE, s1  }
0xa7: {  	p0 =	sne.s32 s1, s5  }
0xa8: {  	s5 =	sshll.u32 @p0 s5, $0xE  }
0xa9: {  	s5 =	sadd.s32 @p0 $0x11B8D, s5;
	s6 =	sshll.u32 @p0 s4, $0x11  }
0xaa: {  	s5 =	sor.u32 @p0 s6, s5  }
0xab: {  	[sflag:s5] =	ssyncadd.remote.s32 @p0 $0x1;
	_ =	sdelay $0x1  }
0xac: {  	s5 =	simm.s32 @p0 $0x1B8D  }
0xad: {  	_ =	swait.eq @p0 [sflag:s5], $0x1  }
0xae: {  	[sflag:s5] =	ssyncadd.s32 @p0 $0xFFFFFFFF  }
0xaf: {  	s6 =	sshll.u32 @!p0 s1, $0xE  }
0xb0: {  	s6 =	sor.u32 @!p0 $0x4000, s6;
	s5 =	simm.s32 @!p0 $0x1B8D  }
0xb1: {  	s4 =	sshll.u32 @!p0 s4, $0x11;
	s6 =	sadd.s32 @!p0 $0x11B8D, s6;
	_ =	swait.eq @!p0 [sflag:s5], $0x1  }
0xb2: {  	s4 =	sor.u32 @!p0 s4, s6;
	[sflag:s5] =	ssyncadd.s32 @!p0 $0xFFFFFFFF  }
0xb3: {  	s25 =	simm.s32 $0x1B8E;
	s24 =	sld [smem:$0x3FFE];
	[sflag:s4] =	ssyncadd.remote.s32 @!p0 $0x1  }
0xb4: {  	s26 =	simm.s32 $execute0_lowered;
	[smem:$0x3FD2] =	sst s25  }
0xb5: {  	s5 =	sshll.u32 s26, $0x1;
	_ =	strace $0x80000049;
	[dreg:$0x1] =	wrdreg $0xFFFFFFFF  }
0xb6: {  	s28 =	simm.s32 $_size_execute0_lowered;
	s3 =	sadd.s32 s3, s5;
	[dreg:$0x0] =	wrdreg $0x0  }
0xb7: {  	s5 =	sshll.u32 s28, $0x1;
	[dreg:$0x2] =	wrdreg s3  }
0xb8: {  	[dreg:$0x3] =	wrdreg s5  }
0xb9: {  	[dreg:$0x4] =	wrdreg $0xC0  }
0xba: {  	_ =	task [dreg:s22], $0x5FFFF  }
0xbb: {  	[dreg:$0x1] =	wrdreg $0xFFFFFFFF  }
0xbc: {  	[dreg:$0x0] =	wrdreg $0x60  }
0xbd: {  	[dreg:$0x2] =	wrdreg s24  }
0xbe: {  	[dreg:$0x3] =	wrdreg $0x88000  }
0xbf: {  	[dreg:$0x4] =	wrdreg $0x9  }
0xc0: {  	_ =	task.clear_ibuf [dreg:s22], $0x5FFFF;
	_ =	strace $0x90000049  }
0xc1: {  	s29 =	simm.s32 $0x9;
	_ =	strace $0x8000004B  }
0xc2: {  	_ =	swait.ge [sflag:s29], $0x1  }
0xc3: {  	[sflag:s29] =	ssyncadd.s32 $0xFFFFFFFF  }
0xc4: {  	_ =	strace $0x9000004B  }
0xc5: {  	_ =	sfence  }
0xc6: {  	s30 =	sld [smem:$0x0];
	_ =	sdelay $0x2  }
0xc7: {  	s31 =	sshll.u32 s1, $0xD;
	s1 =	sshrl.u32 s1, $0x2  }
0xc8: {  	s4 =	sand.u32 $0x4000, s31;
	s1 =	sadd.s32 s1, s30  }
0xc9: {  	s0 =	sor.u32 s4, s0;
	s1 =	sshll.u32 s1, $0x11  }
0xca: {  	s0 =	sor.u32 s1, s0  }
0xcb: {  	s0 =	sadd.s32 $0x8F2B, s0  }
0xcc: {  	[sflag:s0] =	ssyncadd.remote.s32 $0x1  }
0xcd: {  	_ =	sfence.sel $0xFFFF  }
0xce: {  	[dreg:$0x0] =	wrdreg $0xFFFFFFFF;
	(pc) =	sbr.abs _section_cstart, $3  }
0xcf: {  	[dreg:$0x1] =	wrdreg $0xFFFFFFFF  }
0xd0: {  	_ =	task.clear_ibuf [dreg:s22], $0x2FFFF;
	_ =	strace $0x9FFFFFFF  }
0xd1: {  	(tm) =	ssettm $0x7FFFFFFF  }
tec
execute0_lowered:
.L_overlay_start_1:
0x0: {  	(tag) =	ssettag $0x1  }
0x1: {  	s5 =	rddreg [dreg:$0x0]  }
0x2: {  	s2 =	rddreg [dreg:$0x1]  }
0x3: {  	s0 =	srdreg.scid;
	s1 =	rddreg [dreg:$0x2];
	s3 =	simm.s32 $0x0  }
0x4: {  	s12 =	simm.s32 $0x800;
	s13 =	simm.s32 $0x2;
	s14 =	simm.s32 $0x80  }
0x5: {  	s15 =	simm.s32 $0x4800;
	s16 =	simm.s32 $0x100;
	s4 =	sand.u32 $0x1, s0  }
0x6: {  	s17 =	simm.s32 $0x180;
	s0 =	stileid.u32;
	s6 =	smul.u32 $0x50000, s4  }
0x7: {  	s18 =	simm.s32 $0x200;
	s19 =	simm.s32 $0x280;
	s7 =	smul.u32 $0x5000, s0  }
0x8: {  	s20 =	simm.s32 $0x300;
	s21 =	simm.s32 $0x380;
	s8 =	smul.u32 $0x140000, s4  }
0x9: {  	s22 =	simm.s32 $0x1;
	s23 =	simm.s32 $0x0;
	s25 =	smul.u32 $0x14000, s0  }
0xa: {  	[smem:$0x7FF] =	sst s3;
	s9 =	smul.u32 $0x50000, s0;
	s28 =	ssub.s32 $0x2, s4  }
0xb: {  	_ =	strace $0x8000004A;
	s30 =	sshrl.u32 s28, $0x1;
	s6 =	sadd.s32 s7, s6  }
0xc: {  	s26 =	sadd.s32 s25, s8;
	s29 =	sshrl.u32 s9, $0x2;
	s10 =	ssub.s32 s28, s30  }
0xd: {  	s6 =	sshrl.u32 s6, $0x3;
	s4 =	sadd.s32 s29, s2;
	s10 =	smax.u32 s10, $0x1  }
0xe: {  	s11 =	sadd.s32 s6, s5;
	s6 =	sshrl.u32 s26, $0x3;
	s7 =	sadd.s32 $0xC000, s4  }
0xf: {  	s8 =	sadd.s32 $0x10000, s4;
	s31 =	sadd.s32 s6, s5;
	s5 =	sadd.s32 $0x4000, s4  }
0x10: {  	v0 =	vimm.f32 $0.0e+00;
	v1 =	vimm.f32 $1.000000000e+00;
	s6 =	sadd.s32 $0x8000, s4;
	s11 =	sadd.s32 $0x67A00, s11;
	s9 =	sadd.s32 $0xCBA00, s31  }
.LBB2_1:
0x11: {  	s24 =	simm.s32 $0x0;
	s25 =	simm.s32 $0x200  }
.LBB2_2:
0x12: {  	p0 =	sne.s32 s25, $0xFE00;
	[tilespmem:s24+$0x870] =	vst v0  }
0x13: {  	[tilespmem:s24+$0x800] =	vst v0  }
0x14: {  	[tilespmem:s24+$0x810] =	vst v0  }
.Ltmp0:
0x15: {  	[tilespmem:s24+$0x820] =	vst v0;
	(pc) =	sbr.rel @p0 .LBB2_2-.Ltmp0, $4  }
0x16: {  	[tilespmem:s24+$0x830] =	vst v0  }
0x17: {  	[tilespmem:s24+$0x840] =	vst v0  }
0x18: {  	[tilespmem:s24+$0x850] =	vst v0  }
0x19: {  	[tilespmem:s24+$0x860] =	vst v0;
	s24 =	sshra.s32 s25, $0x2;
	s25 =	sadd.s32 $0x200, s25  }
0x1a: {  	[tilespmem:s24+$0x870] =	vst v0  }
0x1b: {  	[tilespmem:s24+$0x800] =	vst v0  }
0x1c: {  	[tilespmem:s24+$0x810] =	vst v0  }
0x1d: {  	[tilespmem:s24+$0x820] =	vst v0  }
0x1e: {  	[tilespmem:s24+$0x830] =	vst v0  }
0x1f: {  	[tilespmem:s24+$0x840] =	vst v0  }
0x20: {  	[tilespmem:s24+$0x850] =	vst v0  }
0x21: {  	[tilespmem:s24+$0x860] =	vst v0  }
0x22: {  	[spmem:s4] =	stream.linear.scatter [tilespmem:s12], [sflag:$0x2], $0x4000, $0x38;
	[tilespmem:$0x1C800] =	vst v63  }
0x23: {  	_ =	swait.ge [sflag:s13], $0x4000  }
0x24: {  	[sflag:s13] =	ssyncset.done $0x0  }
0x25: {  	[sflag:s13] =	ssyncadd.s32 $0xFFFFC000  }
0x26: {  	[spmem:s5] =	stream.linear.scatter [tilespmem:s12], [sflag:$0x2], $0x4000, $0x38;
	[tilespmem:$0x1C800] =	vst v63  }
0x27: {  	_ =	swait.ge [sflag:s13], $0x4000  }
0x28: {  	[sflag:s13] =	ssyncset.done $0x0  }
0x29: {  	[sflag:s13] =	ssyncadd.s32 $0xFFFFC000  }
0x2a: {  	[spmem:s6] =	stream.linear.scatter [tilespmem:s12], [sflag:$0x2], $0x4000, $0x38;
	[tilespmem:$0x1C800] =	vst v63  }
0x2b: {  	_ =	swait.ge [sflag:s13], $0x4000  }
0x2c: {  	[sflag:s13] =	ssyncset.done $0x0  }
0x2d: {  	[sflag:s13] =	ssyncadd.s32 $0xFFFFC000  }
0x2e: {  	[spmem:s7] =	stream.linear.scatter [tilespmem:s12], [sflag:$0x2], $0x4000, $0x38;
	[tilespmem:$0x1C800] =	vst v63  }
0x2f: {  	_ =	swait.ge [sflag:s13], $0x4000  }
0x30: {  	[sflag:s13] =	ssyncset.done $0x0  }
0x31: {  	[sflag:s13] =	ssyncadd.s32 $0xFFFFC000  }
0x32: {  	[spmem:s8] =	stream.linear.scatter [tilespmem:s12], [sflag:$0x2], $0x4000, $0x38;
	[tilespmem:$0x1C800] =	vst v63  }
0x33: {  	_ =	swait.ge [sflag:s13], $0x4000  }
0x34: {  	[sflag:s13] =	ssyncset.done $0x0  }
0x35: {  	s24 =	simm.s32 $0x0;
	s25 =	simm.s32 $0x200;
	[sflag:s13] =	ssyncadd.s32 $0xFFFFC000  }
.LBB2_4:
0x36: {  	p0 =	sne.s32 s25, $0xFE00;
	[tilespmem:s24+$0x4870] =	vst v1  }
0x37: {  	[tilespmem:s24+$0x4800] =	vst v1  }
0x38: {  	[tilespmem:s24+$0x4810] =	vst v1  }
.Ltmp1:
0x39: {  	[tilespmem:s24+$0x4820] =	vst v1;
	(pc) =	sbr.rel @p0 .LBB2_4-.Ltmp1, $4  }
0x3a: {  	[tilespmem:s24+$0x4830] =	vst v1  }
0x3b: {  	[tilespmem:s24+$0x4840] =	vst v1  }
0x3c: {  	[tilespmem:s24+$0x4850] =	vst v1  }
0x3d: {  	[tilespmem:s24+$0x4860] =	vst v1;
	s24 =	sshra.s32 s25, $0x2;
	s25 =	sadd.s32 $0x200, s25  }
0x3e: {  	[tilespmem:s24+$0x4870] =	vst v1  }
0x3f: {  	[tilespmem:s24+$0x4800] =	vst v1  }
0x40: {  	[tilespmem:s24+$0x4810] =	vst v1  }
0x41: {  	[tilespmem:s24+$0x4820] =	vst v1  }
0x42: {  	[tilespmem:s24+$0x4830] =	vst v1  }
0x43: {  	[tilespmem:s24+$0x4840] =	vst v1  }
0x44: {  	[tilespmem:s24+$0x4850] =	vst v1  }
0x45: {  	[tilespmem:s24+$0x4860] =	vst v1  }
0x46: {  	s31 =	sadd.s32 $0x0, s11;
	[bflag:$0x0] =	sbarrier.arrive $0xFFFF  }
0x47: {  	[tilespmem:s3], [sflag:$0x2] =	stream.linear.gather [hbm4b:s31+s3], $0x400, $0x38;
	[tilespmem:$0x1C800] =	vst v63  }
0x48: {  	_ =	swait.ge [sflag:s13], $0x400  }
0x49: {  	[sflag:s13] =	ssyncset.done $0x0  }
0x4a: {  	[sflag:s13] =	ssyncadd.s32 $0xFFFFFC00  }
0x4b: {  	[spmem:s2] =	stream.indirect.scatter.add.f32 [tilespmem:s15], [sflag:$0x1], $0x80, s3, s14, $0xb8;
	[tilespmem:$0x1C800] =	vst v63  }
0x4c: {  	_ = 	snop  }
0x4d: {  	[spmem:s2] =	stream.indirect.scatter.add.f32 [tilespmem:s15], [sflag:$0x1], $0x80, s14, s14, $0xb8;
	[tilespmem:$0x1C800] =	vst v63  }
0x4e: {  	_ = 	snop  }
0x4f: {  	[spmem:s2] =	stream.indirect.scatter.add.f32 [tilespmem:s15], [sflag:$0x1], $0x80, s16, s14, $0xb8;
	[tilespmem:$0x1C800] =	vst v63  }
0x50: {  	_ = 	snop  }
0x51: {  	[spmem:s2] =	stream.indirect.scatter.add.f32 [tilespmem:s15], [sflag:$0x1], $0x80, s17, s14, $0xb8;
	[tilespmem:$0x1C800] =	vst v63  }
0x52: {  	_ = 	snop  }
0x53: {  	[spmem:s2] =	stream.indirect.scatter.add.f32 [tilespmem:s15], [sflag:$0x1], $0x80, s18, s14, $0xb8;
	[tilespmem:$0x1C800] =	vst v63  }
0x54: {  	_ = 	snop  }
0x55: {  	[spmem:s2] =	stream.indirect.scatter.add.f32 [tilespmem:s15], [sflag:$0x1], $0x80, s19, s14, $0xb8;
	[tilespmem:$0x1C800] =	vst v63  }
0x56: {  	_ = 	snop  }
0x57: {  	[spmem:s2] =	stream.indirect.scatter.add.f32 [tilespmem:s15], [sflag:$0x1], $0x80, s20, s14, $0xb8;
	[tilespmem:$0x1C800] =	vst v63  }
0x58: {  	_ = 	snop  }
0x59: {  	[spmem:s2] =	stream.indirect.scatter.add.f32 [tilespmem:s15], [sflag:$0x1], $0x80, s21, s14, $0xb8;
	[tilespmem:$0x1C800] =	vst v63  }
0x5a: {  	_ =	swait.ge [sflag:s22], $0x4000  }
0x5b: {  	[sflag:s22] =	ssyncset.done $0x0  }
0x5c: {  	[sflag:s22] =	ssyncadd.s32 $0xFFFFC000  }
0x5d: {  	_ =	swait.ge [sflag:s22], $0x4000  }
0x5e: {  	[sflag:s22] =	ssyncset.done $0x0  }
0x5f: {  	[sflag:s22] =	ssyncadd.s32 $0xFFFFC000  }
0x60: {  	_ =	swait.ge [sflag:s22], $0x4000  }
0x61: {  	[sflag:s22] =	ssyncset.done $0x0  }
0x62: {  	[sflag:s22] =	ssyncadd.s32 $0xFFFFC000  }
0x63: {  	_ =	swait.ge [sflag:s22], $0x4000  }
0x64: {  	[sflag:s22] =	ssyncset.done $0x0  }
0x65: {  	[sflag:s22] =	ssyncadd.s32 $0xFFFFC000  }
0x66: {  	_ =	swait.ge [sflag:s22], $0x4000  }
0x67: {  	[sflag:s22] =	ssyncset.done $0x0  }
0x68: {  	[sflag:s22] =	ssyncadd.s32 $0xFFFFC000  }
0x69: {  	_ =	swait.ge [sflag:s22], $0x4000  }
0x6a: {  	[sflag:s22] =	ssyncset.done $0x0  }
0x6b: {  	[sflag:s22] =	ssyncadd.s32 $0xFFFFC000  }
0x6c: {  	_ =	swait.ge [sflag:s22], $0x4000  }
0x6d: {  	[sflag:s22] =	ssyncset.done $0x0  }
0x6e: {  	[sflag:s22] =	ssyncadd.s32 $0xFFFFC000  }
0x6f: {  	_ =	swait.ge [sflag:s22], $0x4000  }
0x70: {  	s24 =	simm.s32 $0x80;
	s26 =	simm.s32 $0x100;
	[sflag:s22] =	ssyncset.done $0x0  }
.LBB2_6:
0x71: {  	s28 =	sadd.s32 s24, s11  }
0x72: {  	[sflag:s22] =	ssyncadd.s32 $0xFFFFC000;
	s24 =	smov.u32 s26;
	s25 =	sadd.s32 $0x80, s26  }
0x73: {  	[tilespmem:s3], [sflag:$0x2] =	stream.linear.gather [hbm4b:s28+s3], $0x400, $0x38;
	[tilespmem:$0x1C800] =	vst v63  }
0x74: {  	p0 =	sne.s32 s26, $0x980;
	_ =	swait.ge [sflag:s13], $0x400  }
0x75: {  	[sflag:s13] =	ssyncset.done $0x0  }
0x76: {  	[sflag:s13] =	ssyncadd.s32 $0xFFFFFC00  }
0x77: {  	[spmem:s2] =	stream.indirect.scatter.add.f32 [tilespmem:s15], [sflag:$0x1], $0x80, s3, s14, $0xb8;
	[tilespmem:$0x1C800] =	vst v63  }
0x78: {  	_ = 	snop  }
0x79: {  	[spmem:s2] =	stream.indirect.scatter.add.f32 [tilespmem:s15], [sflag:$0x1], $0x80, s14, s14, $0xb8;
	[tilespmem:$0x1C800] =	vst v63  }
0x7a: {  	_ = 	snop  }
0x7b: {  	[spmem:s2] =	stream.indirect.scatter.add.f32 [tilespmem:s15], [sflag:$0x1], $0x80, s16, s14, $0xb8;
	[tilespmem:$0x1C800] =	vst v63  }
0x7c: {  	_ = 	snop  }
0x7d: {  	[spmem:s2] =	stream.indirect.scatter.add.f32 [tilespmem:s15], [sflag:$0x1], $0x80, s17, s14, $0xb8;
	[tilespmem:$0x1C800] =	vst v63  }
0x7e: {  	_ = 	snop  }
0x7f: {  	[spmem:s2] =	stream.indirect.scatter.add.f32 [tilespmem:s15], [sflag:$0x1], $0x80, s18, s14, $0xb8;
	[tilespmem:$0x1C800] =	vst v63  }
0x80: {  	_ = 	snop  }
0x81: {  	[spmem:s2] =	stream.indirect.scatter.add.f32 [tilespmem:s15], [sflag:$0x1], $0x80, s19, s14, $0xb8;
	[tilespmem:$0x1C800] =	vst v63  }
0x82: {  	_ = 	snop  }
0x83: {  	[spmem:s2] =	stream.indirect.scatter.add.f32 [tilespmem:s15], [sflag:$0x1], $0x80, s20, s14, $0xb8;
	[tilespmem:$0x1C800] =	vst v63  }
0x84: {  	_ = 	snop  }
0x85: {  	[spmem:s2] =	stream.indirect.scatter.add.f32 [tilespmem:s15], [sflag:$0x1], $0x80, s21, s14, $0xb8;
	[tilespmem:$0x1C800] =	vst v63  }
0x86: {  	_ =	swait.ge [sflag:s22], $0x4000  }
0x87: {  	[sflag:s22] =	ssyncset.done $0x0  }
0x88: {  	[sflag:s22] =	ssyncadd.s32 $0xFFFFC000  }
0x89: {  	_ =	swait.ge [sflag:s22], $0x4000  }
0x8a: {  	[sflag:s22] =	ssyncset.done $0x0  }
0x8b: {  	[sflag:s22] =	ssyncadd.s32 $0xFFFFC000  }
0x8c: {  	_ =	swait.ge [sflag:s22], $0x4000  }
0x8d: {  	[sflag:s22] =	ssyncset.done $0x0  }
0x8e: {  	[sflag:s22] =	ssyncadd.s32 $0xFFFFC000  }
0x8f: {  	_ =	swait.ge [sflag:s22], $0x4000  }
0x90: {  	[sflag:s22] =	ssyncset.done $0x0  }
0x91: {  	[sflag:s22] =	ssyncadd.s32 $0xFFFFC000  }
0x92: {  	_ =	swait.ge [sflag:s22], $0x4000  }
0x93: {  	[sflag:s22] =	ssyncset.done $0x0  }
0x94: {  	[sflag:s22] =	ssyncadd.s32 $0xFFFFC000  }
0x95: {  	_ =	swait.ge [sflag:s22], $0x4000  }
0x96: {  	[sflag:s22] =	ssyncset.done $0x0  }
0x97: {  	[sflag:s22] =	ssyncadd.s32 $0xFFFFC000  }
.Ltmp2:
0x98: {  	_ =	swait.ge [sflag:s22], $0x4000;
	(pc) =	sbr.rel @p0 .LBB2_6-.Ltmp2, $4  }
0x99: {  	[sflag:s22] =	ssyncset.done $0x0  }
0x9a: {  	[sflag:s22] =	ssyncadd.s32 $0xFFFFC000  }
0x9b: {  	_ =	swait.ge [sflag:s22], $0x4000  }
0x9c: {  	s26 =	smov.u32 s25;
	[sflag:s22] =	ssyncset.done $0x0  }
0x9d: {  	s24 =	sadd.s32 s24, s11;
	[sflag:s22] =	ssyncadd.s32 $0xFFFFC000  }
0x9e: {  	[tilespmem:s3], [sflag:$0x2] =	stream.linear.gather [hbm4b:s24+s3], $0x400, $0x38;
	[tilespmem:$0x1C800] =	vst v63  }
0x9f: {  	_ =	swait.ge [sflag:s13], $0x400  }
0xa0: {  	[sflag:s13] =	ssyncset.done $0x0  }
0xa1: {  	[sflag:s13] =	ssyncadd.s32 $0xFFFFFC00  }
0xa2: {  	[spmem:s2] =	stream.indirect.scatter.add.f32 [tilespmem:s15], [sflag:$0x1], $0x80, s3, s14, $0xb8;
	[tilespmem:$0x1C800] =	vst v63  }
0xa3: {  	_ = 	snop  }
0xa4: {  	[spmem:s2] =	stream.indirect.scatter.add.f32 [tilespmem:s15], [sflag:$0x1], $0x80, s14, s14, $0xb8;
	[tilespmem:$0x1C800] =	vst v63  }
0xa5: {  	_ = 	snop  }
0xa6: {  	[spmem:s2] =	stream.indirect.scatter.add.f32 [tilespmem:s15], [sflag:$0x1], $0x80, s16, s14, $0xb8;
	[tilespmem:$0x1C800] =	vst v63  }
0xa7: {  	_ = 	snop  }
0xa8: {  	[spmem:s2] =	stream.indirect.scatter.add.f32 [tilespmem:s15], [sflag:$0x1], $0x80, s17, s14, $0xb8;
	[tilespmem:$0x1C800] =	vst v63  }
0xa9: {  	_ = 	snop  }
0xaa: {  	[spmem:s2] =	stream.indirect.scatter.add.f32 [tilespmem:s15], [sflag:$0x1], $0x80, s18, s14, $0xb8;
	[tilespmem:$0x1C800] =	vst v63  }
0xab: {  	_ = 	snop  }
0xac: {  	[spmem:s2] =	stream.indirect.scatter.add.f32 [tilespmem:s15], [sflag:$0x1], $0x80, s19, s14, $0xb8;
	[tilespmem:$0x1C800] =	vst v63  }
0xad: {  	_ = 	snop  }
0xae: {  	[spmem:s2] =	stream.indirect.scatter.add.f32 [tilespmem:s15], [sflag:$0x1], $0x80, s20, s14, $0xb8;
	[tilespmem:$0x1C800] =	vst v63  }
0xaf: {  	_ = 	snop  }
0xb0: {  	[spmem:s2] =	stream.indirect.scatter.add.f32 [tilespmem:s15], [sflag:$0x1], $0x80, s21, s14, $0xb8;
	[tilespmem:$0x1C800] =	vst v63  }
0xb1: {  	_ =	swait.ge [sflag:s22], $0x4000  }
0xb2: {  	[sflag:s22] =	ssyncset.done $0x0  }
0xb3: {  	[sflag:s22] =	ssyncadd.s32 $0xFFFFC000  }
0xb4: {  	_ =	swait.ge [sflag:s22], $0x4000  }
0xb5: {  	[sflag:s22] =	ssyncset.done $0x0  }
0xb6: {  	[sflag:s22] =	ssyncadd.s32 $0xFFFFC000  }
0xb7: {  	_ =	swait.ge [sflag:s22], $0x4000  }
0xb8: {  	[sflag:s22] =	ssyncset.done $0x0  }
0xb9: {  	[sflag:s22] =	ssyncadd.s32 $0xFFFFC000  }
0xba: {  	_ =	swait.ge [sflag:s22], $0x4000  }
0xbb: {  	[sflag:s22] =	ssyncset.done $0x0  }
0xbc: {  	[sflag:s22] =	ssyncadd.s32 $0xFFFFC000  }
0xbd: {  	_ =	swait.ge [sflag:s22], $0x4000  }
0xbe: {  	[sflag:s22] =	ssyncset.done $0x0  }
0xbf: {  	[sflag:s22] =	ssyncadd.s32 $0xFFFFC000  }
0xc0: {  	_ =	swait.ge [sflag:s22], $0x4000  }
0xc1: {  	[sflag:s22] =	ssyncset.done $0x0  }
0xc2: {  	[sflag:s22] =	ssyncadd.s32 $0xFFFFC000  }
0xc3: {  	_ =	swait.ge [sflag:s22], $0x4000  }
0xc4: {  	[sflag:s22] =	ssyncset.done $0x0  }
0xc5: {  	[sflag:s22] =	ssyncadd.s32 $0xFFFFC000  }
0xc6: {  	_ =	swait.ge [sflag:s22], $0x4000  }
0xc7: {  	s31 =	sshll.u32 s0, $0x6;
	s23 =	sadd.s32 $0x1, s23;
	[sflag:s22] =	ssyncset.done $0x0  }
0xc8: {  	s25 =	sshrl.u32 s4, $0x3;
	p0 =	sne.s32 s23, s10;
	[sflag:s22] =	ssyncadd.s32 $0xFFFFC000  }
.Ltmp3:
0xc9: {  	s24 =	sor.u32 $0x1C02, s31;
	[bflag:$0x0] =	sbarrier.arrive $0xFFFF;
	(pc) =	sbr.rel @p0 .LBB2_1-.Ltmp3, $4  }
0xca: {  	[hbm:s9], [sflag:s24] =	dma.local [spmem:s25], $0x2800  }
0xcb: {  	_ =	swait.ge [sflag:s13], $0x2800  }
0xcc: {  	[sflag:s13] =	ssyncset.done $0x0  }
0xcd: {  	[sflag:s13] =	ssyncadd.s32 $0xFFFFD800  }
0xce: {  	_ =	sfence.sel $0x180000  }
0xcf: {  	[bflag:$0x0] =	sbarrier.arrive $0xFFFF  }
0xd0: {  	p0 =	sne.s32 s0, $0x0;
	_ =	strace $0x9000004A  }
0xd1: {  	s0 =	sadd.s32 @!p0 $0x100000, s1;
	[bflag:$0x2] =	sbarrier.arrive $0xFFFF  }
0xd2: {  	[sflag:s0] =	ssyncadd.tile.s32 @!p0 $0x1;
	_ =	shalt  }
.Lfunc_end2:
_tile_overlayer_lowered:
.L_overlay_start_2:
0xd3: {  	(tag) =	ssettag $0x2  }
0xd4: {  	s0 =	rddreg [dreg:$0x0];
	s2 =	stileid.u32  }
0xd5: {  	s1 =	rddreg [dreg:$0x1];
	p0 =	sne.s32 s2, $0x0  }
0xd6: {  	s3 =	rddreg [dreg:$0x2];
	[bflag:$0x3] =	sbarrier.arrive $0xFFFF;
	s2 =	simm.s32 @!p0 $0x1C02  }
0xd7: {  	[timem:s3], [sflag:s2] =	dma.local @!p0 [hbm:s0], s1  }
0xd8: {  	s0 =	simm.s32 @!p0 $0x2  }
0xd9: {  	_ =	swait.ge @!p0 [sflag:s0], s1  }
0xda: {  	s1 =	ssub.s32 @!p0 $0x0, s1;
	[sflag:s0] =	ssyncset.done @!p0 $0x0  }
0xdb: {  	[sflag:s0] =	ssyncadd.s32 @!p0 s1  }
0xdc: {  	[bflag:$0x3] =	sbarrier.arrive $0xFFFF  }
0xdd: {  	_ =	shalt  }

</sc_bundles>
